<compile_context>
chip_gen: v7x
topology: tpu7x:2x2x1
jax: 0.10.2.dev20260603
libtpu: 0.0.44.dev20260713+nightly
codegen_flags: <defaults>
</compile_context>

<pallas_src>
import functools

import jax
import jax.numpy as jnp
from jax import lax
from jax.experimental import pallas as pl
from jax.experimental.pallas import tpu as pltpu
from jax.experimental.pallas import tpu_sc as plsc

_NC = 2
_NS = 16
_CH = 128


def _sc_segment_sums(tables, keys, distp, zeros_h2, zeros_de, ones_src,
                     NP, RT, EW):
    DH = tables.shape[2]
    DE = distp.shape[1]
    NB = 16
    nblocks = EW // (_CH * NB)
    f32 = jnp.float32
    mesh = plsc.VectorSubcoreMesh(core_axis_name="c", subcore_axis_name="s")
    out_type = [
        jax.ShapeDtypeStruct((_NC, NP, DH), f32),
        jax.ShapeDtypeStruct((_NC, NP, DE), f32),
        jax.ShapeDtypeStruct((_NC, NP, DE), f32),
    ]
    scratch_types = [
        pltpu.VMEM((NB, _CH), jnp.int32),
        pltpu.VMEM((NB, _CH), jnp.int32),
        pltpu.VMEM((NB, _CH), jnp.int32),
        pltpu.VMEM((NB * _CH, DE), f32),
        pltpu.VMEM((_CH, DH), f32),
        pltpu.VMEM((_CH, DH), f32),
        pltpu.VMEM((_CH, DE), f32),
        pltpu.VMEM_SHARED((NP, DH), f32),
        pltpu.VMEM_SHARED((NP, DE), f32),
        pltpu.VMEM_SHARED((NP, DE), f32),
        pltpu.SemaphoreType.DMA,
        pltpu.SemaphoreType.DMA,
        pltpu.SemaphoreType.DMA,
        pltpu.SemaphoreType.DMA,
    ]

    @functools.partial(pl.kernel, mesh=mesh, out_type=out_type,
                       scratch_types=scratch_types,
                       compiler_params=pltpu.CompilerParams(
                           use_tc_tiling_on_sc=False))
    def sck(tables_h, keys_h, distp_h, zeros_h2_h, zeros_de_h, ones_h,
            o_nbr, o_ds, o_ct,
            self_b, nbr_b, key_b, dist_b, rows0, rows1, ones_v,
            a_nbr, a_ds, a_ct, sem0, sem1, sem_r, sem_s):
        c = lax.axis_index("c")
        s = lax.axis_index("s")
        r0 = s * RT
        pltpu.sync_copy(zeros_h2_h, a_nbr.at[pl.ds(r0, RT), :])
        pltpu.sync_copy(zeros_de_h, a_ds.at[pl.ds(r0, RT), :])
        pltpu.sync_copy(zeros_de_h, a_ct.at[pl.ds(r0, RT), :])
        pltpu.sync_copy(ones_h, ones_v)
        plsc.subcore_barrier()

        chunk0 = s * (EW // _CH)
        rows = (rows0, rows1)
        sems = (sem0, sem1)

        def body(b, carry):
            crow = chunk0 + b * NB
            eoff = crow * _CH
            pltpu.sync_copy(keys_h.at[0, pl.ds(crow, NB), :], self_b)
            pltpu.sync_copy(keys_h.at[1, pl.ds(crow, NB), :], nbr_b)
            pltpu.sync_copy(keys_h.at[c, pl.ds(crow, NB), :], key_b)
            pltpu.sync_copy(distp_h.at[pl.ds(eoff, NB * _CH), :], dist_b)
            pend = pltpu.async_copy(
                tables_h.at[c].at[nbr_b.at[0]], rows[0], sems[0])
            row_sc = None
            small_sc = []
            for j in range(NB):
                nxt = None
                if j + 1 < NB:
                    if row_sc is not None:
                        row_sc.wait()
                        row_sc = None
                    nxt = pltpu.async_copy(
                        tables_h.at[c].at[nbr_b.at[j + 1]],
                        rows[(j + 1) % 2], sems[(j + 1) % 2])
                pend.wait()
                pend = nxt
                prev = row_sc
                row_sc = pltpu.async_copy(
                    rows[j % 2], a_nbr.at[self_b.at[j]], sem_r, add=True)
                if prev is not None:
                    prev.wait()
                small_sc.append(pltpu.async_copy(
                    dist_b.at[pl.ds(j * _CH, _CH), :],
                    a_ds.at[key_b.at[j]], sem_s, add=True))
                small_sc.append(pltpu.async_copy(
                    ones_v, a_ct.at[key_b.at[j]], sem_s, add=True))
            row_sc.wait()
            for d in small_sc:
                d.wait()
            return carry

        lax.fori_loop(0, nblocks, body, 0)
        plsc.subcore_barrier()
        pltpu.sync_copy(a_nbr.at[pl.ds(r0, RT), :], o_nbr.at[c, pl.ds(r0, RT), :])
        pltpu.sync_copy(a_ds.at[pl.ds(r0, RT), :], o_ds.at[c, pl.ds(r0, RT), :])
        pltpu.sync_copy(a_ct.at[pl.ds(r0, RT), :], o_ct.at[c, pl.ds(r0, RT), :])

    return sck(tables, keys, distp, zeros_h2, zeros_de, ones_src)


def _gram128(Rm, DE):
    BLK = 4096
    M = -(-Rm.shape[0] // BLK) * BLK
    if M != Rm.shape[0]:
        Rm = jnp.pad(Rm, ((0, M - Rm.shape[0]), (0, 0)))
    nblk = 128 // DE

    def gk(r_ref, o_ref):
        @pl.when(pl.program_id(0) == 0)
        def _init():
            o_ref[...] = jnp.zeros_like(o_ref)

        x = r_ref[...]
        o_ref[...] += lax.dot_general(
            x, x, (((0,), (0,)), ((), ())), preferred_element_type=jnp.float32)

    g128 = pl.pallas_call(
        gk,
        grid=(M // BLK,),
        in_specs=[pl.BlockSpec((BLK, 128), lambda i: (i, 0))],
        out_specs=pl.BlockSpec((128, 128), lambda i: (0, 0)),
        out_shape=jax.ShapeDtypeStruct((128, 128), jnp.float32),
    )(Rm)
    return sum(g128[DE * i:DE * (i + 1), DE * i:DE * (i + 1)]
               for i in range(nblk))


def _fused_dense(atom, nbrp, dsp, ctp, gdd_in,
                 w1a, w1b, b1, g1, be1, w2, b2, g2, be2, N, E):
    D = atom.shape[1]
    DH = D // 2
    DE = w1b.shape[1]
    Ef = float(E)

    def bk(atom_r, nbr_r, ds_r, ct_r, gdd_r,
           w1a0_r, w1a1_r, w1a_r, w1b_r, b1_r, g1_r, be1_r, w2_r, b2_r,
           g2_r, be2_r, o_r):
        nbr0 = nbr_r[0, :N, :]
        nbr1 = nbr_r[1, :N, :]
        dst = ds_r[0, :N, :]
        sv = ds_r[1, :N, :]
        cnt = ct_r[0, :N, 0:1]
        cb = ct_r[1, :N, 0:1]
        atom_v = atom_r[...]
        w1a0_v = w1a0_r[...]
        w1a1_v = w1a1_r[...]
        w1b_v = w1b_r[...]
        b1_v = b1_r[...]
        cc = jnp.maximum(cnt, 1.0)
        fea_pre = (
            lax.dot_general(nbr0 / cc, w1a0_v, (((1,), (1,)), ((), ())),
                            preferred_element_type=jnp.float32)
            + lax.dot_general(nbr1 / cc, w1a1_v, (((1,), (1,)), ((), ())),
                              preferred_element_type=jnp.float32)
            + lax.dot_general(dst / cc, w1b_v, (((1,), (1,)), ((), ())),
                              preferred_element_type=jnp.float32)
            + b1_v)
        g_nbr0 = jnp.sum(nbr0, axis=0, keepdims=True)
        g_nbr1 = jnp.sum(nbr1, axis=0, keepdims=True)
        g_dist = jnp.sum(dst, axis=0, keepdims=True)
        m1 = (
            lax.dot_general(g_nbr0, w1a0_v, (((1,), (1,)), ((), ())),
                            preferred_element_type=jnp.float32)
            + lax.dot_general(g_nbr1, w1a1_v, (((1,), (1,)), ((), ())),
                              preferred_element_type=jnp.float32)
            + lax.dot_general(g_dist, w1b_v, (((1,), (1,)), ((), ())),
                              preferred_element_type=jnp.float32)
        ) / Ef + b1_v
        gaa = lax.dot_general(atom_v * cb, atom_v, (((0,), (0,)), ((), ())),
                              preferred_element_type=jnp.float32)
        gad = lax.dot_general(atom_v, sv, (((0,), (0,)), ((), ())),
                              preferred_element_type=jnp.float32)
        gdd = gdd_r[...]
        w1a_v = w1a_r[...]
        t1 = lax.dot_general(w1a_v, gaa, (((1,), (0,)), ((), ())),
                             preferred_element_type=jnp.float32)
        t2 = lax.dot_general(w1a_v, gad, (((1,), (0,)), ((), ())),
                             preferred_element_type=jnp.float32)
        t3 = lax.dot_general(w1b_v, gdd, (((1,), (0,)), ((), ())),
                             preferred_element_type=jnp.float32)
        wgw = (jnp.sum(t1 * w1a_v, axis=1) + 2.0 * jnp.sum(t2 * w1b_v, axis=1)
               + jnp.sum(t3 * w1b_v, axis=1))
        m1f = m1[0, :]
        v1 = wgw / Ef + 2.0 * b1_v * m1f - b1_v * b1_v - m1f * m1f
        s1 = g1_r[...] / jnp.sqrt(v1 + 1e-5)
        mask = (cnt > 0.0).astype(jnp.float32)
        fea_summed = ((fea_pre - m1f) * s1 + be1_r[...]) * mask
        z = atom_v * mask
        h = lax.dot_general(z, w2_r[...], (((1,), (1,)), ((), ())),
                            preferred_element_type=jnp.float32) + b2_r[...]
        m2 = jnp.mean(h, axis=0)
        d2 = h - m2
        v2 = jnp.mean(d2 * d2, axis=0)
        xbn = d2 / jnp.sqrt(v2 + 1e-5) * g2_r[...] + be2_r[...] + fea_summed
        o_r[...] = jnp.maximum(xbn, 0.0) + jnp.log1p(jnp.exp(-jnp.abs(xbn)))

    return pl.pallas_call(
        bk,
        out_shape=jax.ShapeDtypeStruct((N, D), jnp.float32),
        compiler_params=pltpu.CompilerParams(
            vmem_limit_bytes=100 * 1024 * 1024),
    )(atom, nbrp, dsp, ctp, gdd_in,
      w1a[:, :DH], w1a[:, DH:], w1a, w1b, b1, g1, be1, w2, b2, g2, be2)


def kernel(atom_fea, nbr_dist_fea, nbr_adj_value, nbr_bond_type, self_fea_idx,
           nbr_fea_idx, ads_atom_idx, W1, b1, g1, be1, W2, b2, g2, be2):
    N, D = atom_fea.shape
    E, DE = nbr_dist_fea.shape
    DH = D // 2
    EW = -(-E // (_NS * _CH * 16)) * _CH * 16
    EP = EW * _NS
    RT = -(-(N + 1) // (_NS * 8)) * 8
    NP = RT * _NS

    f32 = jnp.float32
    selfp = jnp.pad(self_fea_idx.astype(jnp.int32), (0, EP - E),
                    constant_values=N)
    nbrp = jnp.pad(nbr_fea_idx.astype(jnp.int32), (0, EP - E),
                   constant_values=N)
    keys = jnp.stack([selfp, nbrp]).reshape(2, EP // _CH, _CH)
    distp = jnp.pad(nbr_dist_fea.astype(f32), ((0, EP - E), (0, 0)))
    table = jnp.pad(atom_fea.astype(f32), ((0, NP - N), (0, 0)))
    tables = jnp.stack([table[:, :DH], table[:, DH:]])
    zeros_h2 = jnp.zeros((RT, DH), f32)
    zeros_de = jnp.zeros((RT, DE), f32)
    ones_src = jnp.ones((_CH, DE), f32)

    nbr_part, ds_part, ct_part = _sc_segment_sums(
        tables, keys, distp, zeros_h2, zeros_de, ones_src, NP, RT, EW)

    gdd = _gram128(distp.reshape(EP * DE // 128, 128), DE)

    out = _fused_dense(
        atom_fea.astype(f32), nbr_part, ds_part, ct_part,
        gdd, W1[:, :D], W1[:, D:], b1, g1, be1, W2, b2, g2, be2, N, E)
    return out

# --- scband reference (transcript-rebuilt; emitter-appended) ---
"""Pipeline reference for scband-conv-layer-6777458393320 (READ-ONLY COPY).

The authoritative reference and input builder live on the scoring server;
editing this copy changes nothing except your own understanding.
"""

import jax, jax.numpy as jnp
import numpy as np

N = 10000
E = 320000
D = 128
DE = 16


def _scatter_mean(data, idx, n):
    sums = jax.ops.segment_sum(data, idx, num_segments=n)
    cnt = jax.ops.segment_sum(jnp.ones((data.shape[0], 1), dtype=data.dtype), idx, num_segments=n)
    return sums / jnp.clip(cnt, 1.0)


def _batchnorm(x, gamma, beta, eps=1e-5):
    m = jnp.mean(x, axis=0)
    v = jnp.var(x, axis=0)
    return (x - m) / jnp.sqrt(v + eps) * gamma + beta


def setup_inputs(seed: int = 0) -> dict:
    key = jax.random.key(seed)
    ks = [jax.random.fold_in(key, i) for i in range(16)]
    atom_fea = jax.random.normal(ks[0], (N, D), dtype=jnp.float32)
    nbr_dist_fea = jax.random.normal(ks[1], (E, DE), dtype=jnp.float32)
    nbr_adj_value = jax.random.uniform(ks[2], (E,), dtype=jnp.float32)
    nbr_bond_type = jax.random.randint(ks[3], (N,), 0, 4, dtype=jnp.int64) if jax.config.jax_enable_x64 else jax.random.randint(ks[3], (N,), 0, 4, dtype=jnp.int32)
    self_fea_idx = jnp.sort(jax.random.randint(ks[4], (E,), 0, N, dtype=jnp.int32))
    nbr_fea_idx = jax.random.randint(ks[5], (E,), 0, N, dtype=jnp.int32)
    ads_atom_idx = jax.random.randint(ks[6], (N,), 0, N, dtype=jnp.int32)
    W1 = jax.random.normal(ks[7], (D, D + DE), dtype=jnp.float32) * 0.05
    b1 = jnp.zeros((D,), dtype=jnp.float32)
    W2 = jax.random.normal(ks[8], (D, D), dtype=jnp.float32) * 0.05
    b2 = jnp.zeros((D,), dtype=jnp.float32)
    g1 = jnp.ones((D,), dtype=jnp.float32)
    be1 = jnp.zeros((D,), dtype=jnp.float32)
    g2 = jnp.ones((D,), dtype=jnp.float32)
    be2 = jnp.zeros((D,), dtype=jnp.float32)
    return {
        "atom_fea": atom_fea,
        "nbr_dist_fea": nbr_dist_fea,
        "nbr_adj_value": nbr_adj_value,
        "nbr_bond_type": nbr_bond_type,
        "self_fea_idx": self_fea_idx,
        "nbr_fea_idx": nbr_fea_idx,
        "ads_atom_idx": ads_atom_idx,
        "W1": W1, "b1": b1, "g1": g1, "be1": be1,
        "W2": W2, "b2": b2, "g2": g2, "be2": be2,
    }


def reference(atom_fea, nbr_dist_fea, nbr_adj_value, nbr_bond_type, self_fea_idx, nbr_fea_idx, ads_atom_idx, W1, b1, g1, be1, W2, b2, g2, be2):
    # gather self and neighbor node features per edge
    atom_self_fea = atom_fea[self_fea_idx, :]
    atom_nbr_fea = atom_fea[nbr_fea_idx, :]
    # faithful to original: computed but unused downstream
    atom_bond_type = nbr_bond_type.reshape(-1, 1)[nbr_fea_idx, :].astype(jnp.float64) if jax.config.jax_enable_x64 else nbr_bond_type.reshape(-1, 1)[nbr_fea_idx, :].astype(jnp.float32)
    del atom_bond_type
    total_fea = jnp.concatenate([atom_nbr_fea, nbr_dist_fea], axis=1)
    total_fea = total_fea @ W1.T + b1
    total_fea = _batchnorm(total_fea, g1, be1)
    # computed but unused in original forward
    nbr_fea_mean = _scatter_mean(atom_nbr_fea, self_fea_idx, N)
    del nbr_fea_mean
    fea_summed = _scatter_mean(total_fea, self_fea_idx, N)
    node_summed = _scatter_mean(atom_self_fea, self_fea_idx, N)
    node_summed = node_summed @ W2.T + b2
    node_summed = _batchnorm(node_summed, g2, be2)
    out = jax.nn.softplus(node_summed + fea_summed)
    return out

if __name__ == "__main__":
    import jax
    _d = setup_inputs()
    print(jax.jit(kernel)(*tuple(_d.values())))

</pallas_src>

<mosaic_0001>
#map = affine_map<(d0, d1) -> (0, 0, 0)>
#map1 = affine_map<(d0, d1) -> (0, 0)>
module attributes {stable_mosaic.version = 14 : i64} {
  func.func @sck(%arg0: i32, %arg1: i32, %arg2: memref<2x10112x64xf32, #tpu.memory_space<hbm>>, %arg3: memref<2x2560x128xi32, #tpu.memory_space<hbm>>, %arg4: memref<327680x16xf32, #tpu.memory_space<hbm>>, %arg5: memref<632x64xf32, #tpu.memory_space<hbm>>, %arg6: memref<632x16xf32, #tpu.memory_space<hbm>>, %arg7: memref<128x16xf32, #tpu.memory_space<hbm>>, %arg8: memref<2x10112x64xf32, #tpu.memory_space<hbm>>, %arg9: memref<2x10112x16xf32, #tpu.memory_space<hbm>>, %arg10: memref<2x10112x16xf32, #tpu.memory_space<hbm>>, %arg11: memref<16x128xi32, #tpu.memory_space<vmem>>, %arg12: memref<16x128xi32, #tpu.memory_space<vmem>>, %arg13: memref<16x128xi32, #tpu.memory_space<vmem>>, %arg14: memref<2048x16xf32, #tpu.memory_space<vmem>>, %arg15: memref<128x64xf32, #tpu.memory_space<vmem>>, %arg16: memref<128x64xf32, #tpu.memory_space<vmem>>, %arg17: memref<128x16xf32, #tpu.memory_space<vmem>>, %arg18: memref<10112x64xf32, #tpu.memory_space<vmem_shared>>, %arg19: memref<10112x16xf32, #tpu.memory_space<vmem_shared>>, %arg20: memref<10112x16xf32, #tpu.memory_space<vmem_shared>>, %arg21: memref<!tpu.dma_semaphore, #tpu.memory_space<semaphore_mem>>, %arg22: memref<!tpu.dma_semaphore, #tpu.memory_space<semaphore_mem>>, %arg23: memref<!tpu.dma_semaphore, #tpu.memory_space<semaphore_mem>>, %arg24: memref<!tpu.dma_semaphore, #tpu.memory_space<semaphore_mem>>) attributes {dimension_semantics = [#tpu.dimension_semantics<core_parallel>, #tpu.dimension_semantics<subcore_parallel>], iteration_bounds = array<i64: 2, 16>, scalar_prefetch = 0 : i64, scratch_operands = 14 : i64, tpu.core_type = #tpu.core_type<sc_vector_subcore>, window_params = [{transform_indices = #map}, {transform_indices = #map}, {transform_indices = #map1}, {transform_indices = #map1}, {transform_indices = #map1}, {transform_indices = #map1}, {transform_indices = #map}, {transform_indices = #map}, {transform_indices = #map}]} {
    %mul3A = arith.constant 632 : i32
    %mul3A_0 = arith.muli %arg1, %mul3A : i32
    "tpu.region"() ({
      %run_scoped3A = tpu.sem_alloc : memref<!tpu.dma_semaphore, #tpu.memory_space<semaphore_mem>>
      %dma_start3A = arith.constant 0 : i32
      %dma_start3A_9 = tpu.memref_slice %arg18[%mul3A_0, %dma_start3A] : memref<10112x64xf32, #tpu.memory_space<vmem_shared>> -> memref<632x64xf32, #tpu.memory_space<vmem_shared>>
      tpu.enqueue_dma source(%arg5 : memref<632x64xf32, #tpu.memory_space<hbm>>) target(%dma_start3A_9 : memref<632x64xf32, #tpu.memory_space<vmem_shared>>) target_semaphore(%run_scoped3A : memref<!tpu.dma_semaphore, #tpu.memory_space<semaphore_mem>>)
      %dma_wait3A = arith.constant 0 : i32
      %dma_wait3A_10 = tpu.memref_slice %arg18[%mul3A_0, %dma_wait3A] : memref<10112x64xf32, #tpu.memory_space<vmem_shared>> -> memref<632x64xf32, #tpu.memory_space<vmem_shared>>
      tpu.wait_dma2 semaphore(%run_scoped3A : memref<!tpu.dma_semaphore, #tpu.memory_space<semaphore_mem>>) src(%arg5 : memref<632x64xf32, #tpu.memory_space<hbm>>) dst(%dma_wait3A_10 : memref<632x64xf32, #tpu.memory_space<vmem_shared>>)
      tpu.yield
    }) : () -> ()
    "tpu.region"() ({
      %run_scoped3A = tpu.sem_alloc : memref<!tpu.dma_semaphore, #tpu.memory_space<semaphore_mem>>
      %dma_start3A = arith.constant 0 : i32
      %dma_start3A_9 = tpu.memref_slice %arg19[%mul3A_0, %dma_start3A] : memref<10112x16xf32, #tpu.memory_space<vmem_shared>> -> memref<632x16xf32, #tpu.memory_space<vmem_shared>>
      tpu.enqueue_dma source(%arg6 : memref<632x16xf32, #tpu.memory_space<hbm>>) target(%dma_start3A_9 : memref<632x16xf32, #tpu.memory_space<vmem_shared>>) target_semaphore(%run_scoped3A : memref<!tpu.dma_semaphore, #tpu.memory_space<semaphore_mem>>)
      %dma_wait3A = arith.constant 0 : i32
      %dma_wait3A_10 = tpu.memref_slice %arg19[%mul3A_0, %dma_wait3A] : memref<10112x16xf32, #tpu.memory_space<vmem_shared>> -> memref<632x16xf32, #tpu.memory_space<vmem_shared>>
      tpu.wait_dma2 semaphore(%run_scoped3A : memref<!tpu.dma_semaphore, #tpu.memory_space<semaphore_mem>>) src(%arg6 : memref<632x16xf32, #tpu.memory_space<hbm>>) dst(%dma_wait3A_10 : memref<632x16xf32, #tpu.memory_space<vmem_shared>>)
      tpu.yield
    }) : () -> ()
    "tpu.region"() ({
      %run_scoped3A = tpu.sem_alloc : memref<!tpu.dma_semaphore, #tpu.memory_space<semaphore_mem>>
      %dma_start3A = arith.constant 0 : i32
      %dma_start3A_9 = tpu.memref_slice %arg20[%mul3A_0, %dma_start3A] : memref<10112x16xf32, #tpu.memory_space<vmem_shared>> -> memref<632x16xf32, #tpu.memory_space<vmem_shared>>
      tpu.enqueue_dma source(%arg6 : memref<632x16xf32, #tpu.memory_space<hbm>>) target(%dma_start3A_9 : memref<632x16xf32, #tpu.memory_space<vmem_shared>>) target_semaphore(%run_scoped3A : memref<!tpu.dma_semaphore, #tpu.memory_space<semaphore_mem>>)
      %dma_wait3A = arith.constant 0 : i32
      %dma_wait3A_10 = tpu.memref_slice %arg20[%mul3A_0, %dma_wait3A] : memref<10112x16xf32, #tpu.memory_space<vmem_shared>> -> memref<632x16xf32, #tpu.memory_space<vmem_shared>>
      tpu.wait_dma2 semaphore(%run_scoped3A : memref<!tpu.dma_semaphore, #tpu.memory_space<semaphore_mem>>) src(%arg6 : memref<632x16xf32, #tpu.memory_space<hbm>>) dst(%dma_wait3A_10 : memref<632x16xf32, #tpu.memory_space<vmem_shared>>)
      tpu.yield
    }) : () -> ()
    "tpu.region"() ({
      %run_scoped3A = tpu.sem_alloc : memref<!tpu.dma_semaphore, #tpu.memory_space<semaphore_mem>>
      tpu.enqueue_dma source(%arg7 : memref<128x16xf32, #tpu.memory_space<hbm>>) target(%arg17 : memref<128x16xf32, #tpu.memory_space<vmem>>) target_semaphore(%run_scoped3A : memref<!tpu.dma_semaphore, #tpu.memory_space<semaphore_mem>>)
      tpu.wait_dma2 semaphore(%run_scoped3A : memref<!tpu.dma_semaphore, #tpu.memory_space<semaphore_mem>>) src(%arg7 : memref<128x16xf32, #tpu.memory_space<hbm>>) dst(%arg17 : memref<128x16xf32, #tpu.memory_space<vmem>>)
      tpu.yield
    }) : () -> ()
    %barrier3A = arith.constant 0 : index
    tpu.barrier barrier_id(%barrier3A)
    %mul3A_1 = arith.constant 160 : i32
    %mul3A_2 = arith.muli %arg1, %mul3A_1 : i32
    %scan3A = arith.constant 0 : i32
    %scan3A_3 = arith.constant 0 : i32
    %scan3A_4 = arith.constant 10 : i32
    %scan3A_5 = arith.addi %scan3A_3, %scan3A_4 : i32
    %scan3A_6 = arith.constant 1 : i32
    scf.for %scan3A_9 = %scan3A_3 to %scan3A_5 step %scan3A_6  : i32 {
      %mul3A_10 = arith.constant 16 : i32
      %mul3A_11 = arith.muli %scan3A_9, %mul3A_10 : i32
      %add3A = arith.addi %mul3A_2, %mul3A_11 : i32
      %mul3A_12 = arith.constant 128 : i32
      %mul3A_13 = arith.muli %add3A, %mul3A_12 : i32
      %run_scoped3A = arith.constant 0 : i32
      "tpu.region"() ({
        %run_scoped3A_1133 = tpu.sem_alloc : memref<!tpu.dma_semaphore, #tpu.memory_space<semaphore_mem>>
        %dma_start3A_1134 = arith.constant 0 : i32
        %dma_start3A_1135 = tpu.memref_slice %arg3[%run_scoped3A, %add3A, %dma_start3A_1134] : memref<2x2560x128xi32, #tpu.memory_space<hbm>> -> memref<1x16x128xi32, #tpu.memory_space<hbm>>
        %dma_start3A_1136 = tpu.memref_squeeze %dma_start3A_1135 : memref<1x16x128xi32, #tpu.memory_space<hbm>> -> memref<16x128xi32, #tpu.memory_space<hbm>>
        %dma_start3A_1137 = arith.constant 0 : i32
        %dma_start3A_1138 = tpu.memref_slice %arg3[%run_scoped3A, %add3A, %dma_start3A_1137] : memref<2x2560x128xi32, #tpu.memory_space<hbm>> -> memref<1x16x128xi32, #tpu.memory_space<hbm>>
        %dma_start3A_1139 = tpu.memref_squeeze %dma_start3A_1138 : memref<1x16x128xi32, #tpu.memory_space<hbm>> -> memref<16x128xi32, #tpu.memory_space<hbm>>
        tpu.enqueue_dma source(%dma_start3A_1139 : memref<16x128xi32, #tpu.memory_space<hbm>>) target(%arg11 : memref<16x128xi32, #tpu.memory_space<vmem>>) target_semaphore(%run_scoped3A_1133 : memref<!tpu.dma_semaphore, #tpu.memory_space<semaphore_mem>>)
        %dma_wait3A_1140 = arith.constant 0 : i32
        %dma_wait3A_1141 = tpu.memref_slice %arg3[%run_scoped3A, %add3A, %dma_wait3A_1140] : memref<2x2560x128xi32, #tpu.memory_space<hbm>> -> memref<1x16x128xi32, #tpu.memory_space<hbm>>
        %dma_wait3A_1142 = tpu.memref_squeeze %dma_wait3A_1141 : memref<1x16x128xi32, #tpu.memory_space<hbm>> -> memref<16x128xi32, #tpu.memory_space<hbm>>
        %dma_wait3A_1143 = arith.constant 0 : i32
        %dma_wait3A_1144 = tpu.memref_slice %arg3[%run_scoped3A, %add3A, %dma_wait3A_1143] : memref<2x2560x128xi32, #tpu.memory_space<hbm>> -> memref<1x16x128xi32, #tpu.memory_space<hbm>>
        %dma_wait3A_1145 = tpu.memref_squeeze %dma_wait3A_1144 : memref<1x16x128xi32, #tpu.memory_space<hbm>> -> memref<16x128xi32, #tpu.memory_space<hbm>>
        tpu.wait_dma2 semaphore(%run_scoped3A_1133 : memref<!tpu.dma_semaphore, #tpu.memory_space<semaphore_mem>>) src(%dma_wait3A_1145 : memref<16x128xi32, #tpu.memory_space<hbm>>) dst(%arg11 : memref<16x128xi32, #tpu.memory_space<vmem>>)
        tpu.yield
      }) : () -> ()
      %run_scoped3A_14 = arith.constant 1 : i32
      "tpu.region"() ({
        %run_scoped3A_1133 = tpu.sem_alloc : memref<!tpu.dma_semaphore, #tpu.memory_space<semaphore_mem>>
        %dma_start3A_1134 = arith.constant 0 : i32
        %dma_start3A_1135 = tpu.memref_slice %arg3[%run_scoped3A_14, %add3A, %dma_start3A_1134] : memref<2x2560x128xi32, #tpu.memory_space<hbm>> -> memref<1x16x128xi32, #tpu.memory_space<hbm>>
        %dma_start3A_1136 = tpu.memref_squeeze %dma_start3A_1135 : memref<1x16x128xi32, #tpu.memory_space<hbm>> -> memref<16x128xi32, #tpu.memory_space<hbm>>
        %dma_start3A_1137 = arith.constant 0 : i32
        %dma_start3A_1138 = tpu.memref_slice %arg3[%run_scoped3A_14, %add3A, %dma_start3A_1137] : memref<2x2560x128xi32, #tpu.memory_space<hbm>> -> memref<1x16x128xi32, #tpu.memory_space<hbm>>
        %dma_start3A_1139 = tpu.memref_squeeze %dma_start3A_1138 : memref<1x16x128xi32, #tpu.memory_space<hbm>> -> memref<16x128xi32, #tpu.memory_space<hbm>>
        tpu.enqueue_dma source(%dma_start3A_1139 : memref<16x128xi32, #tpu.memory_space<hbm>>) target(%arg12 : memref<16x128xi32, #tpu.memory_space<vmem>>) target_semaphore(%run_scoped3A_1133 : memref<!tpu.dma_semaphore, #tpu.memory_space<semaphore_mem>>)
        %dma_wait3A_1140 = arith.constant 0 : i32
        %dma_wait3A_1141 = tpu.memref_slice %arg3[%run_scoped3A_14, %add3A, %dma_wait3A_1140] : memref<2x2560x128xi32, #tpu.memory_space<hbm>> -> memref<1x16x128xi32, #tpu.memory_space<hbm>>
        %dma_wait3A_1142 = tpu.memref_squeeze %dma_wait3A_1141 : memref<1x16x128xi32, #tpu.memory_space<hbm>> -> memref<16x128xi32, #tpu.memory_space<hbm>>
        %dma_wait3A_1143 = arith.constant 0 : i32
        %dma_wait3A_1144 = tpu.memref_slice %arg3[%run_scoped3A_14, %add3A, %dma_wait3A_1143] : memref<2x2560x128xi32, #tpu.memory_space<hbm>> -> memref<1x16x128xi32, #tpu.memory_space<hbm>>
        %dma_wait3A_1145 = tpu.memref_squeeze %dma_wait3A_1144 : memref<1x16x128xi32, #tpu.memory_space<hbm>> -> memref<16x128xi32, #tpu.memory_space<hbm>>
        tpu.wait_dma2 semaphore(%run_scoped3A_1133 : memref<!tpu.dma_semaphore, #tpu.memory_space<semaphore_mem>>) src(%dma_wait3A_1145 : memref<16x128xi32, #tpu.memory_space<hbm>>) dst(%arg12 : memref<16x128xi32, #tpu.memory_space<vmem>>)
        tpu.yield
      }) : () -> ()
      "tpu.region"() ({
        %run_scoped3A_1133 = tpu.sem_alloc : memref<!tpu.dma_semaphore, #tpu.memory_space<semaphore_mem>>
        %dma_start3A_1134 = arith.constant 0 : i32
        %dma_start3A_1135 = tpu.memref_slice %arg3[%arg0, %add3A, %dma_start3A_1134] : memref<2x2560x128xi32, #tpu.memory_space<hbm>> -> memref<1x16x128xi32, #tpu.memory_space<hbm>>
        %dma_start3A_1136 = tpu.memref_squeeze %dma_start3A_1135 : memref<1x16x128xi32, #tpu.memory_space<hbm>> -> memref<16x128xi32, #tpu.memory_space<hbm>>
        %dma_start3A_1137 = arith.constant 0 : i32
        %dma_start3A_1138 = tpu.memref_slice %arg3[%arg0, %add3A, %dma_start3A_1137] : memref<2x2560x128xi32, #tpu.memory_space<hbm>> -> memref<1x16x128xi32, #tpu.memory_space<hbm>>
        %dma_start3A_1139 = tpu.memref_squeeze %dma_start3A_1138 : memref<1x16x128xi32, #tpu.memory_space<hbm>> -> memref<16x128xi32, #tpu.memory_space<hbm>>
        tpu.enqueue_dma source(%dma_start3A_1139 : memref<16x128xi32, #tpu.memory_space<hbm>>) target(%arg13 : memref<16x128xi32, #tpu.memory_space<vmem>>) target_semaphore(%run_scoped3A_1133 : memref<!tpu.dma_semaphore, #tpu.memory_space<semaphore_mem>>)
        %dma_wait3A_1140 = arith.constant 0 : i32
        %dma_wait3A_1141 = tpu.memref_slice %arg3[%arg0, %add3A, %dma_wait3A_1140] : memref<2x2560x128xi32, #tpu.memory_space<hbm>> -> memref<1x16x128xi32, #tpu.memory_space<hbm>>
        %dma_wait3A_1142 = tpu.memref_squeeze %dma_wait3A_1141 : memref<1x16x128xi32, #tpu.memory_space<hbm>> -> memref<16x128xi32, #tpu.memory_space<hbm>>
        %dma_wait3A_1143 = arith.constant 0 : i32
        %dma_wait3A_1144 = tpu.memref_slice %arg3[%arg0, %add3A, %dma_wait3A_1143] : memref<2x2560x128xi32, #tpu.memory_space<hbm>> -> memref<1x16x128xi32, #tpu.memory_space<hbm>>
        %dma_wait3A_1145 = tpu.memref_squeeze %dma_wait3A_1144 : memref<1x16x128xi32, #tpu.memory_space<hbm>> -> memref<16x128xi32, #tpu.memory_space<hbm>>
        tpu.wait_dma2 semaphore(%run_scoped3A_1133 : memref<!tpu.dma_semaphore, #tpu.memory_space<semaphore_mem>>) src(%dma_wait3A_1145 : memref<16x128xi32, #tpu.memory_space<hbm>>) dst(%arg13 : memref<16x128xi32, #tpu.memory_space<vmem>>)
        tpu.yield
      }) : () -> ()
      "tpu.region"() ({
        %run_scoped3A_1133 = tpu.sem_alloc : memref<!tpu.dma_semaphore, #tpu.memory_space<semaphore_mem>>
        %dma_start3A_1134 = arith.constant 0 : i32
        %dma_start3A_1135 = tpu.memref_slice %arg4[%mul3A_13, %dma_start3A_1134] : memref<327680x16xf32, #tpu.memory_space<hbm>> -> memref<2048x16xf32, #tpu.memory_space<hbm>>
        %dma_start3A_1136 = arith.constant 0 : i32
        %dma_start3A_1137 = tpu.memref_slice %arg4[%mul3A_13, %dma_start3A_1136] : memref<327680x16xf32, #tpu.memory_space<hbm>> -> memref<2048x16xf32, #tpu.memory_space<hbm>>
        tpu.enqueue_dma source(%dma_start3A_1137 : memref<2048x16xf32, #tpu.memory_space<hbm>>) target(%arg14 : memref<2048x16xf32, #tpu.memory_space<vmem>>) target_semaphore(%run_scoped3A_1133 : memref<!tpu.dma_semaphore, #tpu.memory_space<semaphore_mem>>)
        %dma_wait3A_1138 = arith.constant 0 : i32
        %dma_wait3A_1139 = tpu.memref_slice %arg4[%mul3A_13, %dma_wait3A_1138] : memref<327680x16xf32, #tpu.memory_space<hbm>> -> memref<2048x16xf32, #tpu.memory_space<hbm>>
        %dma_wait3A_1140 = arith.constant 0 : i32
        %dma_wait3A_1141 = tpu.memref_slice %arg4[%mul3A_13, %dma_wait3A_1140] : memref<327680x16xf32, #tpu.memory_space<hbm>> -> memref<2048x16xf32, #tpu.memory_space<hbm>>
        tpu.wait_dma2 semaphore(%run_scoped3A_1133 : memref<!tpu.dma_semaphore, #tpu.memory_space<semaphore_mem>>) src(%dma_wait3A_1141 : memref<2048x16xf32, #tpu.memory_space<hbm>>) dst(%arg14 : memref<2048x16xf32, #tpu.memory_space<vmem>>)
        tpu.yield
      }) : () -> ()
      %dma_start3A = arith.constant 0 : i32
      %dma_start3A_15 = arith.constant 0 : i32
      %dma_start3A_16 = tpu.memref_slice %arg12[%dma_start3A, %dma_start3A_15] : memref<16x128xi32, #tpu.memory_space<vmem>> -> memref<1x128xi32, #tpu.memory_space<vmem>>
      %dma_start3A_17 = tpu.memref_squeeze %dma_start3A_16 : memref<1x128xi32, #tpu.memory_space<vmem>> -> memref<128xi32, #tpu.memory_space<vmem>>
      %dma_start3A_18 = arith.constant 0 : i32
      %dma_start3A_19 = arith.constant 0 : i32
      %dma_start3A_20 = tpu.memref_slice %arg2[%arg0, %dma_start3A_18, %dma_start3A_19] : memref<2x10112x64xf32, #tpu.memory_space<hbm>> -> memref<1x10112x64xf32, #tpu.memory_space<hbm>>
      %dma_start3A_21 = tpu.memref_squeeze %dma_start3A_20 : memref<1x10112x64xf32, #tpu.memory_space<hbm>> -> memref<10112x64xf32, #tpu.memory_space<hbm>>
      %dma_start3A_22 = arith.constant 0 : i32
      %dma_start3A_23 = arith.constant 0 : i32
      %dma_start3A_24 = tpu.memref_slice %dma_start3A_21[%dma_start3A_22, %dma_start3A_23] : memref<10112x64xf32, #tpu.memory_space<hbm>> -> memref<10112x64xf32, #tpu.memory_space<hbm>>
      tpu.enqueue_indirect_dma source(%dma_start3A_24 : memref<10112x64xf32, #tpu.memory_space<hbm>>) target(%arg15 : memref<128x64xf32, #tpu.memory_space<vmem>>) offsets(%dma_start3A_17 : memref<128xi32, #tpu.memory_space<vmem>>) semaphore(%arg21 : memref<!tpu.dma_semaphore, #tpu.memory_space<semaphore_mem>>)
      %dma_start3A_25 = arith.constant 1 : i32
      %dma_start3A_26 = arith.constant 0 : i32
      %dma_start3A_27 = tpu.memref_slice %arg12[%dma_start3A_25, %dma_start3A_26] : memref<16x128xi32, #tpu.memory_space<vmem>> -> memref<1x128xi32, #tpu.memory_space<vmem>>
      %dma_start3A_28 = tpu.memref_squeeze %dma_start3A_27 : memref<1x128xi32, #tpu.memory_space<vmem>> -> memref<128xi32, #tpu.memory_space<vmem>>
      %dma_start3A_29 = arith.constant 0 : i32
      %dma_start3A_30 = arith.constant 0 : i32
      %dma_start3A_31 = tpu.memref_slice %arg2[%arg0, %dma_start3A_29, %dma_start3A_30] : memref<2x10112x64xf32, #tpu.memory_space<hbm>> -> memref<1x10112x64xf32, #tpu.memory_space<hbm>>
      %dma_start3A_32 = tpu.memref_squeeze %dma_start3A_31 : memref<1x10112x64xf32, #tpu.memory_space<hbm>> -> memref<10112x64xf32, #tpu.memory_space<hbm>>
      %dma_start3A_33 = arith.constant 0 : i32
      %dma_start3A_34 = arith.constant 0 : i32
      %dma_start3A_35 = tpu.memref_slice %dma_start3A_32[%dma_start3A_33, %dma_start3A_34] : memref<10112x64xf32, #tpu.memory_space<hbm>> -> memref<10112x64xf32, #tpu.memory_space<hbm>>
      tpu.enqueue_indirect_dma source(%dma_start3A_35 : memref<10112x64xf32, #tpu.memory_space<hbm>>) target(%arg16 : memref<128x64xf32, #tpu.memory_space<vmem>>) offsets(%dma_start3A_28 : memref<128xi32, #tpu.memory_space<vmem>>) semaphore(%arg22 : memref<!tpu.dma_semaphore, #tpu.memory_space<semaphore_mem>>)
      %dma_wait3A = arith.constant 0 : i32
      %dma_wait3A_36 = arith.constant 0 : i32
      %dma_wait3A_37 = tpu.memref_slice %arg12[%dma_wait3A, %dma_wait3A_36] : memref<16x128xi32, #tpu.memory_space<vmem>> -> memref<1x128xi32, #tpu.memory_space<vmem>>
      %dma_wait3A_38 = tpu.memref_squeeze %dma_wait3A_37 : memref<1x128xi32, #tpu.memory_space<vmem>> -> memref<128xi32, #tpu.memory_space<vmem>>
      %dma_wait3A_39 = arith.constant 0 : i32
      %dma_wait3A_40 = arith.constant 0 : i32
      %dma_wait3A_41 = tpu.memref_slice %arg2[%arg0, %dma_wait3A_39, %dma_wait3A_40] : memref<2x10112x64xf32, #tpu.memory_space<hbm>> -> memref<1x10112x64xf32, #tpu.memory_space<hbm>>
      %dma_wait3A_42 = tpu.memref_squeeze %dma_wait3A_41 : memref<1x10112x64xf32, #tpu.memory_space<hbm>> -> memref<10112x64xf32, #tpu.memory_space<hbm>>
      %dma_wait3A_43 = arith.constant 0 : i32
      %dma_wait3A_44 = arith.constant 0 : i32
      %dma_wait3A_45 = tpu.memref_slice %dma_wait3A_42[%dma_wait3A_43, %dma_wait3A_44] : memref<10112x64xf32, #tpu.memory_space<hbm>> -> memref<10112x64xf32, #tpu.memory_space<hbm>>
      tpu.wait_indirect_dma semaphore(%arg21 : memref<!tpu.dma_semaphore, #tpu.memory_space<semaphore_mem>>) src(%dma_wait3A_45 : memref<10112x64xf32, #tpu.memory_space<hbm>>) dst(%arg15 : memref<128x64xf32, #tpu.memory_space<vmem>>)
      %dma_start3A_46 = arith.constant 0 : i32
      %dma_start3A_47 = arith.constant 0 : i32
      %dma_start3A_48 = tpu.memref_slice %arg11[%dma_start3A_46, %dma_start3A_47] : memref<16x128xi32, #tpu.memory_space<vmem>> -> memref<1x128xi32, #tpu.memory_space<vmem>>
      %dma_start3A_49 = tpu.memref_squeeze %dma_start3A_48 : memref<1x128xi32, #tpu.memory_space<vmem>> -> memref<128xi32, #tpu.memory_space<vmem>>
      %dma_start3A_50 = arith.constant 0 : i32
      %dma_start3A_51 = arith.constant 0 : i32
      %dma_start3A_52 = tpu.memref_slice %arg18[%dma_start3A_50, %dma_start3A_51] : memref<10112x64xf32, #tpu.memory_space<vmem_shared>> -> memref<10112x64xf32, #tpu.memory_space<vmem_shared>>
      tpu.enqueue_indirect_dma source(%arg15 : memref<128x64xf32, #tpu.memory_space<vmem>>) target(%dma_start3A_52 : memref<10112x64xf32, #tpu.memory_space<vmem_shared>>) offsets(%dma_start3A_49 : memref<128xi32, #tpu.memory_space<vmem>>) semaphore(%arg23 : memref<!tpu.dma_semaphore, #tpu.memory_space<semaphore_mem>>) {add = true}
      %dma_start3A_53 = arith.constant 0 : i32
      %dma_start3A_54 = arith.constant 0 : i32
      %dma_start3A_55 = arith.constant 0 : i32
      %dma_start3A_56 = tpu.memref_slice %arg14[%dma_start3A_54, %dma_start3A_55] : memref<2048x16xf32, #tpu.memory_space<vmem>> -> memref<128x16xf32, #tpu.memory_space<vmem>>
      %dma_start3A_57 = arith.constant 0 : i32
      %dma_start3A_58 = tpu.memref_slice %arg13[%dma_start3A_53, %dma_start3A_57] : memref<16x128xi32, #tpu.memory_space<vmem>> -> memref<1x128xi32, #tpu.memory_space<vmem>>
      %dma_start3A_59 = tpu.memref_squeeze %dma_start3A_58 : memref<1x128xi32, #tpu.memory_space<vmem>> -> memref<128xi32, #tpu.memory_space<vmem>>
      %dma_start3A_60 = arith.constant 0 : i32
      %dma_start3A_61 = arith.constant 0 : i32
      %dma_start3A_62 = tpu.memref_slice %arg19[%dma_start3A_60, %dma_start3A_61] : memref<10112x16xf32, #tpu.memory_space<vmem_shared>> -> memref<10112x16xf32, #tpu.memory_space<vmem_shared>>
      tpu.enqueue_indirect_dma source(%dma_start3A_56 : memref<128x16xf32, #tpu.memory_space<vmem>>) target(%dma_start3A_62 : memref<10112x16xf32, #tpu.memory_space<vmem_shared>>) offsets(%dma_start3A_59 : memref<128xi32, #tpu.memory_space<vmem>>) semaphore(%arg24 : memref<!tpu.dma_semaphore, #tpu.memory_space<semaphore_mem>>) {add = true}
      %dma_start3A_63 = arith.constant 0 : i32
      %dma_start3A_64 = arith.constant 0 : i32
      %dma_start3A_65 = tpu.memref_slice %arg13[%dma_start3A_63, %dma_start3A_64] : memref<16x128xi32, #tpu.memory_space<vmem>> -> memref<1x128xi32, #tpu.memory_space<vmem>>
      %dma_start3A_66 = tpu.memref_squeeze %dma_start3A_65 : memref<1x128xi32, #tpu.memory_space<vmem>> -> memref<128xi32, #tpu.memory_space<vmem>>
      %dma_start3A_67 = arith.constant 0 : i32
      %dma_start3A_68 = arith.constant 0 : i32
      %dma_start3A_69 = tpu.memref_slice %arg20[%dma_start3A_67, %dma_start3A_68] : memref<10112x16xf32, #tpu.memory_space<vmem_shared>> -> memref<10112x16xf32, #tpu.memory_space<vmem_shared>>
      tpu.enqueue_indirect_dma source(%arg17 : memref<128x16xf32, #tpu.memory_space<vmem>>) target(%dma_start3A_69 : memref<10112x16xf32, #tpu.memory_space<vmem_shared>>) offsets(%dma_start3A_66 : memref<128xi32, #tpu.memory_space<vmem>>) semaphore(%arg24 : memref<!tpu.dma_semaphore, #tpu.memory_space<semaphore_mem>>) {add = true}
      %dma_wait3A_70 = arith.constant 0 : i32
      %dma_wait3A_71 = arith.constant 0 : i32
      %dma_wait3A_72 = tpu.memref_slice %arg11[%dma_wait3A_70, %dma_wait3A_71] : memref<16x128xi32, #tpu.memory_space<vmem>> -> memref<1x128xi32, #tpu.memory_space<vmem>>
      %dma_wait3A_73 = tpu.memref_squeeze %dma_wait3A_72 : memref<1x128xi32, #tpu.memory_space<vmem>> -> memref<128xi32, #tpu.memory_space<vmem>>
      %dma_wait3A_74 = arith.constant 0 : i32
      %dma_wait3A_75 = arith.constant 0 : i32
      %dma_wait3A_76 = tpu.memref_slice %arg18[%dma_wait3A_74, %dma_wait3A_75] : memref<10112x64xf32, #tpu.memory_space<vmem_shared>> -> memref<10112x64xf32, #tpu.memory_space<vmem_shared>>
      tpu.wait_indirect_dma semaphore(%arg23 : memref<!tpu.dma_semaphore, #tpu.memory_space<semaphore_mem>>) src(%arg15 : memref<128x64xf32, #tpu.memory_space<vmem>>) dst(%dma_wait3A_76 : memref<10112x64xf32, #tpu.memory_space<vmem_shared>>)
      %dma_start3A_77 = arith.constant 2 : i32
      %dma_start3A_78 = arith.constant 0 : i32
      %dma_start3A_79 = tpu.memref_slice %arg12[%dma_start3A_77, %dma_start3A_78] : memref<16x128xi32, #tpu.memory_space<vmem>> -> memref<1x128xi32, #tpu.memory_space<vmem>>
      %dma_start3A_80 = tpu.memref_squeeze %dma_start3A_79 : memref<1x128xi32, #tpu.memory_space<vmem>> -> memref<128xi32, #tpu.memory_space<vmem>>
      %dma_start3A_81 = arith.constant 0 : i32
      %dma_start3A_82 = arith.constant 0 : i32
      %dma_start3A_83 = tpu.memref_slice %arg2[%arg0, %dma_start3A_81, %dma_start3A_82] : memref<2x10112x64xf32, #tpu.memory_space<hbm>> -> memref<1x10112x64xf32, #tpu.memory_space<hbm>>
      %dma_start3A_84 = tpu.memref_squeeze %dma_start3A_83 : memref<1x10112x64xf32, #tpu.memory_space<hbm>> -> memref<10112x64xf32, #tpu.memory_space<hbm>>
      %dma_start3A_85 = arith.constant 0 : i32
      %dma_start3A_86 = arith.constant 0 : i32
      %dma_start3A_87 = tpu.memref_slice %dma_start3A_84[%dma_start3A_85, %dma_start3A_86] : memref<10112x64xf32, #tpu.memory_space<hbm>> -> memref<10112x64xf32, #tpu.memory_space<hbm>>
      tpu.enqueue_indirect_dma source(%dma_start3A_87 : memref<10112x64xf32, #tpu.memory_space<hbm>>) target(%arg15 : memref<128x64xf32, #tpu.memory_space<vmem>>) offsets(%dma_start3A_80 : memref<128xi32, #tpu.memory_space<vmem>>) semaphore(%arg21 : memref<!tpu.dma_semaphore, #tpu.memory_space<semaphore_mem>>)
      %dma_wait3A_88 = arith.constant 1 : i32
      %dma_wait3A_89 = arith.constant 0 : i32
      %dma_wait3A_90 = tpu.memref_slice %arg12[%dma_wait3A_88, %dma_wait3A_89] : memref<16x128xi32, #tpu.memory_space<vmem>> -> memref<1x128xi32, #tpu.memory_space<vmem>>
      %dma_wait3A_91 = tpu.memref_squeeze %dma_wait3A_90 : memref<1x128xi32, #tpu.memory_space<vmem>> -> memref<128xi32, #tpu.memory_space<vmem>>
      %dma_wait3A_92 = arith.constant 0 : i32
      %dma_wait3A_93 = arith.constant 0 : i32
      %dma_wait3A_94 = tpu.memref_slice %arg2[%arg0, %dma_wait3A_92, %dma_wait3A_93] : memref<2x10112x64xf32, #tpu.memory_space<hbm>> -> memref<1x10112x64xf32, #tpu.memory_space<hbm>>
      %dma_wait3A_95 = tpu.memref_squeeze %dma_wait3A_94 : memref<1x10112x64xf32, #tpu.memory_space<hbm>> -> memref<10112x64xf32, #tpu.memory_space<hbm>>
      %dma_wait3A_96 = arith.constant 0 : i32
      %dma_wait3A_97 = arith.constant 0 : i32
      %dma_wait3A_98 = tpu.memref_slice %dma_wait3A_95[%dma_wait3A_96, %dma_wait3A_97] : memref<10112x64xf32, #tpu.memory_space<hbm>> -> memref<10112x64xf32, #tpu.memory_space<hbm>>
      tpu.wait_indirect_dma semaphore(%arg22 : memref<!tpu.dma_semaphore, #tpu.memory_space<semaphore_mem>>) src(%dma_wait3A_98 : memref<10112x64xf32, #tpu.memory_space<hbm>>) dst(%arg16 : memref<128x64xf32, #tpu.memory_space<vmem>>)
      %dma_start3A_99 = arith.constant 1 : i32
      %dma_start3A_100 = arith.constant 0 : i32
      %dma_start3A_101 = tpu.memref_slice %arg11[%dma_start3A_99, %dma_start3A_100] : memref<16x128xi32, #tpu.memory_space<vmem>> -> memref<1x128xi32, #tpu.memory_space<vmem>>
      %dma_start3A_102 = tpu.memref_squeeze %dma_start3A_101 : memref<1x128xi32, #tpu.memory_space<vmem>> -> memref<128xi32, #tpu.memory_space<vmem>>
      %dma_start3A_103 = arith.constant 0 : i32
      %dma_start3A_104 = arith.constant 0 : i32
      %dma_start3A_105 = tpu.memref_slice %arg18[%dma_start3A_103, %dma_start3A_104] : memref<10112x64xf32, #tpu.memory_space<vmem_shared>> -> memref<10112x64xf32, #tpu.memory_space<vmem_shared>>
      tpu.enqueue_indirect_dma source(%arg16 : memref<128x64xf32, #tpu.memory_space<vmem>>) target(%dma_start3A_105 : memref<10112x64xf32, #tpu.memory_space<vmem_shared>>) offsets(%dma_start3A_102 : memref<128xi32, #tpu.memory_space<vmem>>) semaphore(%arg23 : memref<!tpu.dma_semaphore, #tpu.memory_space<semaphore_mem>>) {add = true}
      %dma_start3A_106 = arith.constant 1 : i32
      %dma_start3A_107 = arith.constant 128 : i32
      %dma_start3A_108 = arith.constant 0 : i32
      %dma_start3A_109 = tpu.memref_slice %arg14[%dma_start3A_107, %dma_start3A_108] : memref<2048x16xf32, #tpu.memory_space<vmem>> -> memref<128x16xf32, #tpu.memory_space<vmem>>
      %dma_start3A_110 = arith.constant 0 : i32
      %dma_start3A_111 = tpu.memref_slice %arg13[%dma_start3A_106, %dma_start3A_110] : memref<16x128xi32, #tpu.memory_space<vmem>> -> memref<1x128xi32, #tpu.memory_space<vmem>>
      %dma_start3A_112 = tpu.memref_squeeze %dma_start3A_111 : memref<1x128xi32, #tpu.memory_space<vmem>> -> memref<128xi32, #tpu.memory_space<vmem>>
      %dma_start3A_113 = arith.constant 0 : i32
      %dma_start3A_114 = arith.constant 0 : i32
      %dma_start3A_115 = tpu.memref_slice %arg19[%dma_start3A_113, %dma_start3A_114] : memref<10112x16xf32, #tpu.memory_space<vmem_shared>> -> memref<10112x16xf32, #tpu.memory_space<vmem_shared>>
      tpu.enqueue_indirect_dma source(%dma_start3A_109 : memref<128x16xf32, #tpu.memory_space<vmem>>) target(%dma_start3A_115 : memref<10112x16xf32, #tpu.memory_space<vmem_shared>>) offsets(%dma_start3A_112 : memref<128xi32, #tpu.memory_space<vmem>>) semaphore(%arg24 : memref<!tpu.dma_semaphore, #tpu.memory_space<semaphore_mem>>) {add = true}
      %dma_start3A_116 = arith.constant 1 : i32
      %dma_start3A_117 = arith.constant 0 : i32
      %dma_start3A_118 = tpu.memref_slice %arg13[%dma_start3A_116, %dma_start3A_117] : memref<16x128xi32, #tpu.memory_space<vmem>> -> memref<1x128xi32, #tpu.memory_space<vmem>>
      %dma_start3A_119 = tpu.memref_squeeze %dma_start3A_118 : memref<1x128xi32, #tpu.memory_space<vmem>> -> memref<128xi32, #tpu.memory_space<vmem>>
      %dma_start3A_120 = arith.constant 0 : i32
      %dma_start3A_121 = arith.constant 0 : i32
      %dma_start3A_122 = tpu.memref_slice %arg20[%dma_start3A_120, %dma_start3A_121] : memref<10112x16xf32, #tpu.memory_space<vmem_shared>> -> memref<10112x16xf32, #tpu.memory_space<vmem_shared>>
      tpu.enqueue_indirect_dma source(%arg17 : memref<128x16xf32, #tpu.memory_space<vmem>>) target(%dma_start3A_122 : memref<10112x16xf32, #tpu.memory_space<vmem_shared>>) offsets(%dma_start3A_119 : memref<128xi32, #tpu.memory_space<vmem>>) semaphore(%arg24 : memref<!tpu.dma_semaphore, #tpu.memory_space<semaphore_mem>>) {add = true}
      %dma_wait3A_123 = arith.constant 1 : i32
      %dma_wait3A_124 = arith.constant 0 : i32
      %dma_wait3A_125 = tpu.memref_slice %arg11[%dma_wait3A_123, %dma_wait3A_124] : memref<16x128xi32, #tpu.memory_space<vmem>> -> memref<1x128xi32, #tpu.memory_space<vmem>>
      %dma_wait3A_126 = tpu.memref_squeeze %dma_wait3A_125 : memref<1x128xi32, #tpu.memory_space<vmem>> -> memref<128xi32, #tpu.memory_space<vmem>>
      %dma_wait3A_127 = arith.constant 0 : i32
      %dma_wait3A_128 = arith.constant 0 : i32
      %dma_wait3A_129 = tpu.memref_slice %arg18[%dma_wait3A_127, %dma_wait3A_128] : memref<10112x64xf32, #tpu.memory_space<vmem_shared>> -> memref<10112x64xf32, #tpu.memory_space<vmem_shared>>
      tpu.wait_indirect_dma semaphore(%arg23 : memref<!tpu.dma_semaphore, #tpu.memory_space<semaphore_mem>>) src(%arg16 : memref<128x64xf32, #tpu.memory_space<vmem>>) dst(%dma_wait3A_129 : memref<10112x64xf32, #tpu.memory_space<vmem_shared>>)
      %dma_start3A_130 = arith.constant 3 : i32
      %dma_start3A_131 = arith.constant 0 : i32
      %dma_start3A_132 = tpu.memref_slice %arg12[%dma_start3A_130, %dma_start3A_131] : memref<16x128xi32, #tpu.memory_space<vmem>> -> memref<1x128xi32, #tpu.memory_space<vmem>>
      %dma_start3A_133 = tpu.memref_squeeze %dma_start3A_132 : memref<1x128xi32, #tpu.memory_space<vmem>> -> memref<128xi32, #tpu.memory_space<vmem>>
      %dma_start3A_134 = arith.constant 0 : i32
      %dma_start3A_135 = arith.constant 0 : i32
      %dma_start3A_136 = tpu.memref_slice %arg2[%arg0, %dma_start3A_134, %dma_start3A_135] : memref<2x10112x64xf32, #tpu.memory_space<hbm>> -> memref<1x10112x64xf32, #tpu.memory_space<hbm>>
      %dma_start3A_137 = tpu.memref_squeeze %dma_start3A_136 : memref<1x10112x64xf32, #tpu.memory_space<hbm>> -> memref<10112x64xf32, #tpu.memory_space<hbm>>
      %dma_start3A_138 = arith.constant 0 : i32
      %dma_start3A_139 = arith.constant 0 : i32
      %dma_start3A_140 = tpu.memref_slice %dma_start3A_137[%dma_start3A_138, %dma_start3A_139] : memref<10112x64xf32, #tpu.memory_space<hbm>> -> memref<10112x64xf32, #tpu.memory_space<hbm>>
      tpu.enqueue_indirect_dma source(%dma_start3A_140 : memref<10112x64xf32, #tpu.memory_space<hbm>>) target(%arg16 : memref<128x64xf32, #tpu.memory_space<vmem>>) offsets(%dma_start3A_133 : memref<128xi32, #tpu.memory_space<vmem>>) semaphore(%arg22 : memref<!tpu.dma_semaphore, #tpu.memory_space<semaphore_mem>>)
      %dma_wait3A_141 = arith.constant 2 : i32
      %dma_wait3A_142 = arith.constant 0 : i32
      %dma_wait3A_143 = tpu.memref_slice %arg12[%dma_wait3A_141, %dma_wait3A_142] : memref<16x128xi32, #tpu.memory_space<vmem>> -> memref<1x128xi32, #tpu.memory_space<vmem>>
      %dma_wait3A_144 = tpu.memref_squeeze %dma_wait3A_143 : memref<1x128xi32, #tpu.memory_space<vmem>> -> memref<128xi32, #tpu.memory_space<vmem>>
      %dma_wait3A_145 = arith.constant 0 : i32
      %dma_wait3A_146 = arith.constant 0 : i32
      %dma_wait3A_147 = tpu.memref_slice %arg2[%arg0, %dma_wait3A_145, %dma_wait3A_146] : memref<2x10112x64xf32, #tpu.memory_space<hbm>> -> memref<1x10112x64xf32, #tpu.memory_space<hbm>>
      %dma_wait3A_148 = tpu.memref_squeeze %dma_wait3A_147 : memref<1x10112x64xf32, #tpu.memory_space<hbm>> -> memref<10112x64xf32, #tpu.memory_space<hbm>>
      %dma_wait3A_149 = arith.constant 0 : i32
      %dma_wait3A_150 = arith.constant 0 : i32
      %dma_wait3A_151 = tpu.memref_slice %dma_wait3A_148[%dma_wait3A_149, %dma_wait3A_150] : memref<10112x64xf32, #tpu.memory_space<hbm>> -> memref<10112x64xf32, #tpu.memory_space<hbm>>
      tpu.wait_indirect_dma semaphore(%arg21 : memref<!tpu.dma_semaphore, #tpu.memory_space<semaphore_mem>>) src(%dma_wait3A_151 : memref<10112x64xf32, #tpu.memory_space<hbm>>) dst(%arg15 : memref<128x64xf32, #tpu.memory_space<vmem>>)
      %dma_start3A_152 = arith.constant 2 : i32
      %dma_start3A_153 = arith.constant 0 : i32
      %dma_start3A_154 = tpu.memref_slice %arg11[%dma_start3A_152, %dma_start3A_153] : memref<16x128xi32, #tpu.memory_space<vmem>> -> memref<1x128xi32, #tpu.memory_space<vmem>>
      %dma_start3A_155 = tpu.memref_squeeze %dma_start3A_154 : memref<1x128xi32, #tpu.memory_space<vmem>> -> memref<128xi32, #tpu.memory_space<vmem>>
      %dma_start3A_156 = arith.constant 0 : i32
      %dma_start3A_157 = arith.constant 0 : i32
      %dma_start3A_158 = tpu.memref_slice %arg18[%dma_start3A_156, %dma_start3A_157] : memref<10112x64xf32, #tpu.memory_space<vmem_shared>> -> memref<10112x64xf32, #tpu.memory_space<vmem_shared>>
      tpu.enqueue_indirect_dma source(%arg15 : memref<128x64xf32, #tpu.memory_space<vmem>>) target(%dma_start3A_158 : memref<10112x64xf32, #tpu.memory_space<vmem_shared>>) offsets(%dma_start3A_155 : memref<128xi32, #tpu.memory_space<vmem>>) semaphore(%arg23 : memref<!tpu.dma_semaphore, #tpu.memory_space<semaphore_mem>>) {add = true}
      %dma_start3A_159 = arith.constant 2 : i32
      %dma_start3A_160 = arith.constant 256 : i32
      %dma_start3A_161 = arith.constant 0 : i32
      %dma_start3A_162 = tpu.memref_slice %arg14[%dma_start3A_160, %dma_start3A_161] : memref<2048x16xf32, #tpu.memory_space<vmem>> -> memref<128x16xf32, #tpu.memory_space<vmem>>
      %dma_start3A_163 = arith.constant 0 : i32
      %dma_start3A_164 = tpu.memref_slice %arg13[%dma_start3A_159, %dma_start3A_163] : memref<16x128xi32, #tpu.memory_space<vmem>> -> memref<1x128xi32, #tpu.memory_space<vmem>>
      %dma_start3A_165 = tpu.memref_squeeze %dma_start3A_164 : memref<1x128xi32, #tpu.memory_space<vmem>> -> memref<128xi32, #tpu.memory_space<vmem>>
      %dma_start3A_166 = arith.constant 0 : i32
      %dma_start3A_167 = arith.constant 0 : i32
      %dma_start3A_168 = tpu.memref_slice %arg19[%dma_start3A_166, %dma_start3A_167] : memref<10112x16xf32, #tpu.memory_space<vmem_shared>> -> memref<10112x16xf32, #tpu.memory_space<vmem_shared>>
      tpu.enqueue_indirect_dma source(%dma_start3A_162 : memref<128x16xf32, #tpu.memory_space<vmem>>) target(%dma_start3A_168 : memref<10112x16xf32, #tpu.memory_space<vmem_shared>>) offsets(%dma_start3A_165 : memref<128xi32, #tpu.memory_space<vmem>>) semaphore(%arg24 : memref<!tpu.dma_semaphore, #tpu.memory_space<semaphore_mem>>) {add = true}
      %dma_start3A_169 = arith.constant 2 : i32
      %dma_start3A_170 = arith.constant 0 : i32
      %dma_start3A_171 = tpu.memref_slice %arg13[%dma_start3A_169, %dma_start3A_170] : memref<16x128xi32, #tpu.memory_space<vmem>> -> memref<1x128xi32, #tpu.memory_space<vmem>>
      %dma_start3A_172 = tpu.memref_squeeze %dma_start3A_171 : memref<1x128xi32, #tpu.memory_space<vmem>> -> memref<128xi32, #tpu.memory_space<vmem>>
      %dma_start3A_173 = arith.constant 0 : i32
      %dma_start3A_174 = arith.constant 0 : i32
      %dma_start3A_175 = tpu.memref_slice %arg20[%dma_start3A_173, %dma_start3A_174] : memref<10112x16xf32, #tpu.memory_space<vmem_shared>> -> memref<10112x16xf32, #tpu.memory_space<vmem_shared>>
      tpu.enqueue_indirect_dma source(%arg17 : memref<128x16xf32, #tpu.memory_space<vmem>>) target(%dma_start3A_175 : memref<10112x16xf32, #tpu.memory_space<vmem_shared>>) offsets(%dma_start3A_172 : memref<128xi32, #tpu.memory_space<vmem>>) semaphore(%arg24 : memref<!tpu.dma_semaphore, #tpu.memory_space<semaphore_mem>>) {add = true}
      %dma_wait3A_176 = arith.constant 2 : i32
      %dma_wait3A_177 = arith.constant 0 : i32
      %dma_wait3A_178 = tpu.memref_slice %arg11[%dma_wait3A_176, %dma_wait3A_177] : memref<16x128xi32, #tpu.memory_space<vmem>> -> memref<1x128xi32, #tpu.memory_space<vmem>>
      %dma_wait3A_179 = tpu.memref_squeeze %dma_wait3A_178 : memref<1x128xi32, #tpu.memory_space<vmem>> -> memref<128xi32, #tpu.memory_space<vmem>>
      %dma_wait3A_180 = arith.constant 0 : i32
      %dma_wait3A_181 = arith.constant 0 : i32
      %dma_wait3A_182 = tpu.memref_slice %arg18[%dma_wait3A_180, %dma_wait3A_181] : memref<10112x64xf32, #tpu.memory_space<vmem_shared>> -> memref<10112x64xf32, #tpu.memory_space<vmem_shared>>
      tpu.wait_indirect_dma semaphore(%arg23 : memref<!tpu.dma_semaphore, #tpu.memory_space<semaphore_mem>>) src(%arg15 : memref<128x64xf32, #tpu.memory_space<vmem>>) dst(%dma_wait3A_182 : memref<10112x64xf32, #tpu.memory_space<vmem_shared>>)
      %dma_start3A_183 = arith.constant 4 : i32
      %dma_start3A_184 = arith.constant 0 : i32
      %dma_start3A_185 = tpu.memref_slice %arg12[%dma_start3A_183, %dma_start3A_184] : memref<16x128xi32, #tpu.memory_space<vmem>> -> memref<1x128xi32, #tpu.memory_space<vmem>>
      %dma_start3A_186 = tpu.memref_squeeze %dma_start3A_185 : memref<1x128xi32, #tpu.memory_space<vmem>> -> memref<128xi32, #tpu.memory_space<vmem>>
      %dma_start3A_187 = arith.constant 0 : i32
      %dma_start3A_188 = arith.constant 0 : i32
      %dma_start3A_189 = tpu.memref_slice %arg2[%arg0, %dma_start3A_187, %dma_start3A_188] : memref<2x10112x64xf32, #tpu.memory_space<hbm>> -> memref<1x10112x64xf32, #tpu.memory_space<hbm>>
      %dma_start3A_190 = tpu.memref_squeeze %dma_start3A_189 : memref<1x10112x64xf32, #tpu.memory_space<hbm>> -> memref<10112x64xf32, #tpu.memory_space<hbm>>
      %dma_start3A_191 = arith.constant 0 : i32
      %dma_start3A_192 = arith.constant 0 : i32
      %dma_start3A_193 = tpu.memref_slice %dma_start3A_190[%dma_start3A_191, %dma_start3A_192] : memref<10112x64xf32, #tpu.memory_space<hbm>> -> memref<10112x64xf32, #tpu.memory_space<hbm>>
      tpu.enqueue_indirect_dma source(%dma_start3A_193 : memref<10112x64xf32, #tpu.memory_space<hbm>>) target(%arg15 : memref<128x64xf32, #tpu.memory_space<vmem>>) offsets(%dma_start3A_186 : memref<128xi32, #tpu.memory_space<vmem>>) semaphore(%arg21 : memref<!tpu.dma_semaphore, #tpu.memory_space<semaphore_mem>>)
      %dma_wait3A_194 = arith.constant 3 : i32
      %dma_wait3A_195 = arith.constant 0 : i32
      %dma_wait3A_196 = tpu.memref_slice %arg12[%dma_wait3A_194, %dma_wait3A_195] : memref<16x128xi32, #tpu.memory_space<vmem>> -> memref<1x128xi32, #tpu.memory_space<vmem>>
      %dma_wait3A_197 = tpu.memref_squeeze %dma_wait3A_196 : memref<1x128xi32, #tpu.memory_space<vmem>> -> memref<128xi32, #tpu.memory_space<vmem>>
      %dma_wait3A_198 = arith.constant 0 : i32
      %dma_wait3A_199 = arith.constant 0 : i32
      %dma_wait3A_200 = tpu.memref_slice %arg2[%arg0, %dma_wait3A_198, %dma_wait3A_199] : memref<2x10112x64xf32, #tpu.memory_space<hbm>> -> memref<1x10112x64xf32, #tpu.memory_space<hbm>>
      %dma_wait3A_201 = tpu.memref_squeeze %dma_wait3A_200 : memref<1x10112x64xf32, #tpu.memory_space<hbm>> -> memref<10112x64xf32, #tpu.memory_space<hbm>>
      %dma_wait3A_202 = arith.constant 0 : i32
      %dma_wait3A_203 = arith.constant 0 : i32
      %dma_wait3A_204 = tpu.memref_slice %dma_wait3A_201[%dma_wait3A_202, %dma_wait3A_203] : memref<10112x64xf32, #tpu.memory_space<hbm>> -> memref<10112x64xf32, #tpu.memory_space<hbm>>
      tpu.wait_indirect_dma semaphore(%arg22 : memref<!tpu.dma_semaphore, #tpu.memory_space<semaphore_mem>>) src(%dma_wait3A_204 : memref<10112x64xf32, #tpu.memory_space<hbm>>) dst(%arg16 : memref<128x64xf32, #tpu.memory_space<vmem>>)
      %dma_start3A_205 = arith.constant 3 : i32
      %dma_start3A_206 = arith.constant 0 : i32
      %dma_start3A_207 = tpu.memref_slice %arg11[%dma_start3A_205, %dma_start3A_206] : memref<16x128xi32, #tpu.memory_space<vmem>> -> memref<1x128xi32, #tpu.memory_space<vmem>>
      %dma_start3A_208 = tpu.memref_squeeze %dma_start3A_207 : memref<1x128xi32, #tpu.memory_space<vmem>> -> memref<128xi32, #tpu.memory_space<vmem>>
      %dma_start3A_209 = arith.constant 0 : i32
      %dma_start3A_210 = arith.constant 0 : i32
      %dma_start3A_211 = tpu.memref_slice %arg18[%dma_start3A_209, %dma_start3A_210] : memref<10112x64xf32, #tpu.memory_space<vmem_shared>> -> memref<10112x64xf32, #tpu.memory_space<vmem_shared>>
      tpu.enqueue_indirect_dma source(%arg16 : memref<128x64xf32, #tpu.memory_space<vmem>>) target(%dma_start3A_211 : memref<10112x64xf32, #tpu.memory_space<vmem_shared>>) offsets(%dma_start3A_208 : memref<128xi32, #tpu.memory_space<vmem>>) semaphore(%arg23 : memref<!tpu.dma_semaphore, #tpu.memory_space<semaphore_mem>>) {add = true}
      %dma_start3A_212 = arith.constant 3 : i32
      %dma_start3A_213 = arith.constant 384 : i32
      %dma_start3A_214 = arith.constant 0 : i32
      %dma_start3A_215 = tpu.memref_slice %arg14[%dma_start3A_213, %dma_start3A_214] : memref<2048x16xf32, #tpu.memory_space<vmem>> -> memref<128x16xf32, #tpu.memory_space<vmem>>
      %dma_start3A_216 = arith.constant 0 : i32
      %dma_start3A_217 = tpu.memref_slice %arg13[%dma_start3A_212, %dma_start3A_216] : memref<16x128xi32, #tpu.memory_space<vmem>> -> memref<1x128xi32, #tpu.memory_space<vmem>>
      %dma_start3A_218 = tpu.memref_squeeze %dma_start3A_217 : memref<1x128xi32, #tpu.memory_space<vmem>> -> memref<128xi32, #tpu.memory_space<vmem>>
      %dma_start3A_219 = arith.constant 0 : i32
      %dma_start3A_220 = arith.constant 0 : i32
      %dma_start3A_221 = tpu.memref_slice %arg19[%dma_start3A_219, %dma_start3A_220] : memref<10112x16xf32, #tpu.memory_space<vmem_shared>> -> memref<10112x16xf32, #tpu.memory_space<vmem_shared>>
      tpu.enqueue_indirect_dma source(%dma_start3A_215 : memref<128x16xf32, #tpu.memory_space<vmem>>) target(%dma_start3A_221 : memref<10112x16xf32, #tpu.memory_space<vmem_shared>>) offsets(%dma_start3A_218 : memref<128xi32, #tpu.memory_space<vmem>>) semaphore(%arg24 : memref<!tpu.dma_semaphore, #tpu.memory_space<semaphore_mem>>) {add = true}
      %dma_start3A_222 = arith.constant 3 : i32
      %dma_start3A_223 = arith.constant 0 : i32
      %dma_start3A_224 = tpu.memref_slice %arg13[%dma_start3A_222, %dma_start3A_223] : memref<16x128xi32, #tpu.memory_space<vmem>> -> memref<1x128xi32, #tpu.memory_space<vmem>>
      %dma_start3A_225 = tpu.memref_squeeze %dma_start3A_224 : memref<1x128xi32, #tpu.memory_space<vmem>> -> memref<128xi32, #tpu.memory_space<vmem>>
      %dma_start3A_226 = arith.constant 0 : i32
      %dma_start3A_227 = arith.constant 0 : i32
      %dma_start3A_228 = tpu.memref_slice %arg20[%dma_start3A_226, %dma_start3A_227] : memref<10112x16xf32, #tpu.memory_space<vmem_shared>> -> memref<10112x16xf32, #tpu.memory_space<vmem_shared>>
      tpu.enqueue_indirect_dma source(%arg17 : memref<128x16xf32, #tpu.memory_space<vmem>>) target(%dma_start3A_228 : memref<10112x16xf32, #tpu.memory_space<vmem_shared>>) offsets(%dma_start3A_225 : memref<128xi32, #tpu.memory_space<vmem>>) semaphore(%arg24 : memref<!tpu.dma_semaphore, #tpu.memory_space<semaphore_mem>>) {add = true}
      %dma_wait3A_229 = arith.constant 3 : i32
      %dma_wait3A_230 = arith.constant 0 : i32
      %dma_wait3A_231 = tpu.memref_slice %arg11[%dma_wait3A_229, %dma_wait3A_230] : memref<16x128xi32, #tpu.memory_space<vmem>> -> memref<1x128xi32, #tpu.memory_space<vmem>>
      %dma_wait3A_232 = tpu.memref_squeeze %dma_wait3A_231 : memref<1x128xi32, #tpu.memory_space<vmem>> -> memref<128xi32, #tpu.memory_space<vmem>>
      %dma_wait3A_233 = arith.constant 0 : i32
      %dma_wait3A_234 = arith.constant 0 : i32
      %dma_wait3A_235 = tpu.memref_slice %arg18[%dma_wait3A_233, %dma_wait3A_234] : memref<10112x64xf32, #tpu.memory_space<vmem_shared>> -> memref<10112x64xf32, #tpu.memory_space<vmem_shared>>
      tpu.wait_indirect_dma semaphore(%arg23 : memref<!tpu.dma_semaphore, #tpu.memory_space<semaphore_mem>>) src(%arg16 : memref<128x64xf32, #tpu.memory_space<vmem>>) dst(%dma_wait3A_235 : memref<10112x64xf32, #tpu.memory_space<vmem_shared>>)
      %dma_start3A_236 = arith.constant 5 : i32
      %dma_start3A_237 = arith.constant 0 : i32
      %dma_start3A_238 = tpu.memref_slice %arg12[%dma_start3A_236, %dma_start3A_237] : memref<16x128xi32, #tpu.memory_space<vmem>> -> memref<1x128xi32, #tpu.memory_space<vmem>>
      %dma_start3A_239 = tpu.memref_squeeze %dma_start3A_238 : memref<1x128xi32, #tpu.memory_space<vmem>> -> memref<128xi32, #tpu.memory_space<vmem>>
      %dma_start3A_240 = arith.constant 0 : i32
      %dma_start3A_241 = arith.constant 0 : i32
      %dma_start3A_242 = tpu.memref_slice %arg2[%arg0, %dma_start3A_240, %dma_start3A_241] : memref<2x10112x64xf32, #tpu.memory_space<hbm>> -> memref<1x10112x64xf32, #tpu.memory_space<hbm>>
      %dma_start3A_243 = tpu.memref_squeeze %dma_start3A_242 : memref<1x10112x64xf32, #tpu.memory_space<hbm>> -> memref<10112x64xf32, #tpu.memory_space<hbm>>
      %dma_start3A_244 = arith.constant 0 : i32
      %dma_start3A_245 = arith.constant 0 : i32
      %dma_start3A_246 = tpu.memref_slice %dma_start3A_243[%dma_start3A_244, %dma_start3A_245] : memref<10112x64xf32, #tpu.memory_space<hbm>> -> memref<10112x64xf32, #tpu.memory_space<hbm>>
      tpu.enqueue_indirect_dma source(%dma_start3A_246 : memref<10112x64xf32, #tpu.memory_space<hbm>>) target(%arg16 : memref<128x64xf32, #tpu.memory_space<vmem>>) offsets(%dma_start3A_239 : memref<128xi32, #tpu.memory_space<vmem>>) semaphore(%arg22 : memref<!tpu.dma_semaphore, #tpu.memory_space<semaphore_mem>>)
      %dma_wait3A_247 = arith.constant 4 : i32
      %dma_wait3A_248 = arith.constant 0 : i32
      %dma_wait3A_249 = tpu.memref_slice %arg12[%dma_wait3A_247, %dma_wait3A_248] : memref<16x128xi32, #tpu.memory_space<vmem>> -> memref<1x128xi32, #tpu.memory_space<vmem>>
      %dma_wait3A_250 = tpu.memref_squeeze %dma_wait3A_249 : memref<1x128xi32, #tpu.memory_space<vmem>> -> memref<128xi32, #tpu.memory_space<vmem>>
      %dma_wait3A_251 = arith.constant 0 : i32
      %dma_wait3A_252 = arith.constant 0 : i32
      %dma_wait3A_253 = tpu.memref_slice %arg2[%arg0, %dma_wait3A_251, %dma_wait3A_252] : memref<2x10112x64xf32, #tpu.memory_space<hbm>> -> memref<1x10112x64xf32, #tpu.memory_space<hbm>>
      %dma_wait3A_254 = tpu.memref_squeeze %dma_wait3A_253 : memref<1x10112x64xf32, #tpu.memory_space<hbm>> -> memref<10112x64xf32, #tpu.memory_space<hbm>>
      %dma_wait3A_255 = arith.constant 0 : i32
      %dma_wait3A_256 = arith.constant 0 : i32
      %dma_wait3A_257 = tpu.memref_slice %dma_wait3A_254[%dma_wait3A_255, %dma_wait3A_256] : memref<10112x64xf32, #tpu.memory_space<hbm>> -> memref<10112x64xf32, #tpu.memory_space<hbm>>
      tpu.wait_indirect_dma semaphore(%arg21 : memref<!tpu.dma_semaphore, #tpu.memory_space<semaphore_mem>>) src(%dma_wait3A_257 : memref<10112x64xf32, #tpu.memory_space<hbm>>) dst(%arg15 : memref<128x64xf32, #tpu.memory_space<vmem>>)
      %dma_start3A_258 = arith.constant 4 : i32
      %dma_start3A_259 = arith.constant 0 : i32
      %dma_start3A_260 = tpu.memref_slice %arg11[%dma_start3A_258, %dma_start3A_259] : memref<16x128xi32, #tpu.memory_space<vmem>> -> memref<1x128xi32, #tpu.memory_space<vmem>>
      %dma_start3A_261 = tpu.memref_squeeze %dma_start3A_260 : memref<1x128xi32, #tpu.memory_space<vmem>> -> memref<128xi32, #tpu.memory_space<vmem>>
      %dma_start3A_262 = arith.constant 0 : i32
      %dma_start3A_263 = arith.constant 0 : i32
      %dma_start3A_264 = tpu.memref_slice %arg18[%dma_start3A_262, %dma_start3A_263] : memref<10112x64xf32, #tpu.memory_space<vmem_shared>> -> memref<10112x64xf32, #tpu.memory_space<vmem_shared>>
      tpu.enqueue_indirect_dma source(%arg15 : memref<128x64xf32, #tpu.memory_space<vmem>>) target(%dma_start3A_264 : memref<10112x64xf32, #tpu.memory_space<vmem_shared>>) offsets(%dma_start3A_261 : memref<128xi32, #tpu.memory_space<vmem>>) semaphore(%arg23 : memref<!tpu.dma_semaphore, #tpu.memory_space<semaphore_mem>>) {add = true}
      %dma_start3A_265 = arith.constant 4 : i32
      %dma_start3A_266 = arith.constant 512 : i32
      %dma_start3A_267 = arith.constant 0 : i32
      %dma_start3A_268 = tpu.memref_slice %arg14[%dma_start3A_266, %dma_start3A_267] : memref<2048x16xf32, #tpu.memory_space<vmem>> -> memref<128x16xf32, #tpu.memory_space<vmem>>
      %dma_start3A_269 = arith.constant 0 : i32
      %dma_start3A_270 = tpu.memref_slice %arg13[%dma_start3A_265, %dma_start3A_269] : memref<16x128xi32, #tpu.memory_space<vmem>> -> memref<1x128xi32, #tpu.memory_space<vmem>>
      %dma_start3A_271 = tpu.memref_squeeze %dma_start3A_270 : memref<1x128xi32, #tpu.memory_space<vmem>> -> memref<128xi32, #tpu.memory_space<vmem>>
      %dma_start3A_272 = arith.constant 0 : i32
      %dma_start3A_273 = arith.constant 0 : i32
      %dma_start3A_274 = tpu.memref_slice %arg19[%dma_start3A_272, %dma_start3A_273] : memref<10112x16xf32, #tpu.memory_space<vmem_shared>> -> memref<10112x16xf32, #tpu.memory_space<vmem_shared>>
      tpu.enqueue_indirect_dma source(%dma_start3A_268 : memref<128x16xf32, #tpu.memory_space<vmem>>) target(%dma_start3A_274 : memref<10112x16xf32, #tpu.memory_space<vmem_shared>>) offsets(%dma_start3A_271 : memref<128xi32, #tpu.memory_space<vmem>>) semaphore(%arg24 : memref<!tpu.dma_semaphore, #tpu.memory_space<semaphore_mem>>) {add = true}
      %dma_start3A_275 = arith.constant 4 : i32
      %dma_start3A_276 = arith.constant 0 : i32
      %dma_start3A_277 = tpu.memref_slice %arg13[%dma_start3A_275, %dma_start3A_276] : memref<16x128xi32, #tpu.memory_space<vmem>> -> memref<1x128xi32, #tpu.memory_space<vmem>>
      %dma_start3A_278 = tpu.memref_squeeze %dma_start3A_277 : memref<1x128xi32, #tpu.memory_space<vmem>> -> memref<128xi32, #tpu.memory_space<vmem>>
      %dma_start3A_279 = arith.constant 0 : i32
      %dma_start3A_280 = arith.constant 0 : i32
      %dma_start3A_281 = tpu.memref_slice %arg20[%dma_start3A_279, %dma_start3A_280] : memref<10112x16xf32, #tpu.memory_space<vmem_shared>> -> memref<10112x16xf32, #tpu.memory_space<vmem_shared>>
      tpu.enqueue_indirect_dma source(%arg17 : memref<128x16xf32, #tpu.memory_space<vmem>>) target(%dma_start3A_281 : memref<10112x16xf32, #tpu.memory_space<vmem_shared>>) offsets(%dma_start3A_278 : memref<128xi32, #tpu.memory_space<vmem>>) semaphore(%arg24 : memref<!tpu.dma_semaphore, #tpu.memory_space<semaphore_mem>>) {add = true}
      %dma_wait3A_282 = arith.constant 4 : i32
      %dma_wait3A_283 = arith.constant 0 : i32
      %dma_wait3A_284 = tpu.memref_slice %arg11[%dma_wait3A_282, %dma_wait3A_283] : memref<16x128xi32, #tpu.memory_space<vmem>> -> memref<1x128xi32, #tpu.memory_space<vmem>>
      %dma_wait3A_285 = tpu.memref_squeeze %dma_wait3A_284 : memref<1x128xi32, #tpu.memory_space<vmem>> -> memref<128xi32, #tpu.memory_space<vmem>>
      %dma_wait3A_286 = arith.constant 0 : i32
      %dma_wait3A_287 = arith.constant 0 : i32
      %dma_wait3A_288 = tpu.memref_slice %arg18[%dma_wait3A_286, %dma_wait3A_287] : memref<10112x64xf32, #tpu.memory_space<vmem_shared>> -> memref<10112x64xf32, #tpu.memory_space<vmem_shared>>
      tpu.wait_indirect_dma semaphore(%arg23 : memref<!tpu.dma_semaphore, #tpu.memory_space<semaphore_mem>>) src(%arg15 : memref<128x64xf32, #tpu.memory_space<vmem>>) dst(%dma_wait3A_288 : memref<10112x64xf32, #tpu.memory_space<vmem_shared>>)
      %dma_start3A_289 = arith.constant 6 : i32
      %dma_start3A_290 = arith.constant 0 : i32
      %dma_start3A_291 = tpu.memref_slice %arg12[%dma_start3A_289, %dma_start3A_290] : memref<16x128xi32, #tpu.memory_space<vmem>> -> memref<1x128xi32, #tpu.memory_space<vmem>>
      %dma_start3A_292 = tpu.memref_squeeze %dma_start3A_291 : memref<1x128xi32, #tpu.memory_space<vmem>> -> memref<128xi32, #tpu.memory_space<vmem>>
      %dma_start3A_293 = arith.constant 0 : i32
      %dma_start3A_294 = arith.constant 0 : i32
      %dma_start3A_295 = tpu.memref_slice %arg2[%arg0, %dma_start3A_293, %dma_start3A_294] : memref<2x10112x64xf32, #tpu.memory_space<hbm>> -> memref<1x10112x64xf32, #tpu.memory_space<hbm>>
      %dma_start3A_296 = tpu.memref_squeeze %dma_start3A_295 : memref<1x10112x64xf32, #tpu.memory_space<hbm>> -> memref<10112x64xf32, #tpu.memory_space<hbm>>
      %dma_start3A_297 = arith.constant 0 : i32
      %dma_start3A_298 = arith.constant 0 : i32
      %dma_start3A_299 = tpu.memref_slice %dma_start3A_296[%dma_start3A_297, %dma_start3A_298] : memref<10112x64xf32, #tpu.memory_space<hbm>> -> memref<10112x64xf32, #tpu.memory_space<hbm>>
      tpu.enqueue_indirect_dma source(%dma_start3A_299 : memref<10112x64xf32, #tpu.memory_space<hbm>>) target(%arg15 : memref<128x64xf32, #tpu.memory_space<vmem>>) offsets(%dma_start3A_292 : memref<128xi32, #tpu.memory_space<vmem>>) semaphore(%arg21 : memref<!tpu.dma_semaphore, #tpu.memory_space<semaphore_mem>>)
      %dma_wait3A_300 = arith.constant 5 : i32
      %dma_wait3A_301 = arith.constant 0 : i32
      %dma_wait3A_302 = tpu.memref_slice %arg12[%dma_wait3A_300, %dma_wait3A_301] : memref<16x128xi32, #tpu.memory_space<vmem>> -> memref<1x128xi32, #tpu.memory_space<vmem>>
      %dma_wait3A_303 = tpu.memref_squeeze %dma_wait3A_302 : memref<1x128xi32, #tpu.memory_space<vmem>> -> memref<128xi32, #tpu.memory_space<vmem>>
      %dma_wait3A_304 = arith.constant 0 : i32
      %dma_wait3A_305 = arith.constant 0 : i32
      %dma_wait3A_306 = tpu.memref_slice %arg2[%arg0, %dma_wait3A_304, %dma_wait3A_305] : memref<2x10112x64xf32, #tpu.memory_space<hbm>> -> memref<1x10112x64xf32, #tpu.memory_space<hbm>>
      %dma_wait3A_307 = tpu.memref_squeeze %dma_wait3A_306 : memref<1x10112x64xf32, #tpu.memory_space<hbm>> -> memref<10112x64xf32, #tpu.memory_space<hbm>>
      %dma_wait3A_308 = arith.constant 0 : i32
      %dma_wait3A_309 = arith.constant 0 : i32
      %dma_wait3A_310 = tpu.memref_slice %dma_wait3A_307[%dma_wait3A_308, %dma_wait3A_309] : memref<10112x64xf32, #tpu.memory_space<hbm>> -> memref<10112x64xf32, #tpu.memory_space<hbm>>
      tpu.wait_indirect_dma semaphore(%arg22 : memref<!tpu.dma_semaphore, #tpu.memory_space<semaphore_mem>>) src(%dma_wait3A_310 : memref<10112x64xf32, #tpu.memory_space<hbm>>) dst(%arg16 : memref<128x64xf32, #tpu.memory_space<vmem>>)
      %dma_start3A_311 = arith.constant 5 : i32
      %dma_start3A_312 = arith.constant 0 : i32
      %dma_start3A_313 = tpu.memref_slice %arg11[%dma_start3A_311, %dma_start3A_312] : memref<16x128xi32, #tpu.memory_space<vmem>> -> memref<1x128xi32, #tpu.memory_space<vmem>>
      %dma_start3A_314 = tpu.memref_squeeze %dma_start3A_313 : memref<1x128xi32, #tpu.memory_space<vmem>> -> memref<128xi32, #tpu.memory_space<vmem>>
      %dma_start3A_315 = arith.constant 0 : i32
      %dma_start3A_316 = arith.constant 0 : i32
      %dma_start3A_317 = tpu.memref_slice %arg18[%dma_start3A_315, %dma_start3A_316] : memref<10112x64xf32, #tpu.memory_space<vmem_shared>> -> memref<10112x64xf32, #tpu.memory_space<vmem_shared>>
      tpu.enqueue_indirect_dma source(%arg16 : memref<128x64xf32, #tpu.memory_space<vmem>>) target(%dma_start3A_317 : memref<10112x64xf32, #tpu.memory_space<vmem_shared>>) offsets(%dma_start3A_314 : memref<128xi32, #tpu.memory_space<vmem>>) semaphore(%arg23 : memref<!tpu.dma_semaphore, #tpu.memory_space<semaphore_mem>>) {add = true}
      %dma_start3A_318 = arith.constant 5 : i32
      %dma_start3A_319 = arith.constant 640 : i32
      %dma_start3A_320 = arith.constant 0 : i32
      %dma_start3A_321 = tpu.memref_slice %arg14[%dma_start3A_319, %dma_start3A_320] : memref<2048x16xf32, #tpu.memory_space<vmem>> -> memref<128x16xf32, #tpu.memory_space<vmem>>
      %dma_start3A_322 = arith.constant 0 : i32
      %dma_start3A_323 = tpu.memref_slice %arg13[%dma_start3A_318, %dma_start3A_322] : memref<16x128xi32, #tpu.memory_space<vmem>> -> memref<1x128xi32, #tpu.memory_space<vmem>>
      %dma_start3A_324 = tpu.memref_squeeze %dma_start3A_323 : memref<1x128xi32, #tpu.memory_space<vmem>> -> memref<128xi32, #tpu.memory_space<vmem>>
      %dma_start3A_325 = arith.constant 0 : i32
      %dma_start3A_326 = arith.constant 0 : i32
      %dma_start3A_327 = tpu.memref_slice %arg19[%dma_start3A_325, %dma_start3A_326] : memref<10112x16xf32, #tpu.memory_space<vmem_shared>> -> memref<10112x16xf32, #tpu.memory_space<vmem_shared>>
      tpu.enqueue_indirect_dma source(%dma_start3A_321 : memref<128x16xf32, #tpu.memory_space<vmem>>) target(%dma_start3A_327 : memref<10112x16xf32, #tpu.memory_space<vmem_shared>>) offsets(%dma_start3A_324 : memref<128xi32, #tpu.memory_space<vmem>>) semaphore(%arg24 : memref<!tpu.dma_semaphore, #tpu.memory_space<semaphore_mem>>) {add = true}
      %dma_start3A_328 = arith.constant 5 : i32
      %dma_start3A_329 = arith.constant 0 : i32
      %dma_start3A_330 = tpu.memref_slice %arg13[%dma_start3A_328, %dma_start3A_329] : memref<16x128xi32, #tpu.memory_space<vmem>> -> memref<1x128xi32, #tpu.memory_space<vmem>>
      %dma_start3A_331 = tpu.memref_squeeze %dma_start3A_330 : memref<1x128xi32, #tpu.memory_space<vmem>> -> memref<128xi32, #tpu.memory_space<vmem>>
      %dma_start3A_332 = arith.constant 0 : i32
      %dma_start3A_333 = arith.constant 0 : i32
      %dma_start3A_334 = tpu.memref_slice %arg20[%dma_start3A_332, %dma_start3A_333] : memref<10112x16xf32, #tpu.memory_space<vmem_shared>> -> memref<10112x16xf32, #tpu.memory_space<vmem_shared>>
      tpu.enqueue_indirect_dma source(%arg17 : memref<128x16xf32, #tpu.memory_space<vmem>>) target(%dma_start3A_334 : memref<10112x16xf32, #tpu.memory_space<vmem_shared>>) offsets(%dma_start3A_331 : memref<128xi32, #tpu.memory_space<vmem>>) semaphore(%arg24 : memref<!tpu.dma_semaphore, #tpu.memory_space<semaphore_mem>>) {add = true}
      %dma_wait3A_335 = arith.constant 5 : i32
      %dma_wait3A_336 = arith.constant 0 : i32
      %dma_wait3A_337 = tpu.memref_slice %arg11[%dma_wait3A_335, %dma_wait3A_336] : memref<16x128xi32, #tpu.memory_space<vmem>> -> memref<1x128xi32, #tpu.memory_space<vmem>>
      %dma_wait3A_338 = tpu.memref_squeeze %dma_wait3A_337 : memref<1x128xi32, #tpu.memory_space<vmem>> -> memref<128xi32, #tpu.memory_space<vmem>>
      %dma_wait3A_339 = arith.constant 0 : i32
      %dma_wait3A_340 = arith.constant 0 : i32
      %dma_wait3A_341 = tpu.memref_slice %arg18[%dma_wait3A_339, %dma_wait3A_340] : memref<10112x64xf32, #tpu.memory_space<vmem_shared>> -> memref<10112x64xf32, #tpu.memory_space<vmem_shared>>
      tpu.wait_indirect_dma semaphore(%arg23 : memref<!tpu.dma_semaphore, #tpu.memory_space<semaphore_mem>>) src(%arg16 : memref<128x64xf32, #tpu.memory_space<vmem>>) dst(%dma_wait3A_341 : memref<10112x64xf32, #tpu.memory_space<vmem_shared>>)
      %dma_start3A_342 = arith.constant 7 : i32
      %dma_start3A_343 = arith.constant 0 : i32
      %dma_start3A_344 = tpu.memref_slice %arg12[%dma_start3A_342, %dma_start3A_343] : memref<16x128xi32, #tpu.memory_space<vmem>> -> memref<1x128xi32, #tpu.memory_space<vmem>>
      %dma_start3A_345 = tpu.memref_squeeze %dma_start3A_344 : memref<1x128xi32, #tpu.memory_space<vmem>> -> memref<128xi32, #tpu.memory_space<vmem>>
      %dma_start3A_346 = arith.constant 0 : i32
      %dma_start3A_347 = arith.constant 0 : i32
      %dma_start3A_348 = tpu.memref_slice %arg2[%arg0, %dma_start3A_346, %dma_start3A_347] : memref<2x10112x64xf32, #tpu.memory_space<hbm>> -> memref<1x10112x64xf32, #tpu.memory_space<hbm>>
      %dma_start3A_349 = tpu.memref_squeeze %dma_start3A_348 : memref<1x10112x64xf32, #tpu.memory_space<hbm>> -> memref<10112x64xf32, #tpu.memory_space<hbm>>
      %dma_start3A_350 = arith.constant 0 : i32
      %dma_start3A_351 = arith.constant 0 : i32
      %dma_start3A_352 = tpu.memref_slice %dma_start3A_349[%dma_start3A_350, %dma_start3A_351] : memref<10112x64xf32, #tpu.memory_space<hbm>> -> memref<10112x64xf32, #tpu.memory_space<hbm>>
      tpu.enqueue_indirect_dma source(%dma_start3A_352 : memref<10112x64xf32, #tpu.memory_space<hbm>>) target(%arg16 : memref<128x64xf32, #tpu.memory_space<vmem>>) offsets(%dma_start3A_345 : memref<128xi32, #tpu.memory_space<vmem>>) semaphore(%arg22 : memref<!tpu.dma_semaphore, #tpu.memory_space<semaphore_mem>>)
      %dma_wait3A_353 = arith.constant 6 : i32
      %dma_wait3A_354 = arith.constant 0 : i32
      %dma_wait3A_355 = tpu.memref_slice %arg12[%dma_wait3A_353, %dma_wait3A_354] : memref<16x128xi32, #tpu.memory_space<vmem>> -> memref<1x128xi32, #tpu.memory_space<vmem>>
      %dma_wait3A_356 = tpu.memref_squeeze %dma_wait3A_355 : memref<1x128xi32, #tpu.memory_space<vmem>> -> memref<128xi32, #tpu.memory_space<vmem>>
      %dma_wait3A_357 = arith.constant 0 : i32
      %dma_wait3A_358 = arith.constant 0 : i32
      %dma_wait3A_359 = tpu.memref_slice %arg2[%arg0, %dma_wait3A_357, %dma_wait3A_358] : memref<2x10112x64xf32, #tpu.memory_space<hbm>> -> memref<1x10112x64xf32, #tpu.memory_space<hbm>>
      %dma_wait3A_360 = tpu.memref_squeeze %dma_wait3A_359 : memref<1x10112x64xf32, #tpu.memory_space<hbm>> -> memref<10112x64xf32, #tpu.memory_space<hbm>>
      %dma_wait3A_361 = arith.constant 0 : i32
      %dma_wait3A_362 = arith.constant 0 : i32
      %dma_wait3A_363 = tpu.memref_slice %dma_wait3A_360[%dma_wait3A_361, %dma_wait3A_362] : memref<10112x64xf32, #tpu.memory_space<hbm>> -> memref<10112x64xf32, #tpu.memory_space<hbm>>
      tpu.wait_indirect_dma semaphore(%arg21 : memref<!tpu.dma_semaphore, #tpu.memory_space<semaphore_mem>>) src(%dma_wait3A_363 : memref<10112x64xf32, #tpu.memory_space<hbm>>) dst(%arg15 : memref<128x64xf32, #tpu.memory_space<vmem>>)
      %dma_start3A_364 = arith.constant 6 : i32
      %dma_start3A_365 = arith.constant 0 : i32
      %dma_start3A_366 = tpu.memref_slice %arg11[%dma_start3A_364, %dma_start3A_365] : memref<16x128xi32, #tpu.memory_space<vmem>> -> memref<1x128xi32, #tpu.memory_space<vmem>>
      %dma_start3A_367 = tpu.memref_squeeze %dma_start3A_366 : memref<1x128xi32, #tpu.memory_space<vmem>> -> memref<128xi32, #tpu.memory_space<vmem>>
      %dma_start3A_368 = arith.constant 0 : i32
      %dma_start3A_369 = arith.constant 0 : i32
      %dma_start3A_370 = tpu.memref_slice %arg18[%dma_start3A_368, %dma_start3A_369] : memref<10112x64xf32, #tpu.memory_space<vmem_shared>> -> memref<10112x64xf32, #tpu.memory_space<vmem_shared>>
      tpu.enqueue_indirect_dma source(%arg15 : memref<128x64xf32, #tpu.memory_space<vmem>>) target(%dma_start3A_370 : memref<10112x64xf32, #tpu.memory_space<vmem_shared>>) offsets(%dma_start3A_367 : memref<128xi32, #tpu.memory_space<vmem>>) semaphore(%arg23 : memref<!tpu.dma_semaphore, #tpu.memory_space<semaphore_mem>>) {add = true}
      %dma_start3A_371 = arith.constant 6 : i32
      %dma_start3A_372 = arith.constant 768 : i32
      %dma_start3A_373 = arith.constant 0 : i32
      %dma_start3A_374 = tpu.memref_slice %arg14[%dma_start3A_372, %dma_start3A_373] : memref<2048x16xf32, #tpu.memory_space<vmem>> -> memref<128x16xf32, #tpu.memory_space<vmem>>
      %dma_start3A_375 = arith.constant 0 : i32
      %dma_start3A_376 = tpu.memref_slice %arg13[%dma_start3A_371, %dma_start3A_375] : memref<16x128xi32, #tpu.memory_space<vmem>> -> memref<1x128xi32, #tpu.memory_space<vmem>>
      %dma_start3A_377 = tpu.memref_squeeze %dma_start3A_376 : memref<1x128xi32, #tpu.memory_space<vmem>> -> memref<128xi32, #tpu.memory_space<vmem>>
      %dma_start3A_378 = arith.constant 0 : i32
      %dma_start3A_379 = arith.constant 0 : i32
      %dma_start3A_380 = tpu.memref_slice %arg19[%dma_start3A_378, %dma_start3A_379] : memref<10112x16xf32, #tpu.memory_space<vmem_shared>> -> memref<10112x16xf32, #tpu.memory_space<vmem_shared>>
      tpu.enqueue_indirect_dma source(%dma_start3A_374 : memref<128x16xf32, #tpu.memory_space<vmem>>) target(%dma_start3A_380 : memref<10112x16xf32, #tpu.memory_space<vmem_shared>>) offsets(%dma_start3A_377 : memref<128xi32, #tpu.memory_space<vmem>>) semaphore(%arg24 : memref<!tpu.dma_semaphore, #tpu.memory_space<semaphore_mem>>) {add = true}
      %dma_start3A_381 = arith.constant 6 : i32
      %dma_start3A_382 = arith.constant 0 : i32
      %dma_start3A_383 = tpu.memref_slice %arg13[%dma_start3A_381, %dma_start3A_382] : memref<16x128xi32, #tpu.memory_space<vmem>> -> memref<1x128xi32, #tpu.memory_space<vmem>>
      %dma_start3A_384 = tpu.memref_squeeze %dma_start3A_383 : memref<1x128xi32, #tpu.memory_space<vmem>> -> memref<128xi32, #tpu.memory_space<vmem>>
      %dma_start3A_385 = arith.constant 0 : i32
      %dma_start3A_386 = arith.constant 0 : i32
      %dma_start3A_387 = tpu.memref_slice %arg20[%dma_start3A_385, %dma_start3A_386] : memref<10112x16xf32, #tpu.memory_space<vmem_shared>> -> memref<10112x16xf32, #tpu.memory_space<vmem_shared>>
      tpu.enqueue_indirect_dma source(%arg17 : memref<128x16xf32, #tpu.memory_space<vmem>>) target(%dma_start3A_387 : memref<10112x16xf32, #tpu.memory_space<vmem_shared>>) offsets(%dma_start3A_384 : memref<128xi32, #tpu.memory_space<vmem>>) semaphore(%arg24 : memref<!tpu.dma_semaphore, #tpu.memory_space<semaphore_mem>>) {add = true}
      %dma_wait3A_388 = arith.constant 6 : i32
      %dma_wait3A_389 = arith.constant 0 : i32
      %dma_wait3A_390 = tpu.memref_slice %arg11[%dma_wait3A_388, %dma_wait3A_389] : memref<16x128xi32, #tpu.memory_space<vmem>> -> memref<1x128xi32, #tpu.memory_space<vmem>>
      %dma_wait3A_391 = tpu.memref_squeeze %dma_wait3A_390 : memref<1x128xi32, #tpu.memory_space<vmem>> -> memref<128xi32, #tpu.memory_space<vmem>>
      %dma_wait3A_392 = arith.constant 0 : i32
      %dma_wait3A_393 = arith.constant 0 : i32
      %dma_wait3A_394 = tpu.memref_slice %arg18[%dma_wait3A_392, %dma_wait3A_393] : memref<10112x64xf32, #tpu.memory_space<vmem_shared>> -> memref<10112x64xf32, #tpu.memory_space<vmem_shared>>
      tpu.wait_indirect_dma semaphore(%arg23 : memref<!tpu.dma_semaphore, #tpu.memory_space<semaphore_mem>>) src(%arg15 : memref<128x64xf32, #tpu.memory_space<vmem>>) dst(%dma_wait3A_394 : memref<10112x64xf32, #tpu.memory_space<vmem_shared>>)
      %dma_start3A_395 = arith.constant 8 : i32
      %dma_start3A_396 = arith.constant 0 : i32
      %dma_start3A_397 = tpu.memref_slice %arg12[%dma_start3A_395, %dma_start3A_396] : memref<16x128xi32, #tpu.memory_space<vmem>> -> memref<1x128xi32, #tpu.memory_space<vmem>>
      %dma_start3A_398 = tpu.memref_squeeze %dma_start3A_397 : memref<1x128xi32, #tpu.memory_space<vmem>> -> memref<128xi32, #tpu.memory_space<vmem>>
      %dma_start3A_399 = arith.constant 0 : i32
      %dma_start3A_400 = arith.constant 0 : i32
      %dma_start3A_401 = tpu.memref_slice %arg2[%arg0, %dma_start3A_399, %dma_start3A_400] : memref<2x10112x64xf32, #tpu.memory_space<hbm>> -> memref<1x10112x64xf32, #tpu.memory_space<hbm>>
      %dma_start3A_402 = tpu.memref_squeeze %dma_start3A_401 : memref<1x10112x64xf32, #tpu.memory_space<hbm>> -> memref<10112x64xf32, #tpu.memory_space<hbm>>
      %dma_start3A_403 = arith.constant 0 : i32
      %dma_start3A_404 = arith.constant 0 : i32
      %dma_start3A_405 = tpu.memref_slice %dma_start3A_402[%dma_start3A_403, %dma_start3A_404] : memref<10112x64xf32, #tpu.memory_space<hbm>> -> memref<10112x64xf32, #tpu.memory_space<hbm>>
      tpu.enqueue_indirect_dma source(%dma_start3A_405 : memref<10112x64xf32, #tpu.memory_space<hbm>>) target(%arg15 : memref<128x64xf32, #tpu.memory_space<vmem>>) offsets(%dma_start3A_398 : memref<128xi32, #tpu.memory_space<vmem>>) semaphore(%arg21 : memref<!tpu.dma_semaphore, #tpu.memory_space<semaphore_mem>>)
      %dma_wait3A_406 = arith.constant 7 : i32
      %dma_wait3A_407 = arith.constant 0 : i32
      %dma_wait3A_408 = tpu.memref_slice %arg12[%dma_wait3A_406, %dma_wait3A_407] : memref<16x128xi32, #tpu.memory_space<vmem>> -> memref<1x128xi32, #tpu.memory_space<vmem>>
      %dma_wait3A_409 = tpu.memref_squeeze %dma_wait3A_408 : memref<1x128xi32, #tpu.memory_space<vmem>> -> memref<128xi32, #tpu.memory_space<vmem>>
      %dma_wait3A_410 = arith.constant 0 : i32
      %dma_wait3A_411 = arith.constant 0 : i32
      %dma_wait3A_412 = tpu.memref_slice %arg2[%arg0, %dma_wait3A_410, %dma_wait3A_411] : memref<2x10112x64xf32, #tpu.memory_space<hbm>> -> memref<1x10112x64xf32, #tpu.memory_space<hbm>>
      %dma_wait3A_413 = tpu.memref_squeeze %dma_wait3A_412 : memref<1x10112x64xf32, #tpu.memory_space<hbm>> -> memref<10112x64xf32, #tpu.memory_space<hbm>>
      %dma_wait3A_414 = arith.constant 0 : i32
      %dma_wait3A_415 = arith.constant 0 : i32
      %dma_wait3A_416 = tpu.memref_slice %dma_wait3A_413[%dma_wait3A_414, %dma_wait3A_415] : memref<10112x64xf32, #tpu.memory_space<hbm>> -> memref<10112x64xf32, #tpu.memory_space<hbm>>
      tpu.wait_indirect_dma semaphore(%arg22 : memref<!tpu.dma_semaphore, #tpu.memory_space<semaphore_mem>>) src(%dma_wait3A_416 : memref<10112x64xf32, #tpu.memory_space<hbm>>) dst(%arg16 : memref<128x64xf32, #tpu.memory_space<vmem>>)
      %dma_start3A_417 = arith.constant 7 : i32
      %dma_start3A_418 = arith.constant 0 : i32
      %dma_start3A_419 = tpu.memref_slice %arg11[%dma_start3A_417, %dma_start3A_418] : memref<16x128xi32, #tpu.memory_space<vmem>> -> memref<1x128xi32, #tpu.memory_space<vmem>>
      %dma_start3A_420 = tpu.memref_squeeze %dma_start3A_419 : memref<1x128xi32, #tpu.memory_space<vmem>> -> memref<128xi32, #tpu.memory_space<vmem>>
      %dma_start3A_421 = arith.constant 0 : i32
      %dma_start3A_422 = arith.constant 0 : i32
      %dma_start3A_423 = tpu.memref_slice %arg18[%dma_start3A_421, %dma_start3A_422] : memref<10112x64xf32, #tpu.memory_space<vmem_shared>> -> memref<10112x64xf32, #tpu.memory_space<vmem_shared>>
      tpu.enqueue_indirect_dma source(%arg16 : memref<128x64xf32, #tpu.memory_space<vmem>>) target(%dma_start3A_423 : memref<10112x64xf32, #tpu.memory_space<vmem_shared>>) offsets(%dma_start3A_420 : memref<128xi32, #tpu.memory_space<vmem>>) semaphore(%arg23 : memref<!tpu.dma_semaphore, #tpu.memory_space<semaphore_mem>>) {add = true}
      %dma_start3A_424 = arith.constant 7 : i32
      %dma_start3A_425 = arith.constant 896 : i32
      %dma_start3A_426 = arith.constant 0 : i32
      %dma_start3A_427 = tpu.memref_slice %arg14[%dma_start3A_425, %dma_start3A_426] : memref<2048x16xf32, #tpu.memory_space<vmem>> -> memref<128x16xf32, #tpu.memory_space<vmem>>
      %dma_start3A_428 = arith.constant 0 : i32
      %dma_start3A_429 = tpu.memref_slice %arg13[%dma_start3A_424, %dma_start3A_428] : memref<16x128xi32, #tpu.memory_space<vmem>> -> memref<1x128xi32, #tpu.memory_space<vmem>>
      %dma_start3A_430 = tpu.memref_squeeze %dma_start3A_429 : memref<1x128xi32, #tpu.memory_space<vmem>> -> memref<128xi32, #tpu.memory_space<vmem>>
      %dma_start3A_431 = arith.constant 0 : i32
      %dma_start3A_432 = arith.constant 0 : i32
      %dma_start3A_433 = tpu.memref_slice %arg19[%dma_start3A_431, %dma_start3A_432] : memref<10112x16xf32, #tpu.memory_space<vmem_shared>> -> memref<10112x16xf32, #tpu.memory_space<vmem_shared>>
      tpu.enqueue_indirect_dma source(%dma_start3A_427 : memref<128x16xf32, #tpu.memory_space<vmem>>) target(%dma_start3A_433 : memref<10112x16xf32, #tpu.memory_space<vmem_shared>>) offsets(%dma_start3A_430 : memref<128xi32, #tpu.memory_space<vmem>>) semaphore(%arg24 : memref<!tpu.dma_semaphore, #tpu.memory_space<semaphore_mem>>) {add = true}
      %dma_start3A_434 = arith.constant 7 : i32
      %dma_start3A_435 = arith.constant 0 : i32
      %dma_start3A_436 = tpu.memref_slice %arg13[%dma_start3A_434, %dma_start3A_435] : memref<16x128xi32, #tpu.memory_space<vmem>> -> memref<1x128xi32, #tpu.memory_space<vmem>>
      %dma_start3A_437 = tpu.memref_squeeze %dma_start3A_436 : memref<1x128xi32, #tpu.memory_space<vmem>> -> memref<128xi32, #tpu.memory_space<vmem>>
      %dma_start3A_438 = arith.constant 0 : i32
      %dma_start3A_439 = arith.constant 0 : i32
      %dma_start3A_440 = tpu.memref_slice %arg20[%dma_start3A_438, %dma_start3A_439] : memref<10112x16xf32, #tpu.memory_space<vmem_shared>> -> memref<10112x16xf32, #tpu.memory_space<vmem_shared>>
      tpu.enqueue_indirect_dma source(%arg17 : memref<128x16xf32, #tpu.memory_space<vmem>>) target(%dma_start3A_440 : memref<10112x16xf32, #tpu.memory_space<vmem_shared>>) offsets(%dma_start3A_437 : memref<128xi32, #tpu.memory_space<vmem>>) semaphore(%arg24 : memref<!tpu.dma_semaphore, #tpu.memory_space<semaphore_mem>>) {add = true}
      %dma_wait3A_441 = arith.constant 7 : i32
      %dma_wait3A_442 = arith.constant 0 : i32
      %dma_wait3A_443 = tpu.memref_slice %arg11[%dma_wait3A_441, %dma_wait3A_442] : memref<16x128xi32, #tpu.memory_space<vmem>> -> memref<1x128xi32, #tpu.memory_space<vmem>>
      %dma_wait3A_444 = tpu.memref_squeeze %dma_wait3A_443 : memref<1x128xi32, #tpu.memory_space<vmem>> -> memref<128xi32, #tpu.memory_space<vmem>>
      %dma_wait3A_445 = arith.constant 0 : i32
      %dma_wait3A_446 = arith.constant 0 : i32
      %dma_wait3A_447 = tpu.memref_slice %arg18[%dma_wait3A_445, %dma_wait3A_446] : memref<10112x64xf32, #tpu.memory_space<vmem_shared>> -> memref<10112x64xf32, #tpu.memory_space<vmem_shared>>
      tpu.wait_indirect_dma semaphore(%arg23 : memref<!tpu.dma_semaphore, #tpu.memory_space<semaphore_mem>>) src(%arg16 : memref<128x64xf32, #tpu.memory_space<vmem>>) dst(%dma_wait3A_447 : memref<10112x64xf32, #tpu.memory_space<vmem_shared>>)
      %dma_start3A_448 = arith.constant 9 : i32
      %dma_start3A_449 = arith.constant 0 : i32
      %dma_start3A_450 = tpu.memref_slice %arg12[%dma_start3A_448, %dma_start3A_449] : memref<16x128xi32, #tpu.memory_space<vmem>> -> memref<1x128xi32, #tpu.memory_space<vmem>>
      %dma_start3A_451 = tpu.memref_squeeze %dma_start3A_450 : memref<1x128xi32, #tpu.memory_space<vmem>> -> memref<128xi32, #tpu.memory_space<vmem>>
      %dma_start3A_452 = arith.constant 0 : i32
      %dma_start3A_453 = arith.constant 0 : i32
      %dma_start3A_454 = tpu.memref_slice %arg2[%arg0, %dma_start3A_452, %dma_start3A_453] : memref<2x10112x64xf32, #tpu.memory_space<hbm>> -> memref<1x10112x64xf32, #tpu.memory_space<hbm>>
      %dma_start3A_455 = tpu.memref_squeeze %dma_start3A_454 : memref<1x10112x64xf32, #tpu.memory_space<hbm>> -> memref<10112x64xf32, #tpu.memory_space<hbm>>
      %dma_start3A_456 = arith.constant 0 : i32
      %dma_start3A_457 = arith.constant 0 : i32
      %dma_start3A_458 = tpu.memref_slice %dma_start3A_455[%dma_start3A_456, %dma_start3A_457] : memref<10112x64xf32, #tpu.memory_space<hbm>> -> memref<10112x64xf32, #tpu.memory_space<hbm>>
      tpu.enqueue_indirect_dma source(%dma_start3A_458 : memref<10112x64xf32, #tpu.memory_space<hbm>>) target(%arg16 : memref<128x64xf32, #tpu.memory_space<vmem>>) offsets(%dma_start3A_451 : memref<128xi32, #tpu.memory_space<vmem>>) semaphore(%arg22 : memref<!tpu.dma_semaphore, #tpu.memory_space<semaphore_mem>>)
      %dma_wait3A_459 = arith.constant 8 : i32
      %dma_wait3A_460 = arith.constant 0 : i32
      %dma_wait3A_461 = tpu.memref_slice %arg12[%dma_wait3A_459, %dma_wait3A_460] : memref<16x128xi32, #tpu.memory_space<vmem>> -> memref<1x128xi32, #tpu.memory_space<vmem>>
      %dma_wait3A_462 = tpu.memref_squeeze %dma_wait3A_461 : memref<1x128xi32, #tpu.memory_space<vmem>> -> memref<128xi32, #tpu.memory_space<vmem>>
      %dma_wait3A_463 = arith.constant 0 : i32
      %dma_wait3A_464 = arith.constant 0 : i32
      %dma_wait3A_465 = tpu.memref_slice %arg2[%arg0, %dma_wait3A_463, %dma_wait3A_464] : memref<2x10112x64xf32, #tpu.memory_space<hbm>> -> memref<1x10112x64xf32, #tpu.memory_space<hbm>>
      %dma_wait3A_466 = tpu.memref_squeeze %dma_wait3A_465 : memref<1x10112x64xf32, #tpu.memory_space<hbm>> -> memref<10112x64xf32, #tpu.memory_space<hbm>>
      %dma_wait3A_467 = arith.constant 0 : i32
      %dma_wait3A_468 = arith.constant 0 : i32
      %dma_wait3A_469 = tpu.memref_slice %dma_wait3A_466[%dma_wait3A_467, %dma_wait3A_468] : memref<10112x64xf32, #tpu.memory_space<hbm>> -> memref<10112x64xf32, #tpu.memory_space<hbm>>
      tpu.wait_indirect_dma semaphore(%arg21 : memref<!tpu.dma_semaphore, #tpu.memory_space<semaphore_mem>>) src(%dma_wait3A_469 : memref<10112x64xf32, #tpu.memory_space<hbm>>) dst(%arg15 : memref<128x64xf32, #tpu.memory_space<vmem>>)
      %dma_start3A_470 = arith.constant 8 : i32
      %dma_start3A_471 = arith.constant 0 : i32
      %dma_start3A_472 = tpu.memref_slice %arg11[%dma_start3A_470, %dma_start3A_471] : memref<16x128xi32, #tpu.memory_space<vmem>> -> memref<1x128xi32, #tpu.memory_space<vmem>>
      %dma_start3A_473 = tpu.memref_squeeze %dma_start3A_472 : memref<1x128xi32, #tpu.memory_space<vmem>> -> memref<128xi32, #tpu.memory_space<vmem>>
      %dma_start3A_474 = arith.constant 0 : i32
      %dma_start3A_475 = arith.constant 0 : i32
      %dma_start3A_476 = tpu.memref_slice %arg18[%dma_start3A_474, %dma_start3A_475] : memref<10112x64xf32, #tpu.memory_space<vmem_shared>> -> memref<10112x64xf32, #tpu.memory_space<vmem_shared>>
      tpu.enqueue_indirect_dma source(%arg15 : memref<128x64xf32, #tpu.memory_space<vmem>>) target(%dma_start3A_476 : memref<10112x64xf32, #tpu.memory_space<vmem_shared>>) offsets(%dma_start3A_473 : memref<128xi32, #tpu.memory_space<vmem>>) semaphore(%arg23 : memref<!tpu.dma_semaphore, #tpu.memory_space<semaphore_mem>>) {add = true}
      %dma_start3A_477 = arith.constant 8 : i32
      %dma_start3A_478 = arith.constant 1024 : i32
      %dma_start3A_479 = arith.constant 0 : i32
      %dma_start3A_480 = tpu.memref_slice %arg14[%dma_start3A_478, %dma_start3A_479] : memref<2048x16xf32, #tpu.memory_space<vmem>> -> memref<128x16xf32, #tpu.memory_space<vmem>>
      %dma_start3A_481 = arith.constant 0 : i32
      %dma_start3A_482 = tpu.memref_slice %arg13[%dma_start3A_477, %dma_start3A_481] : memref<16x128xi32, #tpu.memory_space<vmem>> -> memref<1x128xi32, #tpu.memory_space<vmem>>
      %dma_start3A_483 = tpu.memref_squeeze %dma_start3A_482 : memref<1x128xi32, #tpu.memory_space<vmem>> -> memref<128xi32, #tpu.memory_space<vmem>>
      %dma_start3A_484 = arith.constant 0 : i32
      %dma_start3A_485 = arith.constant 0 : i32
      %dma_start3A_486 = tpu.memref_slice %arg19[%dma_start3A_484, %dma_start3A_485] : memref<10112x16xf32, #tpu.memory_space<vmem_shared>> -> memref<10112x16xf32, #tpu.memory_space<vmem_shared>>
      tpu.enqueue_indirect_dma source(%dma_start3A_480 : memref<128x16xf32, #tpu.memory_space<vmem>>) target(%dma_start3A_486 : memref<10112x16xf32, #tpu.memory_space<vmem_shared>>) offsets(%dma_start3A_483 : memref<128xi32, #tpu.memory_space<vmem>>) semaphore(%arg24 : memref<!tpu.dma_semaphore, #tpu.memory_space<semaphore_mem>>) {add = true}
      %dma_start3A_487 = arith.constant 8 : i32
      %dma_start3A_488 = arith.constant 0 : i32
      %dma_start3A_489 = tpu.memref_slice %arg13[%dma_start3A_487, %dma_start3A_488] : memref<16x128xi32, #tpu.memory_space<vmem>> -> memref<1x128xi32, #tpu.memory_space<vmem>>
      %dma_start3A_490 = tpu.memref_squeeze %dma_start3A_489 : memref<1x128xi32, #tpu.memory_space<vmem>> -> memref<128xi32, #tpu.memory_space<vmem>>
      %dma_start3A_491 = arith.constant 0 : i32
      %dma_start3A_492 = arith.constant 0 : i32
      %dma_start3A_493 = tpu.memref_slice %arg20[%dma_start3A_491, %dma_start3A_492] : memref<10112x16xf32, #tpu.memory_space<vmem_shared>> -> memref<10112x16xf32, #tpu.memory_space<vmem_shared>>
      tpu.enqueue_indirect_dma source(%arg17 : memref<128x16xf32, #tpu.memory_space<vmem>>) target(%dma_start3A_493 : memref<10112x16xf32, #tpu.memory_space<vmem_shared>>) offsets(%dma_start3A_490 : memref<128xi32, #tpu.memory_space<vmem>>) semaphore(%arg24 : memref<!tpu.dma_semaphore, #tpu.memory_space<semaphore_mem>>) {add = true}
      %dma_wait3A_494 = arith.constant 8 : i32
      %dma_wait3A_495 = arith.constant 0 : i32
      %dma_wait3A_496 = tpu.memref_slice %arg11[%dma_wait3A_494, %dma_wait3A_495] : memref<16x128xi32, #tpu.memory_space<vmem>> -> memref<1x128xi32, #tpu.memory_space<vmem>>
      %dma_wait3A_497 = tpu.memref_squeeze %dma_wait3A_496 : memref<1x128xi32, #tpu.memory_space<vmem>> -> memref<128xi32, #tpu.memory_space<vmem>>
      %dma_wait3A_498 = arith.constant 0 : i32
      %dma_wait3A_499 = arith.constant 0 : i32
      %dma_wait3A_500 = tpu.memref_slice %arg18[%dma_wait3A_498, %dma_wait3A_499] : memref<10112x64xf32, #tpu.memory_space<vmem_shared>> -> memref<10112x64xf32, #tpu.memory_space<vmem_shared>>
      tpu.wait_indirect_dma semaphore(%arg23 : memref<!tpu.dma_semaphore, #tpu.memory_space<semaphore_mem>>) src(%arg15 : memref<128x64xf32, #tpu.memory_space<vmem>>) dst(%dma_wait3A_500 : memref<10112x64xf32, #tpu.memory_space<vmem_shared>>)
      %dma_start3A_501 = arith.constant 10 : i32
      %dma_start3A_502 = arith.constant 0 : i32
      %dma_start3A_503 = tpu.memref_slice %arg12[%dma_start3A_501, %dma_start3A_502] : memref<16x128xi32, #tpu.memory_space<vmem>> -> memref<1x128xi32, #tpu.memory_space<vmem>>
      %dma_start3A_504 = tpu.memref_squeeze %dma_start3A_503 : memref<1x128xi32, #tpu.memory_space<vmem>> -> memref<128xi32, #tpu.memory_space<vmem>>
      %dma_start3A_505 = arith.constant 0 : i32
      %dma_start3A_506 = arith.constant 0 : i32
      %dma_start3A_507 = tpu.memref_slice %arg2[%arg0, %dma_start3A_505, %dma_start3A_506] : memref<2x10112x64xf32, #tpu.memory_space<hbm>> -> memref<1x10112x64xf32, #tpu.memory_space<hbm>>
      %dma_start3A_508 = tpu.memref_squeeze %dma_start3A_507 : memref<1x10112x64xf32, #tpu.memory_space<hbm>> -> memref<10112x64xf32, #tpu.memory_space<hbm>>
      %dma_start3A_509 = arith.constant 0 : i32
      %dma_start3A_510 = arith.constant 0 : i32
      %dma_start3A_511 = tpu.memref_slice %dma_start3A_508[%dma_start3A_509, %dma_start3A_510] : memref<10112x64xf32, #tpu.memory_space<hbm>> -> memref<10112x64xf32, #tpu.memory_space<hbm>>
      tpu.enqueue_indirect_dma source(%dma_start3A_511 : memref<10112x64xf32, #tpu.memory_space<hbm>>) target(%arg15 : memref<128x64xf32, #tpu.memory_space<vmem>>) offsets(%dma_start3A_504 : memref<128xi32, #tpu.memory_space<vmem>>) semaphore(%arg21 : memref<!tpu.dma_semaphore, #tpu.memory_space<semaphore_mem>>)
      %dma_wait3A_512 = arith.constant 9 : i32
      %dma_wait3A_513 = arith.constant 0 : i32
      %dma_wait3A_514 = tpu.memref_slice %arg12[%dma_wait3A_512, %dma_wait3A_513] : memref<16x128xi32, #tpu.memory_space<vmem>> -> memref<1x128xi32, #tpu.memory_space<vmem>>
      %dma_wait3A_515 = tpu.memref_squeeze %dma_wait3A_514 : memref<1x128xi32, #tpu.memory_space<vmem>> -> memref<128xi32, #tpu.memory_space<vmem>>
      %dma_wait3A_516 = arith.constant 0 : i32
      %dma_wait3A_517 = arith.constant 0 : i32
      %dma_wait3A_518 = tpu.memref_slice %arg2[%arg0, %dma_wait3A_516, %dma_wait3A_517] : memref<2x10112x64xf32, #tpu.memory_space<hbm>> -> memref<1x10112x64xf32, #tpu.memory_space<hbm>>
      %dma_wait3A_519 = tpu.memref_squeeze %dma_wait3A_518 : memref<1x10112x64xf32, #tpu.memory_space<hbm>> -> memref<10112x64xf32, #tpu.memory_space<hbm>>
      %dma_wait3A_520 = arith.constant 0 : i32
      %dma_wait3A_521 = arith.constant 0 : i32
      %dma_wait3A_522 = tpu.memref_slice %dma_wait3A_519[%dma_wait3A_520, %dma_wait3A_521] : memref<10112x64xf32, #tpu.memory_space<hbm>> -> memref<10112x64xf32, #tpu.memory_space<hbm>>
      tpu.wait_indirect_dma semaphore(%arg22 : memref<!tpu.dma_semaphore, #tpu.memory_space<semaphore_mem>>) src(%dma_wait3A_522 : memref<10112x64xf32, #tpu.memory_space<hbm>>) dst(%arg16 : memref<128x64xf32, #tpu.memory_space<vmem>>)
      %dma_start3A_523 = arith.constant 9 : i32
      %dma_start3A_524 = arith.constant 0 : i32
      %dma_start3A_525 = tpu.memref_slice %arg11[%dma_start3A_523, %dma_start3A_524] : memref<16x128xi32, #tpu.memory_space<vmem>> -> memref<1x128xi32, #tpu.memory_space<vmem>>
      %dma_start3A_526 = tpu.memref_squeeze %dma_start3A_525 : memref<1x128xi32, #tpu.memory_space<vmem>> -> memref<128xi32, #tpu.memory_space<vmem>>
      %dma_start3A_527 = arith.constant 0 : i32
      %dma_start3A_528 = arith.constant 0 : i32
      %dma_start3A_529 = tpu.memref_slice %arg18[%dma_start3A_527, %dma_start3A_528] : memref<10112x64xf32, #tpu.memory_space<vmem_shared>> -> memref<10112x64xf32, #tpu.memory_space<vmem_shared>>
      tpu.enqueue_indirect_dma source(%arg16 : memref<128x64xf32, #tpu.memory_space<vmem>>) target(%dma_start3A_529 : memref<10112x64xf32, #tpu.memory_space<vmem_shared>>) offsets(%dma_start3A_526 : memref<128xi32, #tpu.memory_space<vmem>>) semaphore(%arg23 : memref<!tpu.dma_semaphore, #tpu.memory_space<semaphore_mem>>) {add = true}
      %dma_start3A_530 = arith.constant 9 : i32
      %dma_start3A_531 = arith.constant 1152 : i32
      %dma_start3A_532 = arith.constant 0 : i32
      %dma_start3A_533 = tpu.memref_slice %arg14[%dma_start3A_531, %dma_start3A_532] : memref<2048x16xf32, #tpu.memory_space<vmem>> -> memref<128x16xf32, #tpu.memory_space<vmem>>
      %dma_start3A_534 = arith.constant 0 : i32
      %dma_start3A_535 = tpu.memref_slice %arg13[%dma_start3A_530, %dma_start3A_534] : memref<16x128xi32, #tpu.memory_space<vmem>> -> memref<1x128xi32, #tpu.memory_space<vmem>>
      %dma_start3A_536 = tpu.memref_squeeze %dma_start3A_535 : memref<1x128xi32, #tpu.memory_space<vmem>> -> memref<128xi32, #tpu.memory_space<vmem>>
      %dma_start3A_537 = arith.constant 0 : i32
      %dma_start3A_538 = arith.constant 0 : i32
      %dma_start3A_539 = tpu.memref_slice %arg19[%dma_start3A_537, %dma_start3A_538] : memref<10112x16xf32, #tpu.memory_space<vmem_shared>> -> memref<10112x16xf32, #tpu.memory_space<vmem_shared>>
      tpu.enqueue_indirect_dma source(%dma_start3A_533 : memref<128x16xf32, #tpu.memory_space<vmem>>) target(%dma_start3A_539 : memref<10112x16xf32, #tpu.memory_space<vmem_shared>>) offsets(%dma_start3A_536 : memref<128xi32, #tpu.memory_space<vmem>>) semaphore(%arg24 : memref<!tpu.dma_semaphore, #tpu.memory_space<semaphore_mem>>) {add = true}
      %dma_start3A_540 = arith.constant 9 : i32
      %dma_start3A_541 = arith.constant 0 : i32
      %dma_start3A_542 = tpu.memref_slice %arg13[%dma_start3A_540, %dma_start3A_541] : memref<16x128xi32, #tpu.memory_space<vmem>> -> memref<1x128xi32, #tpu.memory_space<vmem>>
      %dma_start3A_543 = tpu.memref_squeeze %dma_start3A_542 : memref<1x128xi32, #tpu.memory_space<vmem>> -> memref<128xi32, #tpu.memory_space<vmem>>
      %dma_start3A_544 = arith.constant 0 : i32
      %dma_start3A_545 = arith.constant 0 : i32
      %dma_start3A_546 = tpu.memref_slice %arg20[%dma_start3A_544, %dma_start3A_545] : memref<10112x16xf32, #tpu.memory_space<vmem_shared>> -> memref<10112x16xf32, #tpu.memory_space<vmem_shared>>
      tpu.enqueue_indirect_dma source(%arg17 : memref<128x16xf32, #tpu.memory_space<vmem>>) target(%dma_start3A_546 : memref<10112x16xf32, #tpu.memory_space<vmem_shared>>) offsets(%dma_start3A_543 : memref<128xi32, #tpu.memory_space<vmem>>) semaphore(%arg24 : memref<!tpu.dma_semaphore, #tpu.memory_space<semaphore_mem>>) {add = true}
      %dma_wait3A_547 = arith.constant 9 : i32
      %dma_wait3A_548 = arith.constant 0 : i32
      %dma_wait3A_549 = tpu.memref_slice %arg11[%dma_wait3A_547, %dma_wait3A_548] : memref<16x128xi32, #tpu.memory_space<vmem>> -> memref<1x128xi32, #tpu.memory_space<vmem>>
      %dma_wait3A_550 = tpu.memref_squeeze %dma_wait3A_549 : memref<1x128xi32, #tpu.memory_space<vmem>> -> memref<128xi32, #tpu.memory_space<vmem>>
      %dma_wait3A_551 = arith.constant 0 : i32
      %dma_wait3A_552 = arith.constant 0 : i32
      %dma_wait3A_553 = tpu.memref_slice %arg18[%dma_wait3A_551, %dma_wait3A_552] : memref<10112x64xf32, #tpu.memory_space<vmem_shared>> -> memref<10112x64xf32, #tpu.memory_space<vmem_shared>>
      tpu.wait_indirect_dma semaphore(%arg23 : memref<!tpu.dma_semaphore, #tpu.memory_space<semaphore_mem>>) src(%arg16 : memref<128x64xf32, #tpu.memory_space<vmem>>) dst(%dma_wait3A_553 : memref<10112x64xf32, #tpu.memory_space<vmem_shared>>)
      %dma_start3A_554 = arith.constant 11 : i32
      %dma_start3A_555 = arith.constant 0 : i32
      %dma_start3A_556 = tpu.memref_slice %arg12[%dma_start3A_554, %dma_start3A_555] : memref<16x128xi32, #tpu.memory_space<vmem>> -> memref<1x128xi32, #tpu.memory_space<vmem>>
      %dma_start3A_557 = tpu.memref_squeeze %dma_start3A_556 : memref<1x128xi32, #tpu.memory_space<vmem>> -> memref<128xi32, #tpu.memory_space<vmem>>
      %dma_start3A_558 = arith.constant 0 : i32
      %dma_start3A_559 = arith.constant 0 : i32
      %dma_start3A_560 = tpu.memref_slice %arg2[%arg0, %dma_start3A_558, %dma_start3A_559] : memref<2x10112x64xf32, #tpu.memory_space<hbm>> -> memref<1x10112x64xf32, #tpu.memory_space<hbm>>
      %dma_start3A_561 = tpu.memref_squeeze %dma_start3A_560 : memref<1x10112x64xf32, #tpu.memory_space<hbm>> -> memref<10112x64xf32, #tpu.memory_space<hbm>>
      %dma_start3A_562 = arith.constant 0 : i32
      %dma_start3A_563 = arith.constant 0 : i32
      %dma_start3A_564 = tpu.memref_slice %dma_start3A_561[%dma_start3A_562, %dma_start3A_563] : memref<10112x64xf32, #tpu.memory_space<hbm>> -> memref<10112x64xf32, #tpu.memory_space<hbm>>
      tpu.enqueue_indirect_dma source(%dma_start3A_564 : memref<10112x64xf32, #tpu.memory_space<hbm>>) target(%arg16 : memref<128x64xf32, #tpu.memory_space<vmem>>) offsets(%dma_start3A_557 : memref<128xi32, #tpu.memory_space<vmem>>) semaphore(%arg22 : memref<!tpu.dma_semaphore, #tpu.memory_space<semaphore_mem>>)
      %dma_wait3A_565 = arith.constant 10 : i32
      %dma_wait3A_566 = arith.constant 0 : i32
      %dma_wait3A_567 = tpu.memref_slice %arg12[%dma_wait3A_565, %dma_wait3A_566] : memref<16x128xi32, #tpu.memory_space<vmem>> -> memref<1x128xi32, #tpu.memory_space<vmem>>
      %dma_wait3A_568 = tpu.memref_squeeze %dma_wait3A_567 : memref<1x128xi32, #tpu.memory_space<vmem>> -> memref<128xi32, #tpu.memory_space<vmem>>
      %dma_wait3A_569 = arith.constant 0 : i32
      %dma_wait3A_570 = arith.constant 0 : i32
      %dma_wait3A_571 = tpu.memref_slice %arg2[%arg0, %dma_wait3A_569, %dma_wait3A_570] : memref<2x10112x64xf32, #tpu.memory_space<hbm>> -> memref<1x10112x64xf32, #tpu.memory_space<hbm>>
      %dma_wait3A_572 = tpu.memref_squeeze %dma_wait3A_571 : memref<1x10112x64xf32, #tpu.memory_space<hbm>> -> memref<10112x64xf32, #tpu.memory_space<hbm>>
      %dma_wait3A_573 = arith.constant 0 : i32
      %dma_wait3A_574 = arith.constant 0 : i32
      %dma_wait3A_575 = tpu.memref_slice %dma_wait3A_572[%dma_wait3A_573, %dma_wait3A_574] : memref<10112x64xf32, #tpu.memory_space<hbm>> -> memref<10112x64xf32, #tpu.memory_space<hbm>>
      tpu.wait_indirect_dma semaphore(%arg21 : memref<!tpu.dma_semaphore, #tpu.memory_space<semaphore_mem>>) src(%dma_wait3A_575 : memref<10112x64xf32, #tpu.memory_space<hbm>>) dst(%arg15 : memref<128x64xf32, #tpu.memory_space<vmem>>)
      %dma_start3A_576 = arith.constant 10 : i32
      %dma_start3A_577 = arith.constant 0 : i32
      %dma_start3A_578 = tpu.memref_slice %arg11[%dma_start3A_576, %dma_start3A_577] : memref<16x128xi32, #tpu.memory_space<vmem>> -> memref<1x128xi32, #tpu.memory_space<vmem>>
      %dma_start3A_579 = tpu.memref_squeeze %dma_start3A_578 : memref<1x128xi32, #tpu.memory_space<vmem>> -> memref<128xi32, #tpu.memory_space<vmem>>
      %dma_start3A_580 = arith.constant 0 : i32
      %dma_start3A_581 = arith.constant 0 : i32
      %dma_start3A_582 = tpu.memref_slice %arg18[%dma_start3A_580, %dma_start3A_581] : memref<10112x64xf32, #tpu.memory_space<vmem_shared>> -> memref<10112x64xf32, #tpu.memory_space<vmem_shared>>
      tpu.enqueue_indirect_dma source(%arg15 : memref<128x64xf32, #tpu.memory_space<vmem>>) target(%dma_start3A_582 : memref<10112x64xf32, #tpu.memory_space<vmem_shared>>) offsets(%dma_start3A_579 : memref<128xi32, #tpu.memory_space<vmem>>) semaphore(%arg23 : memref<!tpu.dma_semaphore, #tpu.memory_space<semaphore_mem>>) {add = true}
      %dma_start3A_583 = arith.constant 10 : i32
      %dma_start3A_584 = arith.constant 1280 : i32
      %dma_start3A_585 = arith.constant 0 : i32
      %dma_start3A_586 = tpu.memref_slice %arg14[%dma_start3A_584, %dma_start3A_585] : memref<2048x16xf32, #tpu.memory_space<vmem>> -> memref<128x16xf32, #tpu.memory_space<vmem>>
      %dma_start3A_587 = arith.constant 0 : i32
      %dma_start3A_588 = tpu.memref_slice %arg13[%dma_start3A_583, %dma_start3A_587] : memref<16x128xi32, #tpu.memory_space<vmem>> -> memref<1x128xi32, #tpu.memory_space<vmem>>
      %dma_start3A_589 = tpu.memref_squeeze %dma_start3A_588 : memref<1x128xi32, #tpu.memory_space<vmem>> -> memref<128xi32, #tpu.memory_space<vmem>>
      %dma_start3A_590 = arith.constant 0 : i32
      %dma_start3A_591 = arith.constant 0 : i32
      %dma_start3A_592 = tpu.memref_slice %arg19[%dma_start3A_590, %dma_start3A_591] : memref<10112x16xf32, #tpu.memory_space<vmem_shared>> -> memref<10112x16xf32, #tpu.memory_space<vmem_shared>>
      tpu.enqueue_indirect_dma source(%dma_start3A_586 : memref<128x16xf32, #tpu.memory_space<vmem>>) target(%dma_start3A_592 : memref<10112x16xf32, #tpu.memory_space<vmem_shared>>) offsets(%dma_start3A_589 : memref<128xi32, #tpu.memory_space<vmem>>) semaphore(%arg24 : memref<!tpu.dma_semaphore, #tpu.memory_space<semaphore_mem>>) {add = true}
      %dma_start3A_593 = arith.constant 10 : i32
      %dma_start3A_594 = arith.constant 0 : i32
      %dma_start3A_595 = tpu.memref_slice %arg13[%dma_start3A_593, %dma_start3A_594] : memref<16x128xi32, #tpu.memory_space<vmem>> -> memref<1x128xi32, #tpu.memory_space<vmem>>
      %dma_start3A_596 = tpu.memref_squeeze %dma_start3A_595 : memref<1x128xi32, #tpu.memory_space<vmem>> -> memref<128xi32, #tpu.memory_space<vmem>>
      %dma_start3A_597 = arith.constant 0 : i32
      %dma_start3A_598 = arith.constant 0 : i32
      %dma_start3A_599 = tpu.memref_slice %arg20[%dma_start3A_597, %dma_start3A_598] : memref<10112x16xf32, #tpu.memory_space<vmem_shared>> -> memref<10112x16xf32, #tpu.memory_space<vmem_shared>>
      tpu.enqueue_indirect_dma source(%arg17 : memref<128x16xf32, #tpu.memory_space<vmem>>) target(%dma_start3A_599 : memref<10112x16xf32, #tpu.memory_space<vmem_shared>>) offsets(%dma_start3A_596 : memref<128xi32, #tpu.memory_space<vmem>>) semaphore(%arg24 : memref<!tpu.dma_semaphore, #tpu.memory_space<semaphore_mem>>) {add = true}
      %dma_wait3A_600 = arith.constant 10 : i32
      %dma_wait3A_601 = arith.constant 0 : i32
      %dma_wait3A_602 = tpu.memref_slice %arg11[%dma_wait3A_600, %dma_wait3A_601] : memref<16x128xi32, #tpu.memory_space<vmem>> -> memref<1x128xi32, #tpu.memory_space<vmem>>
      %dma_wait3A_603 = tpu.memref_squeeze %dma_wait3A_602 : memref<1x128xi32, #tpu.memory_space<vmem>> -> memref<128xi32, #tpu.memory_space<vmem>>
      %dma_wait3A_604 = arith.constant 0 : i32
      %dma_wait3A_605 = arith.constant 0 : i32
      %dma_wait3A_606 = tpu.memref_slice %arg18[%dma_wait3A_604, %dma_wait3A_605] : memref<10112x64xf32, #tpu.memory_space<vmem_shared>> -> memref<10112x64xf32, #tpu.memory_space<vmem_shared>>
      tpu.wait_indirect_dma semaphore(%arg23 : memref<!tpu.dma_semaphore, #tpu.memory_space<semaphore_mem>>) src(%arg15 : memref<128x64xf32, #tpu.memory_space<vmem>>) dst(%dma_wait3A_606 : memref<10112x64xf32, #tpu.memory_space<vmem_shared>>)
      %dma_start3A_607 = arith.constant 12 : i32
      %dma_start3A_608 = arith.constant 0 : i32
      %dma_start3A_609 = tpu.memref_slice %arg12[%dma_start3A_607, %dma_start3A_608] : memref<16x128xi32, #tpu.memory_space<vmem>> -> memref<1x128xi32, #tpu.memory_space<vmem>>
      %dma_start3A_610 = tpu.memref_squeeze %dma_start3A_609 : memref<1x128xi32, #tpu.memory_space<vmem>> -> memref<128xi32, #tpu.memory_space<vmem>>
      %dma_start3A_611 = arith.constant 0 : i32
      %dma_start3A_612 = arith.constant 0 : i32
      %dma_start3A_613 = tpu.memref_slice %arg2[%arg0, %dma_start3A_611, %dma_start3A_612] : memref<2x10112x64xf32, #tpu.memory_space<hbm>> -> memref<1x10112x64xf32, #tpu.memory_space<hbm>>
      %dma_start3A_614 = tpu.memref_squeeze %dma_start3A_613 : memref<1x10112x64xf32, #tpu.memory_space<hbm>> -> memref<10112x64xf32, #tpu.memory_space<hbm>>
      %dma_start3A_615 = arith.constant 0 : i32
      %dma_start3A_616 = arith.constant 0 : i32
      %dma_start3A_617 = tpu.memref_slice %dma_start3A_614[%dma_start3A_615, %dma_start3A_616] : memref<10112x64xf32, #tpu.memory_space<hbm>> -> memref<10112x64xf32, #tpu.memory_space<hbm>>
      tpu.enqueue_indirect_dma source(%dma_start3A_617 : memref<10112x64xf32, #tpu.memory_space<hbm>>) target(%arg15 : memref<128x64xf32, #tpu.memory_space<vmem>>) offsets(%dma_start3A_610 : memref<128xi32, #tpu.memory_space<vmem>>) semaphore(%arg21 : memref<!tpu.dma_semaphore, #tpu.memory_space<semaphore_mem>>)
      %dma_wait3A_618 = arith.constant 11 : i32
      %dma_wait3A_619 = arith.constant 0 : i32
      %dma_wait3A_620 = tpu.memref_slice %arg12[%dma_wait3A_618, %dma_wait3A_619] : memref<16x128xi32, #tpu.memory_space<vmem>> -> memref<1x128xi32, #tpu.memory_space<vmem>>
      %dma_wait3A_621 = tpu.memref_squeeze %dma_wait3A_620 : memref<1x128xi32, #tpu.memory_space<vmem>> -> memref<128xi32, #tpu.memory_space<vmem>>
      %dma_wait3A_622 = arith.constant 0 : i32
      %dma_wait3A_623 = arith.constant 0 : i32
      %dma_wait3A_624 = tpu.memref_slice %arg2[%arg0, %dma_wait3A_622, %dma_wait3A_623] : memref<2x10112x64xf32, #tpu.memory_space<hbm>> -> memref<1x10112x64xf32, #tpu.memory_space<hbm>>
      %dma_wait3A_625 = tpu.memref_squeeze %dma_wait3A_624 : memref<1x10112x64xf32, #tpu.memory_space<hbm>> -> memref<10112x64xf32, #tpu.memory_space<hbm>>
      %dma_wait3A_626 = arith.constant 0 : i32
      %dma_wait3A_627 = arith.constant 0 : i32
      %dma_wait3A_628 = tpu.memref_slice %dma_wait3A_625[%dma_wait3A_626, %dma_wait3A_627] : memref<10112x64xf32, #tpu.memory_space<hbm>> -> memref<10112x64xf32, #tpu.memory_space<hbm>>
      tpu.wait_indirect_dma semaphore(%arg22 : memref<!tpu.dma_semaphore, #tpu.memory_space<semaphore_mem>>) src(%dma_wait3A_628 : memref<10112x64xf32, #tpu.memory_space<hbm>>) dst(%arg16 : memref<128x64xf32, #tpu.memory_space<vmem>>)
      %dma_start3A_629 = arith.constant 11 : i32
      %dma_start3A_630 = arith.constant 0 : i32
      %dma_start3A_631 = tpu.memref_slice %arg11[%dma_start3A_629, %dma_start3A_630] : memref<16x128xi32, #tpu.memory_space<vmem>> -> memref<1x128xi32, #tpu.memory_space<vmem>>
      %dma_start3A_632 = tpu.memref_squeeze %dma_start3A_631 : memref<1x128xi32, #tpu.memory_space<vmem>> -> memref<128xi32, #tpu.memory_space<vmem>>
      %dma_start3A_633 = arith.constant 0 : i32
      %dma_start3A_634 = arith.constant 0 : i32
      %dma_start3A_635 = tpu.memref_slice %arg18[%dma_start3A_633, %dma_start3A_634] : memref<10112x64xf32, #tpu.memory_space<vmem_shared>> -> memref<10112x64xf32, #tpu.memory_space<vmem_shared>>
      tpu.enqueue_indirect_dma source(%arg16 : memref<128x64xf32, #tpu.memory_space<vmem>>) target(%dma_start3A_635 : memref<10112x64xf32, #tpu.memory_space<vmem_shared>>) offsets(%dma_start3A_632 : memref<128xi32, #tpu.memory_space<vmem>>) semaphore(%arg23 : memref<!tpu.dma_semaphore, #tpu.memory_space<semaphore_mem>>) {add = true}
      %dma_start3A_636 = arith.constant 11 : i32
      %dma_start3A_637 = arith.constant 1408 : i32
      %dma_start3A_638 = arith.constant 0 : i32
      %dma_start3A_639 = tpu.memref_slice %arg14[%dma_start3A_637, %dma_start3A_638] : memref<2048x16xf32, #tpu.memory_space<vmem>> -> memref<128x16xf32, #tpu.memory_space<vmem>>
      %dma_start3A_640 = arith.constant 0 : i32
      %dma_start3A_641 = tpu.memref_slice %arg13[%dma_start3A_636, %dma_start3A_640] : memref<16x128xi32, #tpu.memory_space<vmem>> -> memref<1x128xi32, #tpu.memory_space<vmem>>
      %dma_start3A_642 = tpu.memref_squeeze %dma_start3A_641 : memref<1x128xi32, #tpu.memory_space<vmem>> -> memref<128xi32, #tpu.memory_space<vmem>>
      %dma_start3A_643 = arith.constant 0 : i32
      %dma_start3A_644 = arith.constant 0 : i32
      %dma_start3A_645 = tpu.memref_slice %arg19[%dma_start3A_643, %dma_start3A_644] : memref<10112x16xf32, #tpu.memory_space<vmem_shared>> -> memref<10112x16xf32, #tpu.memory_space<vmem_shared>>
      tpu.enqueue_indirect_dma source(%dma_start3A_639 : memref<128x16xf32, #tpu.memory_space<vmem>>) target(%dma_start3A_645 : memref<10112x16xf32, #tpu.memory_space<vmem_shared>>) offsets(%dma_start3A_642 : memref<128xi32, #tpu.memory_space<vmem>>) semaphore(%arg24 : memref<!tpu.dma_semaphore, #tpu.memory_space<semaphore_mem>>) {add = true}
      %dma_start3A_646 = arith.constant 11 : i32
      %dma_start3A_647 = arith.constant 0 : i32
      %dma_start3A_648 = tpu.memref_slice %arg13[%dma_start3A_646, %dma_start3A_647] : memref<16x128xi32, #tpu.memory_space<vmem>> -> memref<1x128xi32, #tpu.memory_space<vmem>>
      %dma_start3A_649 = tpu.memref_squeeze %dma_start3A_648 : memref<1x128xi32, #tpu.memory_space<vmem>> -> memref<128xi32, #tpu.memory_space<vmem>>
      %dma_start3A_650 = arith.constant 0 : i32
      %dma_start3A_651 = arith.constant 0 : i32
      %dma_start3A_652 = tpu.memref_slice %arg20[%dma_start3A_650, %dma_start3A_651] : memref<10112x16xf32, #tpu.memory_space<vmem_shared>> -> memref<10112x16xf32, #tpu.memory_space<vmem_shared>>
      tpu.enqueue_indirect_dma source(%arg17 : memref<128x16xf32, #tpu.memory_space<vmem>>) target(%dma_start3A_652 : memref<10112x16xf32, #tpu.memory_space<vmem_shared>>) offsets(%dma_start3A_649 : memref<128xi32, #tpu.memory_space<vmem>>) semaphore(%arg24 : memref<!tpu.dma_semaphore, #tpu.memory_space<semaphore_mem>>) {add = true}
      %dma_wait3A_653 = arith.constant 11 : i32
      %dma_wait3A_654 = arith.constant 0 : i32
      %dma_wait3A_655 = tpu.memref_slice %arg11[%dma_wait3A_653, %dma_wait3A_654] : memref<16x128xi32, #tpu.memory_space<vmem>> -> memref<1x128xi32, #tpu.memory_space<vmem>>
      %dma_wait3A_656 = tpu.memref_squeeze %dma_wait3A_655 : memref<1x128xi32, #tpu.memory_space<vmem>> -> memref<128xi32, #tpu.memory_space<vmem>>
      %dma_wait3A_657 = arith.constant 0 : i32
      %dma_wait3A_658 = arith.constant 0 : i32
      %dma_wait3A_659 = tpu.memref_slice %arg18[%dma_wait3A_657, %dma_wait3A_658] : memref<10112x64xf32, #tpu.memory_space<vmem_shared>> -> memref<10112x64xf32, #tpu.memory_space<vmem_shared>>
      tpu.wait_indirect_dma semaphore(%arg23 : memref<!tpu.dma_semaphore, #tpu.memory_space<semaphore_mem>>) src(%arg16 : memref<128x64xf32, #tpu.memory_space<vmem>>) dst(%dma_wait3A_659 : memref<10112x64xf32, #tpu.memory_space<vmem_shared>>)
      %dma_start3A_660 = arith.constant 13 : i32
      %dma_start3A_661 = arith.constant 0 : i32
      %dma_start3A_662 = tpu.memref_slice %arg12[%dma_start3A_660, %dma_start3A_661] : memref<16x128xi32, #tpu.memory_space<vmem>> -> memref<1x128xi32, #tpu.memory_space<vmem>>
      %dma_start3A_663 = tpu.memref_squeeze %dma_start3A_662 : memref<1x128xi32, #tpu.memory_space<vmem>> -> memref<128xi32, #tpu.memory_space<vmem>>
      %dma_start3A_664 = arith.constant 0 : i32
      %dma_start3A_665 = arith.constant 0 : i32
      %dma_start3A_666 = tpu.memref_slice %arg2[%arg0, %dma_start3A_664, %dma_start3A_665] : memref<2x10112x64xf32, #tpu.memory_space<hbm>> -> memref<1x10112x64xf32, #tpu.memory_space<hbm>>
      %dma_start3A_667 = tpu.memref_squeeze %dma_start3A_666 : memref<1x10112x64xf32, #tpu.memory_space<hbm>> -> memref<10112x64xf32, #tpu.memory_space<hbm>>
      %dma_start3A_668 = arith.constant 0 : i32
      %dma_start3A_669 = arith.constant 0 : i32
      %dma_start3A_670 = tpu.memref_slice %dma_start3A_667[%dma_start3A_668, %dma_start3A_669] : memref<10112x64xf32, #tpu.memory_space<hbm>> -> memref<10112x64xf32, #tpu.memory_space<hbm>>
      tpu.enqueue_indirect_dma source(%dma_start3A_670 : memref<10112x64xf32, #tpu.memory_space<hbm>>) target(%arg16 : memref<128x64xf32, #tpu.memory_space<vmem>>) offsets(%dma_start3A_663 : memref<128xi32, #tpu.memory_space<vmem>>) semaphore(%arg22 : memref<!tpu.dma_semaphore, #tpu.memory_space<semaphore_mem>>)
      %dma_wait3A_671 = arith.constant 12 : i32
      %dma_wait3A_672 = arith.constant 0 : i32
      %dma_wait3A_673 = tpu.memref_slice %arg12[%dma_wait3A_671, %dma_wait3A_672] : memref<16x128xi32, #tpu.memory_space<vmem>> -> memref<1x128xi32, #tpu.memory_space<vmem>>
      %dma_wait3A_674 = tpu.memref_squeeze %dma_wait3A_673 : memref<1x128xi32, #tpu.memory_space<vmem>> -> memref<128xi32, #tpu.memory_space<vmem>>
      %dma_wait3A_675 = arith.constant 0 : i32
      %dma_wait3A_676 = arith.constant 0 : i32
      %dma_wait3A_677 = tpu.memref_slice %arg2[%arg0, %dma_wait3A_675, %dma_wait3A_676] : memref<2x10112x64xf32, #tpu.memory_space<hbm>> -> memref<1x10112x64xf32, #tpu.memory_space<hbm>>
      %dma_wait3A_678 = tpu.memref_squeeze %dma_wait3A_677 : memref<1x10112x64xf32, #tpu.memory_space<hbm>> -> memref<10112x64xf32, #tpu.memory_space<hbm>>
      %dma_wait3A_679 = arith.constant 0 : i32
      %dma_wait3A_680 = arith.constant 0 : i32
      %dma_wait3A_681 = tpu.memref_slice %dma_wait3A_678[%dma_wait3A_679, %dma_wait3A_680] : memref<10112x64xf32, #tpu.memory_space<hbm>> -> memref<10112x64xf32, #tpu.memory_space<hbm>>
      tpu.wait_indirect_dma semaphore(%arg21 : memref<!tpu.dma_semaphore, #tpu.memory_space<semaphore_mem>>) src(%dma_wait3A_681 : memref<10112x64xf32, #tpu.memory_space<hbm>>) dst(%arg15 : memref<128x64xf32, #tpu.memory_space<vmem>>)
      %dma_start3A_682 = arith.constant 12 : i32
      %dma_start3A_683 = arith.constant 0 : i32
      %dma_start3A_684 = tpu.memref_slice %arg11[%dma_start3A_682, %dma_start3A_683] : memref<16x128xi32, #tpu.memory_space<vmem>> -> memref<1x128xi32, #tpu.memory_space<vmem>>
      %dma_start3A_685 = tpu.memref_squeeze %dma_start3A_684 : memref<1x128xi32, #tpu.memory_space<vmem>> -> memref<128xi32, #tpu.memory_space<vmem>>
      %dma_start3A_686 = arith.constant 0 : i32
      %dma_start3A_687 = arith.constant 0 : i32
      %dma_start3A_688 = tpu.memref_slice %arg18[%dma_start3A_686, %dma_start3A_687] : memref<10112x64xf32, #tpu.memory_space<vmem_shared>> -> memref<10112x64xf32, #tpu.memory_space<vmem_shared>>
      tpu.enqueue_indirect_dma source(%arg15 : memref<128x64xf32, #tpu.memory_space<vmem>>) target(%dma_start3A_688 : memref<10112x64xf32, #tpu.memory_space<vmem_shared>>) offsets(%dma_start3A_685 : memref<128xi32, #tpu.memory_space<vmem>>) semaphore(%arg23 : memref<!tpu.dma_semaphore, #tpu.memory_space<semaphore_mem>>) {add = true}
      %dma_start3A_689 = arith.constant 12 : i32
      %dma_start3A_690 = arith.constant 1536 : i32
      %dma_start3A_691 = arith.constant 0 : i32
      %dma_start3A_692 = tpu.memref_slice %arg14[%dma_start3A_690, %dma_start3A_691] : memref<2048x16xf32, #tpu.memory_space<vmem>> -> memref<128x16xf32, #tpu.memory_space<vmem>>
      %dma_start3A_693 = arith.constant 0 : i32
      %dma_start3A_694 = tpu.memref_slice %arg13[%dma_start3A_689, %dma_start3A_693] : memref<16x128xi32, #tpu.memory_space<vmem>> -> memref<1x128xi32, #tpu.memory_space<vmem>>
      %dma_start3A_695 = tpu.memref_squeeze %dma_start3A_694 : memref<1x128xi32, #tpu.memory_space<vmem>> -> memref<128xi32, #tpu.memory_space<vmem>>
      %dma_start3A_696 = arith.constant 0 : i32
      %dma_start3A_697 = arith.constant 0 : i32
      %dma_start3A_698 = tpu.memref_slice %arg19[%dma_start3A_696, %dma_start3A_697] : memref<10112x16xf32, #tpu.memory_space<vmem_shared>> -> memref<10112x16xf32, #tpu.memory_space<vmem_shared>>
      tpu.enqueue_indirect_dma source(%dma_start3A_692 : memref<128x16xf32, #tpu.memory_space<vmem>>) target(%dma_start3A_698 : memref<10112x16xf32, #tpu.memory_space<vmem_shared>>) offsets(%dma_start3A_695 : memref<128xi32, #tpu.memory_space<vmem>>) semaphore(%arg24 : memref<!tpu.dma_semaphore, #tpu.memory_space<semaphore_mem>>) {add = true}
      %dma_start3A_699 = arith.constant 12 : i32
      %dma_start3A_700 = arith.constant 0 : i32
      %dma_start3A_701 = tpu.memref_slice %arg13[%dma_start3A_699, %dma_start3A_700] : memref<16x128xi32, #tpu.memory_space<vmem>> -> memref<1x128xi32, #tpu.memory_space<vmem>>
      %dma_start3A_702 = tpu.memref_squeeze %dma_start3A_701 : memref<1x128xi32, #tpu.memory_space<vmem>> -> memref<128xi32, #tpu.memory_space<vmem>>
      %dma_start3A_703 = arith.constant 0 : i32
      %dma_start3A_704 = arith.constant 0 : i32
      %dma_start3A_705 = tpu.memref_slice %arg20[%dma_start3A_703, %dma_start3A_704] : memref<10112x16xf32, #tpu.memory_space<vmem_shared>> -> memref<10112x16xf32, #tpu.memory_space<vmem_shared>>
      tpu.enqueue_indirect_dma source(%arg17 : memref<128x16xf32, #tpu.memory_space<vmem>>) target(%dma_start3A_705 : memref<10112x16xf32, #tpu.memory_space<vmem_shared>>) offsets(%dma_start3A_702 : memref<128xi32, #tpu.memory_space<vmem>>) semaphore(%arg24 : memref<!tpu.dma_semaphore, #tpu.memory_space<semaphore_mem>>) {add = true}
      %dma_wait3A_706 = arith.constant 12 : i32
      %dma_wait3A_707 = arith.constant 0 : i32
      %dma_wait3A_708 = tpu.memref_slice %arg11[%dma_wait3A_706, %dma_wait3A_707] : memref<16x128xi32, #tpu.memory_space<vmem>> -> memref<1x128xi32, #tpu.memory_space<vmem>>
      %dma_wait3A_709 = tpu.memref_squeeze %dma_wait3A_708 : memref<1x128xi32, #tpu.memory_space<vmem>> -> memref<128xi32, #tpu.memory_space<vmem>>
      %dma_wait3A_710 = arith.constant 0 : i32
      %dma_wait3A_711 = arith.constant 0 : i32
      %dma_wait3A_712 = tpu.memref_slice %arg18[%dma_wait3A_710, %dma_wait3A_711] : memref<10112x64xf32, #tpu.memory_space<vmem_shared>> -> memref<10112x64xf32, #tpu.memory_space<vmem_shared>>
      tpu.wait_indirect_dma semaphore(%arg23 : memref<!tpu.dma_semaphore, #tpu.memory_space<semaphore_mem>>) src(%arg15 : memref<128x64xf32, #tpu.memory_space<vmem>>) dst(%dma_wait3A_712 : memref<10112x64xf32, #tpu.memory_space<vmem_shared>>)
      %dma_start3A_713 = arith.constant 14 : i32
      %dma_start3A_714 = arith.constant 0 : i32
      %dma_start3A_715 = tpu.memref_slice %arg12[%dma_start3A_713, %dma_start3A_714] : memref<16x128xi32, #tpu.memory_space<vmem>> -> memref<1x128xi32, #tpu.memory_space<vmem>>
      %dma_start3A_716 = tpu.memref_squeeze %dma_start3A_715 : memref<1x128xi32, #tpu.memory_space<vmem>> -> memref<128xi32, #tpu.memory_space<vmem>>
      %dma_start3A_717 = arith.constant 0 : i32
      %dma_start3A_718 = arith.constant 0 : i32
      %dma_start3A_719 = tpu.memref_slice %arg2[%arg0, %dma_start3A_717, %dma_start3A_718] : memref<2x10112x64xf32, #tpu.memory_space<hbm>> -> memref<1x10112x64xf32, #tpu.memory_space<hbm>>
      %dma_start3A_720 = tpu.memref_squeeze %dma_start3A_719 : memref<1x10112x64xf32, #tpu.memory_space<hbm>> -> memref<10112x64xf32, #tpu.memory_space<hbm>>
      %dma_start3A_721 = arith.constant 0 : i32
      %dma_start3A_722 = arith.constant 0 : i32
      %dma_start3A_723 = tpu.memref_slice %dma_start3A_720[%dma_start3A_721, %dma_start3A_722] : memref<10112x64xf32, #tpu.memory_space<hbm>> -> memref<10112x64xf32, #tpu.memory_space<hbm>>
      tpu.enqueue_indirect_dma source(%dma_start3A_723 : memref<10112x64xf32, #tpu.memory_space<hbm>>) target(%arg15 : memref<128x64xf32, #tpu.memory_space<vmem>>) offsets(%dma_start3A_716 : memref<128xi32, #tpu.memory_space<vmem>>) semaphore(%arg21 : memref<!tpu.dma_semaphore, #tpu.memory_space<semaphore_mem>>)
      %dma_wait3A_724 = arith.constant 13 : i32
      %dma_wait3A_725 = arith.constant 0 : i32
      %dma_wait3A_726 = tpu.memref_slice %arg12[%dma_wait3A_724, %dma_wait3A_725] : memref<16x128xi32, #tpu.memory_space<vmem>> -> memref<1x128xi32, #tpu.memory_space<vmem>>
      %dma_wait3A_727 = tpu.memref_squeeze %dma_wait3A_726 : memref<1x128xi32, #tpu.memory_space<vmem>> -> memref<128xi32, #tpu.memory_space<vmem>>
      %dma_wait3A_728 = arith.constant 0 : i32
      %dma_wait3A_729 = arith.constant 0 : i32
      %dma_wait3A_730 = tpu.memref_slice %arg2[%arg0, %dma_wait3A_728, %dma_wait3A_729] : memref<2x10112x64xf32, #tpu.memory_space<hbm>> -> memref<1x10112x64xf32, #tpu.memory_space<hbm>>
      %dma_wait3A_731 = tpu.memref_squeeze %dma_wait3A_730 : memref<1x10112x64xf32, #tpu.memory_space<hbm>> -> memref<10112x64xf32, #tpu.memory_space<hbm>>
      %dma_wait3A_732 = arith.constant 0 : i32
      %dma_wait3A_733 = arith.constant 0 : i32
      %dma_wait3A_734 = tpu.memref_slice %dma_wait3A_731[%dma_wait3A_732, %dma_wait3A_733] : memref<10112x64xf32, #tpu.memory_space<hbm>> -> memref<10112x64xf32, #tpu.memory_space<hbm>>
      tpu.wait_indirect_dma semaphore(%arg22 : memref<!tpu.dma_semaphore, #tpu.memory_space<semaphore_mem>>) src(%dma_wait3A_734 : memref<10112x64xf32, #tpu.memory_space<hbm>>) dst(%arg16 : memref<128x64xf32, #tpu.memory_space<vmem>>)
      %dma_start3A_735 = arith.constant 13 : i32
      %dma_start3A_736 = arith.constant 0 : i32
      %dma_start3A_737 = tpu.memref_slice %arg11[%dma_start3A_735, %dma_start3A_736] : memref<16x128xi32, #tpu.memory_space<vmem>> -> memref<1x128xi32, #tpu.memory_space<vmem>>
      %dma_start3A_738 = tpu.memref_squeeze %dma_start3A_737 : memref<1x128xi32, #tpu.memory_space<vmem>> -> memref<128xi32, #tpu.memory_space<vmem>>
      %dma_start3A_739 = arith.constant 0 : i32
      %dma_start3A_740 = arith.constant 0 : i32
      %dma_start3A_741 = tpu.memref_slice %arg18[%dma_start3A_739, %dma_start3A_740] : memref<10112x64xf32, #tpu.memory_space<vmem_shared>> -> memref<10112x64xf32, #tpu.memory_space<vmem_shared>>
      tpu.enqueue_indirect_dma source(%arg16 : memref<128x64xf32, #tpu.memory_space<vmem>>) target(%dma_start3A_741 : memref<10112x64xf32, #tpu.memory_space<vmem_shared>>) offsets(%dma_start3A_738 : memref<128xi32, #tpu.memory_space<vmem>>) semaphore(%arg23 : memref<!tpu.dma_semaphore, #tpu.memory_space<semaphore_mem>>) {add = true}
      %dma_start3A_742 = arith.constant 13 : i32
      %dma_start3A_743 = arith.constant 1664 : i32
      %dma_start3A_744 = arith.constant 0 : i32
      %dma_start3A_745 = tpu.memref_slice %arg14[%dma_start3A_743, %dma_start3A_744] : memref<2048x16xf32, #tpu.memory_space<vmem>> -> memref<128x16xf32, #tpu.memory_space<vmem>>
      %dma_start3A_746 = arith.constant 0 : i32
      %dma_start3A_747 = tpu.memref_slice %arg13[%dma_start3A_742, %dma_start3A_746] : memref<16x128xi32, #tpu.memory_space<vmem>> -> memref<1x128xi32, #tpu.memory_space<vmem>>
      %dma_start3A_748 = tpu.memref_squeeze %dma_start3A_747 : memref<1x128xi32, #tpu.memory_space<vmem>> -> memref<128xi32, #tpu.memory_space<vmem>>
      %dma_start3A_749 = arith.constant 0 : i32
      %dma_start3A_750 = arith.constant 0 : i32
      %dma_start3A_751 = tpu.memref_slice %arg19[%dma_start3A_749, %dma_start3A_750] : memref<10112x16xf32, #tpu.memory_space<vmem_shared>> -> memref<10112x16xf32, #tpu.memory_space<vmem_shared>>
      tpu.enqueue_indirect_dma source(%dma_start3A_745 : memref<128x16xf32, #tpu.memory_space<vmem>>) target(%dma_start3A_751 : memref<10112x16xf32, #tpu.memory_space<vmem_shared>>) offsets(%dma_start3A_748 : memref<128xi32, #tpu.memory_space<vmem>>) semaphore(%arg24 : memref<!tpu.dma_semaphore, #tpu.memory_space<semaphore_mem>>) {add = true}
      %dma_start3A_752 = arith.constant 13 : i32
      %dma_start3A_753 = arith.constant 0 : i32
      %dma_start3A_754 = tpu.memref_slice %arg13[%dma_start3A_752, %dma_start3A_753] : memref<16x128xi32, #tpu.memory_space<vmem>> -> memref<1x128xi32, #tpu.memory_space<vmem>>
      %dma_start3A_755 = tpu.memref_squeeze %dma_start3A_754 : memref<1x128xi32, #tpu.memory_space<vmem>> -> memref<128xi32, #tpu.memory_space<vmem>>
      %dma_start3A_756 = arith.constant 0 : i32
      %dma_start3A_757 = arith.constant 0 : i32
      %dma_start3A_758 = tpu.memref_slice %arg20[%dma_start3A_756, %dma_start3A_757] : memref<10112x16xf32, #tpu.memory_space<vmem_shared>> -> memref<10112x16xf32, #tpu.memory_space<vmem_shared>>
      tpu.enqueue_indirect_dma source(%arg17 : memref<128x16xf32, #tpu.memory_space<vmem>>) target(%dma_start3A_758 : memref<10112x16xf32, #tpu.memory_space<vmem_shared>>) offsets(%dma_start3A_755 : memref<128xi32, #tpu.memory_space<vmem>>) semaphore(%arg24 : memref<!tpu.dma_semaphore, #tpu.memory_space<semaphore_mem>>) {add = true}
      %dma_wait3A_759 = arith.constant 13 : i32
      %dma_wait3A_760 = arith.constant 0 : i32
      %dma_wait3A_761 = tpu.memref_slice %arg11[%dma_wait3A_759, %dma_wait3A_760] : memref<16x128xi32, #tpu.memory_space<vmem>> -> memref<1x128xi32, #tpu.memory_space<vmem>>
      %dma_wait3A_762 = tpu.memref_squeeze %dma_wait3A_761 : memref<1x128xi32, #tpu.memory_space<vmem>> -> memref<128xi32, #tpu.memory_space<vmem>>
      %dma_wait3A_763 = arith.constant 0 : i32
      %dma_wait3A_764 = arith.constant 0 : i32
      %dma_wait3A_765 = tpu.memref_slice %arg18[%dma_wait3A_763, %dma_wait3A_764] : memref<10112x64xf32, #tpu.memory_space<vmem_shared>> -> memref<10112x64xf32, #tpu.memory_space<vmem_shared>>
      tpu.wait_indirect_dma semaphore(%arg23 : memref<!tpu.dma_semaphore, #tpu.memory_space<semaphore_mem>>) src(%arg16 : memref<128x64xf32, #tpu.memory_space<vmem>>) dst(%dma_wait3A_765 : memref<10112x64xf32, #tpu.memory_space<vmem_shared>>)
      %dma_start3A_766 = arith.constant 15 : i32
      %dma_start3A_767 = arith.constant 0 : i32
      %dma_start3A_768 = tpu.memref_slice %arg12[%dma_start3A_766, %dma_start3A_767] : memref<16x128xi32, #tpu.memory_space<vmem>> -> memref<1x128xi32, #tpu.memory_space<vmem>>
      %dma_start3A_769 = tpu.memref_squeeze %dma_start3A_768 : memref<1x128xi32, #tpu.memory_space<vmem>> -> memref<128xi32, #tpu.memory_space<vmem>>
      %dma_start3A_770 = arith.constant 0 : i32
      %dma_start3A_771 = arith.constant 0 : i32
      %dma_start3A_772 = tpu.memref_slice %arg2[%arg0, %dma_start3A_770, %dma_start3A_771] : memref<2x10112x64xf32, #tpu.memory_space<hbm>> -> memref<1x10112x64xf32, #tpu.memory_space<hbm>>
      %dma_start3A_773 = tpu.memref_squeeze %dma_start3A_772 : memref<1x10112x64xf32, #tpu.memory_space<hbm>> -> memref<10112x64xf32, #tpu.memory_space<hbm>>
      %dma_start3A_774 = arith.constant 0 : i32
      %dma_start3A_775 = arith.constant 0 : i32
      %dma_start3A_776 = tpu.memref_slice %dma_start3A_773[%dma_start3A_774, %dma_start3A_775] : memref<10112x64xf32, #tpu.memory_space<hbm>> -> memref<10112x64xf32, #tpu.memory_space<hbm>>
      tpu.enqueue_indirect_dma source(%dma_start3A_776 : memref<10112x64xf32, #tpu.memory_space<hbm>>) target(%arg16 : memref<128x64xf32, #tpu.memory_space<vmem>>) offsets(%dma_start3A_769 : memref<128xi32, #tpu.memory_space<vmem>>) semaphore(%arg22 : memref<!tpu.dma_semaphore, #tpu.memory_space<semaphore_mem>>)
      %dma_wait3A_777 = arith.constant 14 : i32
      %dma_wait3A_778 = arith.constant 0 : i32
      %dma_wait3A_779 = tpu.memref_slice %arg12[%dma_wait3A_777, %dma_wait3A_778] : memref<16x128xi32, #tpu.memory_space<vmem>> -> memref<1x128xi32, #tpu.memory_space<vmem>>
      %dma_wait3A_780 = tpu.memref_squeeze %dma_wait3A_779 : memref<1x128xi32, #tpu.memory_space<vmem>> -> memref<128xi32, #tpu.memory_space<vmem>>
      %dma_wait3A_781 = arith.constant 0 : i32
      %dma_wait3A_782 = arith.constant 0 : i32
      %dma_wait3A_783 = tpu.memref_slice %arg2[%arg0, %dma_wait3A_781, %dma_wait3A_782] : memref<2x10112x64xf32, #tpu.memory_space<hbm>> -> memref<1x10112x64xf32, #tpu.memory_space<hbm>>
      %dma_wait3A_784 = tpu.memref_squeeze %dma_wait3A_783 : memref<1x10112x64xf32, #tpu.memory_space<hbm>> -> memref<10112x64xf32, #tpu.memory_space<hbm>>
      %dma_wait3A_785 = arith.constant 0 : i32
      %dma_wait3A_786 = arith.constant 0 : i32
      %dma_wait3A_787 = tpu.memref_slice %dma_wait3A_784[%dma_wait3A_785, %dma_wait3A_786] : memref<10112x64xf32, #tpu.memory_space<hbm>> -> memref<10112x64xf32, #tpu.memory_space<hbm>>
      tpu.wait_indirect_dma semaphore(%arg21 : memref<!tpu.dma_semaphore, #tpu.memory_space<semaphore_mem>>) src(%dma_wait3A_787 : memref<10112x64xf32, #tpu.memory_space<hbm>>) dst(%arg15 : memref<128x64xf32, #tpu.memory_space<vmem>>)
      %dma_start3A_788 = arith.constant 14 : i32
      %dma_start3A_789 = arith.constant 0 : i32
      %dma_start3A_790 = tpu.memref_slice %arg11[%dma_start3A_788, %dma_start3A_789] : memref<16x128xi32, #tpu.memory_space<vmem>> -> memref<1x128xi32, #tpu.memory_space<vmem>>
      %dma_start3A_791 = tpu.memref_squeeze %dma_start3A_790 : memref<1x128xi32, #tpu.memory_space<vmem>> -> memref<128xi32, #tpu.memory_space<vmem>>
      %dma_start3A_792 = arith.constant 0 : i32
      %dma_start3A_793 = arith.constant 0 : i32
      %dma_start3A_794 = tpu.memref_slice %arg18[%dma_start3A_792, %dma_start3A_793] : memref<10112x64xf32, #tpu.memory_space<vmem_shared>> -> memref<10112x64xf32, #tpu.memory_space<vmem_shared>>
      tpu.enqueue_indirect_dma source(%arg15 : memref<128x64xf32, #tpu.memory_space<vmem>>) target(%dma_start3A_794 : memref<10112x64xf32, #tpu.memory_space<vmem_shared>>) offsets(%dma_start3A_791 : memref<128xi32, #tpu.memory_space<vmem>>) semaphore(%arg23 : memref<!tpu.dma_semaphore, #tpu.memory_space<semaphore_mem>>) {add = true}
      %dma_start3A_795 = arith.constant 14 : i32
      %dma_start3A_796 = arith.constant 1792 : i32
      %dma_start3A_797 = arith.constant 0 : i32
      %dma_start3A_798 = tpu.memref_slice %arg14[%dma_start3A_796, %dma_start3A_797] : memref<2048x16xf32, #tpu.memory_space<vmem>> -> memref<128x16xf32, #tpu.memory_space<vmem>>
      %dma_start3A_799 = arith.constant 0 : i32
      %dma_start3A_800 = tpu.memref_slice %arg13[%dma_start3A_795, %dma_start3A_799] : memref<16x128xi32, #tpu.memory_space<vmem>> -> memref<1x128xi32, #tpu.memory_space<vmem>>
      %dma_start3A_801 = tpu.memref_squeeze %dma_start3A_800 : memref<1x128xi32, #tpu.memory_space<vmem>> -> memref<128xi32, #tpu.memory_space<vmem>>
      %dma_start3A_802 = arith.constant 0 : i32
      %dma_start3A_803 = arith.constant 0 : i32
      %dma_start3A_804 = tpu.memref_slice %arg19[%dma_start3A_802, %dma_start3A_803] : memref<10112x16xf32, #tpu.memory_space<vmem_shared>> -> memref<10112x16xf32, #tpu.memory_space<vmem_shared>>
      tpu.enqueue_indirect_dma source(%dma_start3A_798 : memref<128x16xf32, #tpu.memory_space<vmem>>) target(%dma_start3A_804 : memref<10112x16xf32, #tpu.memory_space<vmem_shared>>) offsets(%dma_start3A_801 : memref<128xi32, #tpu.memory_space<vmem>>) semaphore(%arg24 : memref<!tpu.dma_semaphore, #tpu.memory_space<semaphore_mem>>) {add = true}
      %dma_start3A_805 = arith.constant 14 : i32
      %dma_start3A_806 = arith.constant 0 : i32
      %dma_start3A_807 = tpu.memref_slice %arg13[%dma_start3A_805, %dma_start3A_806] : memref<16x128xi32, #tpu.memory_space<vmem>> -> memref<1x128xi32, #tpu.memory_space<vmem>>
      %dma_start3A_808 = tpu.memref_squeeze %dma_start3A_807 : memref<1x128xi32, #tpu.memory_space<vmem>> -> memref<128xi32, #tpu.memory_space<vmem>>
      %dma_start3A_809 = arith.constant 0 : i32
      %dma_start3A_810 = arith.constant 0 : i32
      %dma_start3A_811 = tpu.memref_slice %arg20[%dma_start3A_809, %dma_start3A_810] : memref<10112x16xf32, #tpu.memory_space<vmem_shared>> -> memref<10112x16xf32, #tpu.memory_space<vmem_shared>>
      tpu.enqueue_indirect_dma source(%arg17 : memref<128x16xf32, #tpu.memory_space<vmem>>) target(%dma_start3A_811 : memref<10112x16xf32, #tpu.memory_space<vmem_shared>>) offsets(%dma_start3A_808 : memref<128xi32, #tpu.memory_space<vmem>>) semaphore(%arg24 : memref<!tpu.dma_semaphore, #tpu.memory_space<semaphore_mem>>) {add = true}
      %dma_wait3A_812 = arith.constant 15 : i32
      %dma_wait3A_813 = arith.constant 0 : i32
      %dma_wait3A_814 = tpu.memref_slice %arg12[%dma_wait3A_812, %dma_wait3A_813] : memref<16x128xi32, #tpu.memory_space<vmem>> -> memref<1x128xi32, #tpu.memory_space<vmem>>
      %dma_wait3A_815 = tpu.memref_squeeze %dma_wait3A_814 : memref<1x128xi32, #tpu.memory_space<vmem>> -> memref<128xi32, #tpu.memory_space<vmem>>
      %dma_wait3A_816 = arith.constant 0 : i32
      %dma_wait3A_817 = arith.constant 0 : i32
      %dma_wait3A_818 = tpu.memref_slice %arg2[%arg0, %dma_wait3A_816, %dma_wait3A_817] : memref<2x10112x64xf32, #tpu.memory_space<hbm>> -> memref<1x10112x64xf32, #tpu.memory_space<hbm>>
      %dma_wait3A_819 = tpu.memref_squeeze %dma_wait3A_818 : memref<1x10112x64xf32, #tpu.memory_space<hbm>> -> memref<10112x64xf32, #tpu.memory_space<hbm>>
      %dma_wait3A_820 = arith.constant 0 : i32
      %dma_wait3A_821 = arith.constant 0 : i32
      %dma_wait3A_822 = tpu.memref_slice %dma_wait3A_819[%dma_wait3A_820, %dma_wait3A_821] : memref<10112x64xf32, #tpu.memory_space<hbm>> -> memref<10112x64xf32, #tpu.memory_space<hbm>>
      tpu.wait_indirect_dma semaphore(%arg22 : memref<!tpu.dma_semaphore, #tpu.memory_space<semaphore_mem>>) src(%dma_wait3A_822 : memref<10112x64xf32, #tpu.memory_space<hbm>>) dst(%arg16 : memref<128x64xf32, #tpu.memory_space<vmem>>)
      %dma_start3A_823 = arith.constant 15 : i32
      %dma_start3A_824 = arith.constant 0 : i32
      %dma_start3A_825 = tpu.memref_slice %arg11[%dma_start3A_823, %dma_start3A_824] : memref<16x128xi32, #tpu.memory_space<vmem>> -> memref<1x128xi32, #tpu.memory_space<vmem>>
      %dma_start3A_826 = tpu.memref_squeeze %dma_start3A_825 : memref<1x128xi32, #tpu.memory_space<vmem>> -> memref<128xi32, #tpu.memory_space<vmem>>
      %dma_start3A_827 = arith.constant 0 : i32
      %dma_start3A_828 = arith.constant 0 : i32
      %dma_start3A_829 = tpu.memref_slice %arg18[%dma_start3A_827, %dma_start3A_828] : memref<10112x64xf32, #tpu.memory_space<vmem_shared>> -> memref<10112x64xf32, #tpu.memory_space<vmem_shared>>
      tpu.enqueue_indirect_dma source(%arg16 : memref<128x64xf32, #tpu.memory_space<vmem>>) target(%dma_start3A_829 : memref<10112x64xf32, #tpu.memory_space<vmem_shared>>) offsets(%dma_start3A_826 : memref<128xi32, #tpu.memory_space<vmem>>) semaphore(%arg23 : memref<!tpu.dma_semaphore, #tpu.memory_space<semaphore_mem>>) {add = true}
      %dma_wait3A_830 = arith.constant 14 : i32
      %dma_wait3A_831 = arith.constant 0 : i32
      %dma_wait3A_832 = tpu.memref_slice %arg11[%dma_wait3A_830, %dma_wait3A_831] : memref<16x128xi32, #tpu.memory_space<vmem>> -> memref<1x128xi32, #tpu.memory_space<vmem>>
      %dma_wait3A_833 = tpu.memref_squeeze %dma_wait3A_832 : memref<1x128xi32, #tpu.memory_space<vmem>> -> memref<128xi32, #tpu.memory_space<vmem>>
      %dma_wait3A_834 = arith.constant 0 : i32
      %dma_wait3A_835 = arith.constant 0 : i32
      %dma_wait3A_836 = tpu.memref_slice %arg18[%dma_wait3A_834, %dma_wait3A_835] : memref<10112x64xf32, #tpu.memory_space<vmem_shared>> -> memref<10112x64xf32, #tpu.memory_space<vmem_shared>>
      tpu.wait_indirect_dma semaphore(%arg23 : memref<!tpu.dma_semaphore, #tpu.memory_space<semaphore_mem>>) src(%arg15 : memref<128x64xf32, #tpu.memory_space<vmem>>) dst(%dma_wait3A_836 : memref<10112x64xf32, #tpu.memory_space<vmem_shared>>)
      %dma_start3A_837 = arith.constant 15 : i32
      %dma_start3A_838 = arith.constant 1920 : i32
      %dma_start3A_839 = arith.constant 0 : i32
      %dma_start3A_840 = tpu.memref_slice %arg14[%dma_start3A_838, %dma_start3A_839] : memref<2048x16xf32, #tpu.memory_space<vmem>> -> memref<128x16xf32, #tpu.memory_space<vmem>>
      %dma_start3A_841 = arith.constant 0 : i32
      %dma_start3A_842 = tpu.memref_slice %arg13[%dma_start3A_837, %dma_start3A_841] : memref<16x128xi32, #tpu.memory_space<vmem>> -> memref<1x128xi32, #tpu.memory_space<vmem>>
      %dma_start3A_843 = tpu.memref_squeeze %dma_start3A_842 : memref<1x128xi32, #tpu.memory_space<vmem>> -> memref<128xi32, #tpu.memory_space<vmem>>
      %dma_start3A_844 = arith.constant 0 : i32
      %dma_start3A_845 = arith.constant 0 : i32
      %dma_start3A_846 = tpu.memref_slice %arg19[%dma_start3A_844, %dma_start3A_845] : memref<10112x16xf32, #tpu.memory_space<vmem_shared>> -> memref<10112x16xf32, #tpu.memory_space<vmem_shared>>
      tpu.enqueue_indirect_dma source(%dma_start3A_840 : memref<128x16xf32, #tpu.memory_space<vmem>>) target(%dma_start3A_846 : memref<10112x16xf32, #tpu.memory_space<vmem_shared>>) offsets(%dma_start3A_843 : memref<128xi32, #tpu.memory_space<vmem>>) semaphore(%arg24 : memref<!tpu.dma_semaphore, #tpu.memory_space<semaphore_mem>>) {add = true}
      %dma_start3A_847 = arith.constant 15 : i32
      %dma_start3A_848 = arith.constant 0 : i32
      %dma_start3A_849 = tpu.memref_slice %arg13[%dma_start3A_847, %dma_start3A_848] : memref<16x128xi32, #tpu.memory_space<vmem>> -> memref<1x128xi32, #tpu.memory_space<vmem>>
      %dma_start3A_850 = tpu.memref_squeeze %dma_start3A_849 : memref<1x128xi32, #tpu.memory_space<vmem>> -> memref<128xi32, #tpu.memory_space<vmem>>
      %dma_start3A_851 = arith.constant 0 : i32
      %dma_start3A_852 = arith.constant 0 : i32
      %dma_start3A_853 = tpu.memref_slice %arg20[%dma_start3A_851, %dma_start3A_852] : memref<10112x16xf32, #tpu.memory_space<vmem_shared>> -> memref<10112x16xf32, #tpu.memory_space<vmem_shared>>
      tpu.enqueue_indirect_dma source(%arg17 : memref<128x16xf32, #tpu.memory_space<vmem>>) target(%dma_start3A_853 : memref<10112x16xf32, #tpu.memory_space<vmem_shared>>) offsets(%dma_start3A_850 : memref<128xi32, #tpu.memory_space<vmem>>) semaphore(%arg24 : memref<!tpu.dma_semaphore, #tpu.memory_space<semaphore_mem>>) {add = true}
      %dma_wait3A_854 = arith.constant 15 : i32
      %dma_wait3A_855 = arith.constant 0 : i32
      %dma_wait3A_856 = tpu.memref_slice %arg11[%dma_wait3A_854, %dma_wait3A_855] : memref<16x128xi32, #tpu.memory_space<vmem>> -> memref<1x128xi32, #tpu.memory_space<vmem>>
      %dma_wait3A_857 = tpu.memref_squeeze %dma_wait3A_856 : memref<1x128xi32, #tpu.memory_space<vmem>> -> memref<128xi32, #tpu.memory_space<vmem>>
      %dma_wait3A_858 = arith.constant 0 : i32
      %dma_wait3A_859 = arith.constant 0 : i32
      %dma_wait3A_860 = tpu.memref_slice %arg18[%dma_wait3A_858, %dma_wait3A_859] : memref<10112x64xf32, #tpu.memory_space<vmem_shared>> -> memref<10112x64xf32, #tpu.memory_space<vmem_shared>>
      tpu.wait_indirect_dma semaphore(%arg23 : memref<!tpu.dma_semaphore, #tpu.memory_space<semaphore_mem>>) src(%arg16 : memref<128x64xf32, #tpu.memory_space<vmem>>) dst(%dma_wait3A_860 : memref<10112x64xf32, #tpu.memory_space<vmem_shared>>)
      %dma_wait3A_861 = arith.constant 0 : i32
      %dma_wait3A_862 = arith.constant 0 : i32
      %dma_wait3A_863 = arith.constant 0 : i32
      %dma_wait3A_864 = tpu.memref_slice %arg14[%dma_wait3A_862, %dma_wait3A_863] : memref<2048x16xf32, #tpu.memory_space<vmem>> -> memref<128x16xf32, #tpu.memory_space<vmem>>
      %dma_wait3A_865 = arith.constant 0 : i32
      %dma_wait3A_866 = tpu.memref_slice %arg13[%dma_wait3A_861, %dma_wait3A_865] : memref<16x128xi32, #tpu.memory_space<vmem>> -> memref<1x128xi32, #tpu.memory_space<vmem>>
      %dma_wait3A_867 = tpu.memref_squeeze %dma_wait3A_866 : memref<1x128xi32, #tpu.memory_space<vmem>> -> memref<128xi32, #tpu.memory_space<vmem>>
      %dma_wait3A_868 = arith.constant 0 : i32
      %dma_wait3A_869 = arith.constant 0 : i32
      %dma_wait3A_870 = tpu.memref_slice %arg19[%dma_wait3A_868, %dma_wait3A_869] : memref<10112x16xf32, #tpu.memory_space<vmem_shared>> -> memref<10112x16xf32, #tpu.memory_space<vmem_shared>>
      tpu.wait_indirect_dma semaphore(%arg24 : memref<!tpu.dma_semaphore, #tpu.memory_space<semaphore_mem>>) src(%dma_wait3A_864 : memref<128x16xf32, #tpu.memory_space<vmem>>) dst(%dma_wait3A_870 : memref<10112x16xf32, #tpu.memory_space<vmem_shared>>)
      %dma_wait3A_871 = arith.constant 0 : i32
      %dma_wait3A_872 = arith.constant 0 : i32
      %dma_wait3A_873 = tpu.memref_slice %arg13[%dma_wait3A_871, %dma_wait3A_872] : memref<16x128xi32, #tpu.memory_space<vmem>> -> memref<1x128xi32, #tpu.memory_space<vmem>>
      %dma_wait3A_874 = tpu.memref_squeeze %dma_wait3A_873 : memref<1x128xi32, #tpu.memory_space<vmem>> -> memref<128xi32, #tpu.memory_space<vmem>>
      %dma_wait3A_875 = arith.constant 0 : i32
      %dma_wait3A_876 = arith.constant 0 : i32
      %dma_wait3A_877 = tpu.memref_slice %arg20[%dma_wait3A_875, %dma_wait3A_876] : memref<10112x16xf32, #tpu.memory_space<vmem_shared>> -> memref<10112x16xf32, #tpu.memory_space<vmem_shared>>
      tpu.wait_indirect_dma semaphore(%arg24 : memref<!tpu.dma_semaphore, #tpu.memory_space<semaphore_mem>>) src(%arg17 : memref<128x16xf32, #tpu.memory_space<vmem>>) dst(%dma_wait3A_877 : memref<10112x16xf32, #tpu.memory_space<vmem_shared>>)
      %dma_wait3A_878 = arith.constant 1 : i32
      %dma_wait3A_879 = arith.constant 128 : i32
      %dma_wait3A_880 = arith.constant 0 : i32
      %dma_wait3A_881 = tpu.memref_slice %arg14[%dma_wait3A_879, %dma_wait3A_880] : memref<2048x16xf32, #tpu.memory_space<vmem>> -> memref<128x16xf32, #tpu.memory_space<vmem>>
      %dma_wait3A_882 = arith.constant 0 : i32
      %dma_wait3A_883 = tpu.memref_slice %arg13[%dma_wait3A_878, %dma_wait3A_882] : memref<16x128xi32, #tpu.memory_space<vmem>> -> memref<1x128xi32, #tpu.memory_space<vmem>>
      %dma_wait3A_884 = tpu.memref_squeeze %dma_wait3A_883 : memref<1x128xi32, #tpu.memory_space<vmem>> -> memref<128xi32, #tpu.memory_space<vmem>>
      %dma_wait3A_885 = arith.constant 0 : i32
      %dma_wait3A_886 = arith.constant 0 : i32
      %dma_wait3A_887 = tpu.memref_slice %arg19[%dma_wait3A_885, %dma_wait3A_886] : memref<10112x16xf32, #tpu.memory_space<vmem_shared>> -> memref<10112x16xf32, #tpu.memory_space<vmem_shared>>
      tpu.wait_indirect_dma semaphore(%arg24 : memref<!tpu.dma_semaphore, #tpu.memory_space<semaphore_mem>>) src(%dma_wait3A_881 : memref<128x16xf32, #tpu.memory_space<vmem>>) dst(%dma_wait3A_887 : memref<10112x16xf32, #tpu.memory_space<vmem_shared>>)
      %dma_wait3A_888 = arith.constant 1 : i32
      %dma_wait3A_889 = arith.constant 0 : i32
      %dma_wait3A_890 = tpu.memref_slice %arg13[%dma_wait3A_888, %dma_wait3A_889] : memref<16x128xi32, #tpu.memory_space<vmem>> -> memref<1x128xi32, #tpu.memory_space<vmem>>
      %dma_wait3A_891 = tpu.memref_squeeze %dma_wait3A_890 : memref<1x128xi32, #tpu.memory_space<vmem>> -> memref<128xi32, #tpu.memory_space<vmem>>
      %dma_wait3A_892 = arith.constant 0 : i32
      %dma_wait3A_893 = arith.constant 0 : i32
      %dma_wait3A_894 = tpu.memref_slice %arg20[%dma_wait3A_892, %dma_wait3A_893] : memref<10112x16xf32, #tpu.memory_space<vmem_shared>> -> memref<10112x16xf32, #tpu.memory_space<vmem_shared>>
      tpu.wait_indirect_dma semaphore(%arg24 : memref<!tpu.dma_semaphore, #tpu.memory_space<semaphore_mem>>) src(%arg17 : memref<128x16xf32, #tpu.memory_space<vmem>>) dst(%dma_wait3A_894 : memref<10112x16xf32, #tpu.memory_space<vmem_shared>>)
      %dma_wait3A_895 = arith.constant 2 : i32
      %dma_wait3A_896 = arith.constant 256 : i32
      %dma_wait3A_897 = arith.constant 0 : i32
      %dma_wait3A_898 = tpu.memref_slice %arg14[%dma_wait3A_896, %dma_wait3A_897] : memref<2048x16xf32, #tpu.memory_space<vmem>> -> memref<128x16xf32, #tpu.memory_space<vmem>>
      %dma_wait3A_899 = arith.constant 0 : i32
      %dma_wait3A_900 = tpu.memref_slice %arg13[%dma_wait3A_895, %dma_wait3A_899] : memref<16x128xi32, #tpu.memory_space<vmem>> -> memref<1x128xi32, #tpu.memory_space<vmem>>
      %dma_wait3A_901 = tpu.memref_squeeze %dma_wait3A_900 : memref<1x128xi32, #tpu.memory_space<vmem>> -> memref<128xi32, #tpu.memory_space<vmem>>
      %dma_wait3A_902 = arith.constant 0 : i32
      %dma_wait3A_903 = arith.constant 0 : i32
      %dma_wait3A_904 = tpu.memref_slice %arg19[%dma_wait3A_902, %dma_wait3A_903] : memref<10112x16xf32, #tpu.memory_space<vmem_shared>> -> memref<10112x16xf32, #tpu.memory_space<vmem_shared>>
      tpu.wait_indirect_dma semaphore(%arg24 : memref<!tpu.dma_semaphore, #tpu.memory_space<semaphore_mem>>) src(%dma_wait3A_898 : memref<128x16xf32, #tpu.memory_space<vmem>>) dst(%dma_wait3A_904 : memref<10112x16xf32, #tpu.memory_space<vmem_shared>>)
      %dma_wait3A_905 = arith.constant 2 : i32
      %dma_wait3A_906 = arith.constant 0 : i32
      %dma_wait3A_907 = tpu.memref_slice %arg13[%dma_wait3A_905, %dma_wait3A_906] : memref<16x128xi32, #tpu.memory_space<vmem>> -> memref<1x128xi32, #tpu.memory_space<vmem>>
      %dma_wait3A_908 = tpu.memref_squeeze %dma_wait3A_907 : memref<1x128xi32, #tpu.memory_space<vmem>> -> memref<128xi32, #tpu.memory_space<vmem>>
      %dma_wait3A_909 = arith.constant 0 : i32
      %dma_wait3A_910 = arith.constant 0 : i32
      %dma_wait3A_911 = tpu.memref_slice %arg20[%dma_wait3A_909, %dma_wait3A_910] : memref<10112x16xf32, #tpu.memory_space<vmem_shared>> -> memref<10112x16xf32, #tpu.memory_space<vmem_shared>>
      tpu.wait_indirect_dma semaphore(%arg24 : memref<!tpu.dma_semaphore, #tpu.memory_space<semaphore_mem>>) src(%arg17 : memref<128x16xf32, #tpu.memory_space<vmem>>) dst(%dma_wait3A_911 : memref<10112x16xf32, #tpu.memory_space<vmem_shared>>)
      %dma_wait3A_912 = arith.constant 3 : i32
      %dma_wait3A_913 = arith.constant 384 : i32
      %dma_wait3A_914 = arith.constant 0 : i32
      %dma_wait3A_915 = tpu.memref_slice %arg14[%dma_wait3A_913, %dma_wait3A_914] : memref<2048x16xf32, #tpu.memory_space<vmem>> -> memref<128x16xf32, #tpu.memory_space<vmem>>
      %dma_wait3A_916 = arith.constant 0 : i32
      %dma_wait3A_917 = tpu.memref_slice %arg13[%dma_wait3A_912, %dma_wait3A_916] : memref<16x128xi32, #tpu.memory_space<vmem>> -> memref<1x128xi32, #tpu.memory_space<vmem>>
      %dma_wait3A_918 = tpu.memref_squeeze %dma_wait3A_917 : memref<1x128xi32, #tpu.memory_space<vmem>> -> memref<128xi32, #tpu.memory_space<vmem>>
      %dma_wait3A_919 = arith.constant 0 : i32
      %dma_wait3A_920 = arith.constant 0 : i32
      %dma_wait3A_921 = tpu.memref_slice %arg19[%dma_wait3A_919, %dma_wait3A_920] : memref<10112x16xf32, #tpu.memory_space<vmem_shared>> -> memref<10112x16xf32, #tpu.memory_space<vmem_shared>>
      tpu.wait_indirect_dma semaphore(%arg24 : memref<!tpu.dma_semaphore, #tpu.memory_space<semaphore_mem>>) src(%dma_wait3A_915 : memref<128x16xf32, #tpu.memory_space<vmem>>) dst(%dma_wait3A_921 : memref<10112x16xf32, #tpu.memory_space<vmem_shared>>)
      %dma_wait3A_922 = arith.constant 3 : i32
      %dma_wait3A_923 = arith.constant 0 : i32
      %dma_wait3A_924 = tpu.memref_slice %arg13[%dma_wait3A_922, %dma_wait3A_923] : memref<16x128xi32, #tpu.memory_space<vmem>> -> memref<1x128xi32, #tpu.memory_space<vmem>>
      %dma_wait3A_925 = tpu.memref_squeeze %dma_wait3A_924 : memref<1x128xi32, #tpu.memory_space<vmem>> -> memref<128xi32, #tpu.memory_space<vmem>>
      %dma_wait3A_926 = arith.constant 0 : i32
      %dma_wait3A_927 = arith.constant 0 : i32
      %dma_wait3A_928 = tpu.memref_slice %arg20[%dma_wait3A_926, %dma_wait3A_927] : memref<10112x16xf32, #tpu.memory_space<vmem_shared>> -> memref<10112x16xf32, #tpu.memory_space<vmem_shared>>
      tpu.wait_indirect_dma semaphore(%arg24 : memref<!tpu.dma_semaphore, #tpu.memory_space<semaphore_mem>>) src(%arg17 : memref<128x16xf32, #tpu.memory_space<vmem>>) dst(%dma_wait3A_928 : memref<10112x16xf32, #tpu.memory_space<vmem_shared>>)
      %dma_wait3A_929 = arith.constant 4 : i32
      %dma_wait3A_930 = arith.constant 512 : i32
      %dma_wait3A_931 = arith.constant 0 : i32
      %dma_wait3A_932 = tpu.memref_slice %arg14[%dma_wait3A_930, %dma_wait3A_931] : memref<2048x16xf32, #tpu.memory_space<vmem>> -> memref<128x16xf32, #tpu.memory_space<vmem>>
      %dma_wait3A_933 = arith.constant 0 : i32
      %dma_wait3A_934 = tpu.memref_slice %arg13[%dma_wait3A_929, %dma_wait3A_933] : memref<16x128xi32, #tpu.memory_space<vmem>> -> memref<1x128xi32, #tpu.memory_space<vmem>>
      %dma_wait3A_935 = tpu.memref_squeeze %dma_wait3A_934 : memref<1x128xi32, #tpu.memory_space<vmem>> -> memref<128xi32, #tpu.memory_space<vmem>>
      %dma_wait3A_936 = arith.constant 0 : i32
      %dma_wait3A_937 = arith.constant 0 : i32
      %dma_wait3A_938 = tpu.memref_slice %arg19[%dma_wait3A_936, %dma_wait3A_937] : memref<10112x16xf32, #tpu.memory_space<vmem_shared>> -> memref<10112x16xf32, #tpu.memory_space<vmem_shared>>
      tpu.wait_indirect_dma semaphore(%arg24 : memref<!tpu.dma_semaphore, #tpu.memory_space<semaphore_mem>>) src(%dma_wait3A_932 : memref<128x16xf32, #tpu.memory_space<vmem>>) dst(%dma_wait3A_938 : memref<10112x16xf32, #tpu.memory_space<vmem_shared>>)
      %dma_wait3A_939 = arith.constant 4 : i32
      %dma_wait3A_940 = arith.constant 0 : i32
      %dma_wait3A_941 = tpu.memref_slice %arg13[%dma_wait3A_939, %dma_wait3A_940] : memref<16x128xi32, #tpu.memory_space<vmem>> -> memref<1x128xi32, #tpu.memory_space<vmem>>
      %dma_wait3A_942 = tpu.memref_squeeze %dma_wait3A_941 : memref<1x128xi32, #tpu.memory_space<vmem>> -> memref<128xi32, #tpu.memory_space<vmem>>
      %dma_wait3A_943 = arith.constant 0 : i32
      %dma_wait3A_944 = arith.constant 0 : i32
      %dma_wait3A_945 = tpu.memref_slice %arg20[%dma_wait3A_943, %dma_wait3A_944] : memref<10112x16xf32, #tpu.memory_space<vmem_shared>> -> memref<10112x16xf32, #tpu.memory_space<vmem_shared>>
      tpu.wait_indirect_dma semaphore(%arg24 : memref<!tpu.dma_semaphore, #tpu.memory_space<semaphore_mem>>) src(%arg17 : memref<128x16xf32, #tpu.memory_space<vmem>>) dst(%dma_wait3A_945 : memref<10112x16xf32, #tpu.memory_space<vmem_shared>>)
      %dma_wait3A_946 = arith.constant 5 : i32
      %dma_wait3A_947 = arith.constant 640 : i32
      %dma_wait3A_948 = arith.constant 0 : i32
      %dma_wait3A_949 = tpu.memref_slice %arg14[%dma_wait3A_947, %dma_wait3A_948] : memref<2048x16xf32, #tpu.memory_space<vmem>> -> memref<128x16xf32, #tpu.memory_space<vmem>>
      %dma_wait3A_950 = arith.constant 0 : i32
      %dma_wait3A_951 = tpu.memref_slice %arg13[%dma_wait3A_946, %dma_wait3A_950] : memref<16x128xi32, #tpu.memory_space<vmem>> -> memref<1x128xi32, #tpu.memory_space<vmem>>
      %dma_wait3A_952 = tpu.memref_squeeze %dma_wait3A_951 : memref<1x128xi32, #tpu.memory_space<vmem>> -> memref<128xi32, #tpu.memory_space<vmem>>
      %dma_wait3A_953 = arith.constant 0 : i32
      %dma_wait3A_954 = arith.constant 0 : i32
      %dma_wait3A_955 = tpu.memref_slice %arg19[%dma_wait3A_953, %dma_wait3A_954] : memref<10112x16xf32, #tpu.memory_space<vmem_shared>> -> memref<10112x16xf32, #tpu.memory_space<vmem_shared>>
      tpu.wait_indirect_dma semaphore(%arg24 : memref<!tpu.dma_semaphore, #tpu.memory_space<semaphore_mem>>) src(%dma_wait3A_949 : memref<128x16xf32, #tpu.memory_space<vmem>>) dst(%dma_wait3A_955 : memref<10112x16xf32, #tpu.memory_space<vmem_shared>>)
      %dma_wait3A_956 = arith.constant 5 : i32
      %dma_wait3A_957 = arith.constant 0 : i32
      %dma_wait3A_958 = tpu.memref_slice %arg13[%dma_wait3A_956, %dma_wait3A_957] : memref<16x128xi32, #tpu.memory_space<vmem>> -> memref<1x128xi32, #tpu.memory_space<vmem>>
      %dma_wait3A_959 = tpu.memref_squeeze %dma_wait3A_958 : memref<1x128xi32, #tpu.memory_space<vmem>> -> memref<128xi32, #tpu.memory_space<vmem>>
      %dma_wait3A_960 = arith.constant 0 : i32
      %dma_wait3A_961 = arith.constant 0 : i32
      %dma_wait3A_962 = tpu.memref_slice %arg20[%dma_wait3A_960, %dma_wait3A_961] : memref<10112x16xf32, #tpu.memory_space<vmem_shared>> -> memref<10112x16xf32, #tpu.memory_space<vmem_shared>>
      tpu.wait_indirect_dma semaphore(%arg24 : memref<!tpu.dma_semaphore, #tpu.memory_space<semaphore_mem>>) src(%arg17 : memref<128x16xf32, #tpu.memory_space<vmem>>) dst(%dma_wait3A_962 : memref<10112x16xf32, #tpu.memory_space<vmem_shared>>)
      %dma_wait3A_963 = arith.constant 6 : i32
      %dma_wait3A_964 = arith.constant 768 : i32
      %dma_wait3A_965 = arith.constant 0 : i32
      %dma_wait3A_966 = tpu.memref_slice %arg14[%dma_wait3A_964, %dma_wait3A_965] : memref<2048x16xf32, #tpu.memory_space<vmem>> -> memref<128x16xf32, #tpu.memory_space<vmem>>
      %dma_wait3A_967 = arith.constant 0 : i32
      %dma_wait3A_968 = tpu.memref_slice %arg13[%dma_wait3A_963, %dma_wait3A_967] : memref<16x128xi32, #tpu.memory_space<vmem>> -> memref<1x128xi32, #tpu.memory_space<vmem>>
      %dma_wait3A_969 = tpu.memref_squeeze %dma_wait3A_968 : memref<1x128xi32, #tpu.memory_space<vmem>> -> memref<128xi32, #tpu.memory_space<vmem>>
      %dma_wait3A_970 = arith.constant 0 : i32
      %dma_wait3A_971 = arith.constant 0 : i32
      %dma_wait3A_972 = tpu.memref_slice %arg19[%dma_wait3A_970, %dma_wait3A_971] : memref<10112x16xf32, #tpu.memory_space<vmem_shared>> -> memref<10112x16xf32, #tpu.memory_space<vmem_shared>>
      tpu.wait_indirect_dma semaphore(%arg24 : memref<!tpu.dma_semaphore, #tpu.memory_space<semaphore_mem>>) src(%dma_wait3A_966 : memref<128x16xf32, #tpu.memory_space<vmem>>) dst(%dma_wait3A_972 : memref<10112x16xf32, #tpu.memory_space<vmem_shared>>)
      %dma_wait3A_973 = arith.constant 6 : i32
      %dma_wait3A_974 = arith.constant 0 : i32
      %dma_wait3A_975 = tpu.memref_slice %arg13[%dma_wait3A_973, %dma_wait3A_974] : memref<16x128xi32, #tpu.memory_space<vmem>> -> memref<1x128xi32, #tpu.memory_space<vmem>>
      %dma_wait3A_976 = tpu.memref_squeeze %dma_wait3A_975 : memref<1x128xi32, #tpu.memory_space<vmem>> -> memref<128xi32, #tpu.memory_space<vmem>>
      %dma_wait3A_977 = arith.constant 0 : i32
      %dma_wait3A_978 = arith.constant 0 : i32
      %dma_wait3A_979 = tpu.memref_slice %arg20[%dma_wait3A_977, %dma_wait3A_978] : memref<10112x16xf32, #tpu.memory_space<vmem_shared>> -> memref<10112x16xf32, #tpu.memory_space<vmem_shared>>
      tpu.wait_indirect_dma semaphore(%arg24 : memref<!tpu.dma_semaphore, #tpu.memory_space<semaphore_mem>>) src(%arg17 : memref<128x16xf32, #tpu.memory_space<vmem>>) dst(%dma_wait3A_979 : memref<10112x16xf32, #tpu.memory_space<vmem_shared>>)
      %dma_wait3A_980 = arith.constant 7 : i32
      %dma_wait3A_981 = arith.constant 896 : i32
      %dma_wait3A_982 = arith.constant 0 : i32
      %dma_wait3A_983 = tpu.memref_slice %arg14[%dma_wait3A_981, %dma_wait3A_982] : memref<2048x16xf32, #tpu.memory_space<vmem>> -> memref<128x16xf32, #tpu.memory_space<vmem>>
      %dma_wait3A_984 = arith.constant 0 : i32
      %dma_wait3A_985 = tpu.memref_slice %arg13[%dma_wait3A_980, %dma_wait3A_984] : memref<16x128xi32, #tpu.memory_space<vmem>> -> memref<1x128xi32, #tpu.memory_space<vmem>>
      %dma_wait3A_986 = tpu.memref_squeeze %dma_wait3A_985 : memref<1x128xi32, #tpu.memory_space<vmem>> -> memref<128xi32, #tpu.memory_space<vmem>>
      %dma_wait3A_987 = arith.constant 0 : i32
      %dma_wait3A_988 = arith.constant 0 : i32
      %dma_wait3A_989 = tpu.memref_slice %arg19[%dma_wait3A_987, %dma_wait3A_988] : memref<10112x16xf32, #tpu.memory_space<vmem_shared>> -> memref<10112x16xf32, #tpu.memory_space<vmem_shared>>
      tpu.wait_indirect_dma semaphore(%arg24 : memref<!tpu.dma_semaphore, #tpu.memory_space<semaphore_mem>>) src(%dma_wait3A_983 : memref<128x16xf32, #tpu.memory_space<vmem>>) dst(%dma_wait3A_989 : memref<10112x16xf32, #tpu.memory_space<vmem_shared>>)
      %dma_wait3A_990 = arith.constant 7 : i32
      %dma_wait3A_991 = arith.constant 0 : i32
      %dma_wait3A_992 = tpu.memref_slice %arg13[%dma_wait3A_990, %dma_wait3A_991] : memref<16x128xi32, #tpu.memory_space<vmem>> -> memref<1x128xi32, #tpu.memory_space<vmem>>
      %dma_wait3A_993 = tpu.memref_squeeze %dma_wait3A_992 : memref<1x128xi32, #tpu.memory_space<vmem>> -> memref<128xi32, #tpu.memory_space<vmem>>
      %dma_wait3A_994 = arith.constant 0 : i32
      %dma_wait3A_995 = arith.constant 0 : i32
      %dma_wait3A_996 = tpu.memref_slice %arg20[%dma_wait3A_994, %dma_wait3A_995] : memref<10112x16xf32, #tpu.memory_space<vmem_shared>> -> memref<10112x16xf32, #tpu.memory_space<vmem_shared>>
      tpu.wait_indirect_dma semaphore(%arg24 : memref<!tpu.dma_semaphore, #tpu.memory_space<semaphore_mem>>) src(%arg17 : memref<128x16xf32, #tpu.memory_space<vmem>>) dst(%dma_wait3A_996 : memref<10112x16xf32, #tpu.memory_space<vmem_shared>>)
      %dma_wait3A_997 = arith.constant 8 : i32
      %dma_wait3A_998 = arith.constant 1024 : i32
      %dma_wait3A_999 = arith.constant 0 : i32
      %dma_wait3A_1000 = tpu.memref_slice %arg14[%dma_wait3A_998, %dma_wait3A_999] : memref<2048x16xf32, #tpu.memory_space<vmem>> -> memref<128x16xf32, #tpu.memory_space<vmem>>
      %dma_wait3A_1001 = arith.constant 0 : i32
      %dma_wait3A_1002 = tpu.memref_slice %arg13[%dma_wait3A_997, %dma_wait3A_1001] : memref<16x128xi32, #tpu.memory_space<vmem>> -> memref<1x128xi32, #tpu.memory_space<vmem>>
      %dma_wait3A_1003 = tpu.memref_squeeze %dma_wait3A_1002 : memref<1x128xi32, #tpu.memory_space<vmem>> -> memref<128xi32, #tpu.memory_space<vmem>>
      %dma_wait3A_1004 = arith.constant 0 : i32
      %dma_wait3A_1005 = arith.constant 0 : i32
      %dma_wait3A_1006 = tpu.memref_slice %arg19[%dma_wait3A_1004, %dma_wait3A_1005] : memref<10112x16xf32, #tpu.memory_space<vmem_shared>> -> memref<10112x16xf32, #tpu.memory_space<vmem_shared>>
      tpu.wait_indirect_dma semaphore(%arg24 : memref<!tpu.dma_semaphore, #tpu.memory_space<semaphore_mem>>) src(%dma_wait3A_1000 : memref<128x16xf32, #tpu.memory_space<vmem>>) dst(%dma_wait3A_1006 : memref<10112x16xf32, #tpu.memory_space<vmem_shared>>)
      %dma_wait3A_1007 = arith.constant 8 : i32
      %dma_wait3A_1008 = arith.constant 0 : i32
      %dma_wait3A_1009 = tpu.memref_slice %arg13[%dma_wait3A_1007, %dma_wait3A_1008] : memref<16x128xi32, #tpu.memory_space<vmem>> -> memref<1x128xi32, #tpu.memory_space<vmem>>
      %dma_wait3A_1010 = tpu.memref_squeeze %dma_wait3A_1009 : memref<1x128xi32, #tpu.memory_space<vmem>> -> memref<128xi32, #tpu.memory_space<vmem>>
      %dma_wait3A_1011 = arith.constant 0 : i32
      %dma_wait3A_1012 = arith.constant 0 : i32
      %dma_wait3A_1013 = tpu.memref_slice %arg20[%dma_wait3A_1011, %dma_wait3A_1012] : memref<10112x16xf32, #tpu.memory_space<vmem_shared>> -> memref<10112x16xf32, #tpu.memory_space<vmem_shared>>
      tpu.wait_indirect_dma semaphore(%arg24 : memref<!tpu.dma_semaphore, #tpu.memory_space<semaphore_mem>>) src(%arg17 : memref<128x16xf32, #tpu.memory_space<vmem>>) dst(%dma_wait3A_1013 : memref<10112x16xf32, #tpu.memory_space<vmem_shared>>)
      %dma_wait3A_1014 = arith.constant 9 : i32
      %dma_wait3A_1015 = arith.constant 1152 : i32
      %dma_wait3A_1016 = arith.constant 0 : i32
      %dma_wait3A_1017 = tpu.memref_slice %arg14[%dma_wait3A_1015, %dma_wait3A_1016] : memref<2048x16xf32, #tpu.memory_space<vmem>> -> memref<128x16xf32, #tpu.memory_space<vmem>>
      %dma_wait3A_1018 = arith.constant 0 : i32
      %dma_wait3A_1019 = tpu.memref_slice %arg13[%dma_wait3A_1014, %dma_wait3A_1018] : memref<16x128xi32, #tpu.memory_space<vmem>> -> memref<1x128xi32, #tpu.memory_space<vmem>>
      %dma_wait3A_1020 = tpu.memref_squeeze %dma_wait3A_1019 : memref<1x128xi32, #tpu.memory_space<vmem>> -> memref<128xi32, #tpu.memory_space<vmem>>
      %dma_wait3A_1021 = arith.constant 0 : i32
      %dma_wait3A_1022 = arith.constant 0 : i32
      %dma_wait3A_1023 = tpu.memref_slice %arg19[%dma_wait3A_1021, %dma_wait3A_1022] : memref<10112x16xf32, #tpu.memory_space<vmem_shared>> -> memref<10112x16xf32, #tpu.memory_space<vmem_shared>>
      tpu.wait_indirect_dma semaphore(%arg24 : memref<!tpu.dma_semaphore, #tpu.memory_space<semaphore_mem>>) src(%dma_wait3A_1017 : memref<128x16xf32, #tpu.memory_space<vmem>>) dst(%dma_wait3A_1023 : memref<10112x16xf32, #tpu.memory_space<vmem_shared>>)
      %dma_wait3A_1024 = arith.constant 9 : i32
      %dma_wait3A_1025 = arith.constant 0 : i32
      %dma_wait3A_1026 = tpu.memref_slice %arg13[%dma_wait3A_1024, %dma_wait3A_1025] : memref<16x128xi32, #tpu.memory_space<vmem>> -> memref<1x128xi32, #tpu.memory_space<vmem>>
      %dma_wait3A_1027 = tpu.memref_squeeze %dma_wait3A_1026 : memref<1x128xi32, #tpu.memory_space<vmem>> -> memref<128xi32, #tpu.memory_space<vmem>>
      %dma_wait3A_1028 = arith.constant 0 : i32
      %dma_wait3A_1029 = arith.constant 0 : i32
      %dma_wait3A_1030 = tpu.memref_slice %arg20[%dma_wait3A_1028, %dma_wait3A_1029] : memref<10112x16xf32, #tpu.memory_space<vmem_shared>> -> memref<10112x16xf32, #tpu.memory_space<vmem_shared>>
      tpu.wait_indirect_dma semaphore(%arg24 : memref<!tpu.dma_semaphore, #tpu.memory_space<semaphore_mem>>) src(%arg17 : memref<128x16xf32, #tpu.memory_space<vmem>>) dst(%dma_wait3A_1030 : memref<10112x16xf32, #tpu.memory_space<vmem_shared>>)
      %dma_wait3A_1031 = arith.constant 10 : i32
      %dma_wait3A_1032 = arith.constant 1280 : i32
      %dma_wait3A_1033 = arith.constant 0 : i32
      %dma_wait3A_1034 = tpu.memref_slice %arg14[%dma_wait3A_1032, %dma_wait3A_1033] : memref<2048x16xf32, #tpu.memory_space<vmem>> -> memref<128x16xf32, #tpu.memory_space<vmem>>
      %dma_wait3A_1035 = arith.constant 0 : i32
      %dma_wait3A_1036 = tpu.memref_slice %arg13[%dma_wait3A_1031, %dma_wait3A_1035] : memref<16x128xi32, #tpu.memory_space<vmem>> -> memref<1x128xi32, #tpu.memory_space<vmem>>
      %dma_wait3A_1037 = tpu.memref_squeeze %dma_wait3A_1036 : memref<1x128xi32, #tpu.memory_space<vmem>> -> memref<128xi32, #tpu.memory_space<vmem>>
      %dma_wait3A_1038 = arith.constant 0 : i32
      %dma_wait3A_1039 = arith.constant 0 : i32
      %dma_wait3A_1040 = tpu.memref_slice %arg19[%dma_wait3A_1038, %dma_wait3A_1039] : memref<10112x16xf32, #tpu.memory_space<vmem_shared>> -> memref<10112x16xf32, #tpu.memory_space<vmem_shared>>
      tpu.wait_indirect_dma semaphore(%arg24 : memref<!tpu.dma_semaphore, #tpu.memory_space<semaphore_mem>>) src(%dma_wait3A_1034 : memref<128x16xf32, #tpu.memory_space<vmem>>) dst(%dma_wait3A_1040 : memref<10112x16xf32, #tpu.memory_space<vmem_shared>>)
      %dma_wait3A_1041 = arith.constant 10 : i32
      %dma_wait3A_1042 = arith.constant 0 : i32
      %dma_wait3A_1043 = tpu.memref_slice %arg13[%dma_wait3A_1041, %dma_wait3A_1042] : memref<16x128xi32, #tpu.memory_space<vmem>> -> memref<1x128xi32, #tpu.memory_space<vmem>>
      %dma_wait3A_1044 = tpu.memref_squeeze %dma_wait3A_1043 : memref<1x128xi32, #tpu.memory_space<vmem>> -> memref<128xi32, #tpu.memory_space<vmem>>
      %dma_wait3A_1045 = arith.constant 0 : i32
      %dma_wait3A_1046 = arith.constant 0 : i32
      %dma_wait3A_1047 = tpu.memref_slice %arg20[%dma_wait3A_1045, %dma_wait3A_1046] : memref<10112x16xf32, #tpu.memory_space<vmem_shared>> -> memref<10112x16xf32, #tpu.memory_space<vmem_shared>>
      tpu.wait_indirect_dma semaphore(%arg24 : memref<!tpu.dma_semaphore, #tpu.memory_space<semaphore_mem>>) src(%arg17 : memref<128x16xf32, #tpu.memory_space<vmem>>) dst(%dma_wait3A_1047 : memref<10112x16xf32, #tpu.memory_space<vmem_shared>>)
      %dma_wait3A_1048 = arith.constant 11 : i32
      %dma_wait3A_1049 = arith.constant 1408 : i32
      %dma_wait3A_1050 = arith.constant 0 : i32
      %dma_wait3A_1051 = tpu.memref_slice %arg14[%dma_wait3A_1049, %dma_wait3A_1050] : memref<2048x16xf32, #tpu.memory_space<vmem>> -> memref<128x16xf32, #tpu.memory_space<vmem>>
      %dma_wait3A_1052 = arith.constant 0 : i32
      %dma_wait3A_1053 = tpu.memref_slice %arg13[%dma_wait3A_1048, %dma_wait3A_1052] : memref<16x128xi32, #tpu.memory_space<vmem>> -> memref<1x128xi32, #tpu.memory_space<vmem>>
      %dma_wait3A_1054 = tpu.memref_squeeze %dma_wait3A_1053 : memref<1x128xi32, #tpu.memory_space<vmem>> -> memref<128xi32, #tpu.memory_space<vmem>>
      %dma_wait3A_1055 = arith.constant 0 : i32
      %dma_wait3A_1056 = arith.constant 0 : i32
      %dma_wait3A_1057 = tpu.memref_slice %arg19[%dma_wait3A_1055, %dma_wait3A_1056] : memref<10112x16xf32, #tpu.memory_space<vmem_shared>> -> memref<10112x16xf32, #tpu.memory_space<vmem_shared>>
      tpu.wait_indirect_dma semaphore(%arg24 : memref<!tpu.dma_semaphore, #tpu.memory_space<semaphore_mem>>) src(%dma_wait3A_1051 : memref<128x16xf32, #tpu.memory_space<vmem>>) dst(%dma_wait3A_1057 : memref<10112x16xf32, #tpu.memory_space<vmem_shared>>)
      %dma_wait3A_1058 = arith.constant 11 : i32
      %dma_wait3A_1059 = arith.constant 0 : i32
      %dma_wait3A_1060 = tpu.memref_slice %arg13[%dma_wait3A_1058, %dma_wait3A_1059] : memref<16x128xi32, #tpu.memory_space<vmem>> -> memref<1x128xi32, #tpu.memory_space<vmem>>
      %dma_wait3A_1061 = tpu.memref_squeeze %dma_wait3A_1060 : memref<1x128xi32, #tpu.memory_space<vmem>> -> memref<128xi32, #tpu.memory_space<vmem>>
      %dma_wait3A_1062 = arith.constant 0 : i32
      %dma_wait3A_1063 = arith.constant 0 : i32
      %dma_wait3A_1064 = tpu.memref_slice %arg20[%dma_wait3A_1062, %dma_wait3A_1063] : memref<10112x16xf32, #tpu.memory_space<vmem_shared>> -> memref<10112x16xf32, #tpu.memory_space<vmem_shared>>
      tpu.wait_indirect_dma semaphore(%arg24 : memref<!tpu.dma_semaphore, #tpu.memory_space<semaphore_mem>>) src(%arg17 : memref<128x16xf32, #tpu.memory_space<vmem>>) dst(%dma_wait3A_1064 : memref<10112x16xf32, #tpu.memory_space<vmem_shared>>)
      %dma_wait3A_1065 = arith.constant 12 : i32
      %dma_wait3A_1066 = arith.constant 1536 : i32
      %dma_wait3A_1067 = arith.constant 0 : i32
      %dma_wait3A_1068 = tpu.memref_slice %arg14[%dma_wait3A_1066, %dma_wait3A_1067] : memref<2048x16xf32, #tpu.memory_space<vmem>> -> memref<128x16xf32, #tpu.memory_space<vmem>>
      %dma_wait3A_1069 = arith.constant 0 : i32
      %dma_wait3A_1070 = tpu.memref_slice %arg13[%dma_wait3A_1065, %dma_wait3A_1069] : memref<16x128xi32, #tpu.memory_space<vmem>> -> memref<1x128xi32, #tpu.memory_space<vmem>>
      %dma_wait3A_1071 = tpu.memref_squeeze %dma_wait3A_1070 : memref<1x128xi32, #tpu.memory_space<vmem>> -> memref<128xi32, #tpu.memory_space<vmem>>
      %dma_wait3A_1072 = arith.constant 0 : i32
      %dma_wait3A_1073 = arith.constant 0 : i32
      %dma_wait3A_1074 = tpu.memref_slice %arg19[%dma_wait3A_1072, %dma_wait3A_1073] : memref<10112x16xf32, #tpu.memory_space<vmem_shared>> -> memref<10112x16xf32, #tpu.memory_space<vmem_shared>>
      tpu.wait_indirect_dma semaphore(%arg24 : memref<!tpu.dma_semaphore, #tpu.memory_space<semaphore_mem>>) src(%dma_wait3A_1068 : memref<128x16xf32, #tpu.memory_space<vmem>>) dst(%dma_wait3A_1074 : memref<10112x16xf32, #tpu.memory_space<vmem_shared>>)
      %dma_wait3A_1075 = arith.constant 12 : i32
      %dma_wait3A_1076 = arith.constant 0 : i32
      %dma_wait3A_1077 = tpu.memref_slice %arg13[%dma_wait3A_1075, %dma_wait3A_1076] : memref<16x128xi32, #tpu.memory_space<vmem>> -> memref<1x128xi32, #tpu.memory_space<vmem>>
      %dma_wait3A_1078 = tpu.memref_squeeze %dma_wait3A_1077 : memref<1x128xi32, #tpu.memory_space<vmem>> -> memref<128xi32, #tpu.memory_space<vmem>>
      %dma_wait3A_1079 = arith.constant 0 : i32
      %dma_wait3A_1080 = arith.constant 0 : i32
      %dma_wait3A_1081 = tpu.memref_slice %arg20[%dma_wait3A_1079, %dma_wait3A_1080] : memref<10112x16xf32, #tpu.memory_space<vmem_shared>> -> memref<10112x16xf32, #tpu.memory_space<vmem_shared>>
      tpu.wait_indirect_dma semaphore(%arg24 : memref<!tpu.dma_semaphore, #tpu.memory_space<semaphore_mem>>) src(%arg17 : memref<128x16xf32, #tpu.memory_space<vmem>>) dst(%dma_wait3A_1081 : memref<10112x16xf32, #tpu.memory_space<vmem_shared>>)
      %dma_wait3A_1082 = arith.constant 13 : i32
      %dma_wait3A_1083 = arith.constant 1664 : i32
      %dma_wait3A_1084 = arith.constant 0 : i32
      %dma_wait3A_1085 = tpu.memref_slice %arg14[%dma_wait3A_1083, %dma_wait3A_1084] : memref<2048x16xf32, #tpu.memory_space<vmem>> -> memref<128x16xf32, #tpu.memory_space<vmem>>
      %dma_wait3A_1086 = arith.constant 0 : i32
      %dma_wait3A_1087 = tpu.memref_slice %arg13[%dma_wait3A_1082, %dma_wait3A_1086] : memref<16x128xi32, #tpu.memory_space<vmem>> -> memref<1x128xi32, #tpu.memory_space<vmem>>
      %dma_wait3A_1088 = tpu.memref_squeeze %dma_wait3A_1087 : memref<1x128xi32, #tpu.memory_space<vmem>> -> memref<128xi32, #tpu.memory_space<vmem>>
      %dma_wait3A_1089 = arith.constant 0 : i32
      %dma_wait3A_1090 = arith.constant 0 : i32
      %dma_wait3A_1091 = tpu.memref_slice %arg19[%dma_wait3A_1089, %dma_wait3A_1090] : memref<10112x16xf32, #tpu.memory_space<vmem_shared>> -> memref<10112x16xf32, #tpu.memory_space<vmem_shared>>
      tpu.wait_indirect_dma semaphore(%arg24 : memref<!tpu.dma_semaphore, #tpu.memory_space<semaphore_mem>>) src(%dma_wait3A_1085 : memref<128x16xf32, #tpu.memory_space<vmem>>) dst(%dma_wait3A_1091 : memref<10112x16xf32, #tpu.memory_space<vmem_shared>>)
      %dma_wait3A_1092 = arith.constant 13 : i32
      %dma_wait3A_1093 = arith.constant 0 : i32
      %dma_wait3A_1094 = tpu.memref_slice %arg13[%dma_wait3A_1092, %dma_wait3A_1093] : memref<16x128xi32, #tpu.memory_space<vmem>> -> memref<1x128xi32, #tpu.memory_space<vmem>>
      %dma_wait3A_1095 = tpu.memref_squeeze %dma_wait3A_1094 : memref<1x128xi32, #tpu.memory_space<vmem>> -> memref<128xi32, #tpu.memory_space<vmem>>
      %dma_wait3A_1096 = arith.constant 0 : i32
      %dma_wait3A_1097 = arith.constant 0 : i32
      %dma_wait3A_1098 = tpu.memref_slice %arg20[%dma_wait3A_1096, %dma_wait3A_1097] : memref<10112x16xf32, #tpu.memory_space<vmem_shared>> -> memref<10112x16xf32, #tpu.memory_space<vmem_shared>>
      tpu.wait_indirect_dma semaphore(%arg24 : memref<!tpu.dma_semaphore, #tpu.memory_space<semaphore_mem>>) src(%arg17 : memref<128x16xf32, #tpu.memory_space<vmem>>) dst(%dma_wait3A_1098 : memref<10112x16xf32, #tpu.memory_space<vmem_shared>>)
      %dma_wait3A_1099 = arith.constant 14 : i32
      %dma_wait3A_1100 = arith.constant 1792 : i32
      %dma_wait3A_1101 = arith.constant 0 : i32
      %dma_wait3A_1102 = tpu.memref_slice %arg14[%dma_wait3A_1100, %dma_wait3A_1101] : memref<2048x16xf32, #tpu.memory_space<vmem>> -> memref<128x16xf32, #tpu.memory_space<vmem>>
      %dma_wait3A_1103 = arith.constant 0 : i32
      %dma_wait3A_1104 = tpu.memref_slice %arg13[%dma_wait3A_1099, %dma_wait3A_1103] : memref<16x128xi32, #tpu.memory_space<vmem>> -> memref<1x128xi32, #tpu.memory_space<vmem>>
      %dma_wait3A_1105 = tpu.memref_squeeze %dma_wait3A_1104 : memref<1x128xi32, #tpu.memory_space<vmem>> -> memref<128xi32, #tpu.memory_space<vmem>>
      %dma_wait3A_1106 = arith.constant 0 : i32
      %dma_wait3A_1107 = arith.constant 0 : i32
      %dma_wait3A_1108 = tpu.memref_slice %arg19[%dma_wait3A_1106, %dma_wait3A_1107] : memref<10112x16xf32, #tpu.memory_space<vmem_shared>> -> memref<10112x16xf32, #tpu.memory_space<vmem_shared>>
      tpu.wait_indirect_dma semaphore(%arg24 : memref<!tpu.dma_semaphore, #tpu.memory_space<semaphore_mem>>) src(%dma_wait3A_1102 : memref<128x16xf32, #tpu.memory_space<vmem>>) dst(%dma_wait3A_1108 : memref<10112x16xf32, #tpu.memory_space<vmem_shared>>)
      %dma_wait3A_1109 = arith.constant 14 : i32
      %dma_wait3A_1110 = arith.constant 0 : i32
      %dma_wait3A_1111 = tpu.memref_slice %arg13[%dma_wait3A_1109, %dma_wait3A_1110] : memref<16x128xi32, #tpu.memory_space<vmem>> -> memref<1x128xi32, #tpu.memory_space<vmem>>
      %dma_wait3A_1112 = tpu.memref_squeeze %dma_wait3A_1111 : memref<1x128xi32, #tpu.memory_space<vmem>> -> memref<128xi32, #tpu.memory_space<vmem>>
      %dma_wait3A_1113 = arith.constant 0 : i32
      %dma_wait3A_1114 = arith.constant 0 : i32
      %dma_wait3A_1115 = tpu.memref_slice %arg20[%dma_wait3A_1113, %dma_wait3A_1114] : memref<10112x16xf32, #tpu.memory_space<vmem_shared>> -> memref<10112x16xf32, #tpu.memory_space<vmem_shared>>
      tpu.wait_indirect_dma semaphore(%arg24 : memref<!tpu.dma_semaphore, #tpu.memory_space<semaphore_mem>>) src(%arg17 : memref<128x16xf32, #tpu.memory_space<vmem>>) dst(%dma_wait3A_1115 : memref<10112x16xf32, #tpu.memory_space<vmem_shared>>)
      %dma_wait3A_1116 = arith.constant 15 : i32
      %dma_wait3A_1117 = arith.constant 1920 : i32
      %dma_wait3A_1118 = arith.constant 0 : i32
      %dma_wait3A_1119 = tpu.memref_slice %arg14[%dma_wait3A_1117, %dma_wait3A_1118] : memref<2048x16xf32, #tpu.memory_space<vmem>> -> memref<128x16xf32, #tpu.memory_space<vmem>>
      %dma_wait3A_1120 = arith.constant 0 : i32
      %dma_wait3A_1121 = tpu.memref_slice %arg13[%dma_wait3A_1116, %dma_wait3A_1120] : memref<16x128xi32, #tpu.memory_space<vmem>> -> memref<1x128xi32, #tpu.memory_space<vmem>>
      %dma_wait3A_1122 = tpu.memref_squeeze %dma_wait3A_1121 : memref<1x128xi32, #tpu.memory_space<vmem>> -> memref<128xi32, #tpu.memory_space<vmem>>
      %dma_wait3A_1123 = arith.constant 0 : i32
      %dma_wait3A_1124 = arith.constant 0 : i32
      %dma_wait3A_1125 = tpu.memref_slice %arg19[%dma_wait3A_1123, %dma_wait3A_1124] : memref<10112x16xf32, #tpu.memory_space<vmem_shared>> -> memref<10112x16xf32, #tpu.memory_space<vmem_shared>>
      tpu.wait_indirect_dma semaphore(%arg24 : memref<!tpu.dma_semaphore, #tpu.memory_space<semaphore_mem>>) src(%dma_wait3A_1119 : memref<128x16xf32, #tpu.memory_space<vmem>>) dst(%dma_wait3A_1125 : memref<10112x16xf32, #tpu.memory_space<vmem_shared>>)
      %dma_wait3A_1126 = arith.constant 15 : i32
      %dma_wait3A_1127 = arith.constant 0 : i32
      %dma_wait3A_1128 = tpu.memref_slice %arg13[%dma_wait3A_1126, %dma_wait3A_1127] : memref<16x128xi32, #tpu.memory_space<vmem>> -> memref<1x128xi32, #tpu.memory_space<vmem>>
      %dma_wait3A_1129 = tpu.memref_squeeze %dma_wait3A_1128 : memref<1x128xi32, #tpu.memory_space<vmem>> -> memref<128xi32, #tpu.memory_space<vmem>>
      %dma_wait3A_1130 = arith.constant 0 : i32
      %dma_wait3A_1131 = arith.constant 0 : i32
      %dma_wait3A_1132 = tpu.memref_slice %arg20[%dma_wait3A_1130, %dma_wait3A_1131] : memref<10112x16xf32, #tpu.memory_space<vmem_shared>> -> memref<10112x16xf32, #tpu.memory_space<vmem_shared>>
      tpu.wait_indirect_dma semaphore(%arg24 : memref<!tpu.dma_semaphore, #tpu.memory_space<semaphore_mem>>) src(%arg17 : memref<128x16xf32, #tpu.memory_space<vmem>>) dst(%dma_wait3A_1132 : memref<10112x16xf32, #tpu.memory_space<vmem_shared>>)
    }
    %scan3A_7 = arith.constant 10 : i32
    %barrier3A_8 = arith.constant 0 : index
    tpu.barrier barrier_id(%barrier3A_8)
    "tpu.region"() ({
      %run_scoped3A = tpu.sem_alloc : memref<!tpu.dma_semaphore, #tpu.memory_space<semaphore_mem>>
      %dma_start3A = arith.constant 0 : i32
      %dma_start3A_9 = tpu.memref_slice %arg8[%arg0, %mul3A_0, %dma_start3A] : memref<2x10112x64xf32, #tpu.memory_space<hbm>> -> memref<1x632x64xf32, #tpu.memory_space<hbm>>
      %dma_start3A_10 = tpu.memref_squeeze %dma_start3A_9 : memref<1x632x64xf32, #tpu.memory_space<hbm>> -> memref<632x64xf32, #tpu.memory_space<hbm>>
      %dma_start3A_11 = arith.constant 0 : i32
      %dma_start3A_12 = tpu.memref_slice %arg18[%mul3A_0, %dma_start3A_11] : memref<10112x64xf32, #tpu.memory_space<vmem_shared>> -> memref<632x64xf32, #tpu.memory_space<vmem_shared>>
      tpu.enqueue_dma source(%dma_start3A_12 : memref<632x64xf32, #tpu.memory_space<vmem_shared>>) target(%dma_start3A_10 : memref<632x64xf32, #tpu.memory_space<hbm>>) target_semaphore(%run_scoped3A : memref<!tpu.dma_semaphore, #tpu.memory_space<semaphore_mem>>)
      %dma_wait3A = arith.constant 0 : i32
      %dma_wait3A_13 = tpu.memref_slice %arg8[%arg0, %mul3A_0, %dma_wait3A] : memref<2x10112x64xf32, #tpu.memory_space<hbm>> -> memref<1x632x64xf32, #tpu.memory_space<hbm>>
      %dma_wait3A_14 = tpu.memref_squeeze %dma_wait3A_13 : memref<1x632x64xf32, #tpu.memory_space<hbm>> -> memref<632x64xf32, #tpu.memory_space<hbm>>
      %dma_wait3A_15 = arith.constant 0 : i32
      %dma_wait3A_16 = tpu.memref_slice %arg18[%mul3A_0, %dma_wait3A_15] : memref<10112x64xf32, #tpu.memory_space<vmem_shared>> -> memref<632x64xf32, #tpu.memory_space<vmem_shared>>
      tpu.wait_dma2 semaphore(%run_scoped3A : memref<!tpu.dma_semaphore, #tpu.memory_space<semaphore_mem>>) src(%dma_wait3A_16 : memref<632x64xf32, #tpu.memory_space<vmem_shared>>) dst(%dma_wait3A_14 : memref<632x64xf32, #tpu.memory_space<hbm>>)
      tpu.yield
    }) : () -> ()
    "tpu.region"() ({
      %run_scoped3A = tpu.sem_alloc : memref<!tpu.dma_semaphore, #tpu.memory_space<semaphore_mem>>
      %dma_start3A = arith.constant 0 : i32
      %dma_start3A_9 = tpu.memref_slice %arg9[%arg0, %mul3A_0, %dma_start3A] : memref<2x10112x16xf32, #tpu.memory_space<hbm>> -> memref<1x632x16xf32, #tpu.memory_space<hbm>>
      %dma_start3A_10 = tpu.memref_squeeze %dma_start3A_9 : memref<1x632x16xf32, #tpu.memory_space<hbm>> -> memref<632x16xf32, #tpu.memory_space<hbm>>
      %dma_start3A_11 = arith.constant 0 : i32
      %dma_start3A_12 = tpu.memref_slice %arg19[%mul3A_0, %dma_start3A_11] : memref<10112x16xf32, #tpu.memory_space<vmem_shared>> -> memref<632x16xf32, #tpu.memory_space<vmem_shared>>
      tpu.enqueue_dma source(%dma_start3A_12 : memref<632x16xf32, #tpu.memory_space<vmem_shared>>) target(%dma_start3A_10 : memref<632x16xf32, #tpu.memory_space<hbm>>) target_semaphore(%run_scoped3A : memref<!tpu.dma_semaphore, #tpu.memory_space<semaphore_mem>>)
      %dma_wait3A = arith.constant 0 : i32
      %dma_wait3A_13 = tpu.memref_slice %arg9[%arg0, %mul3A_0, %dma_wait3A] : memref<2x10112x16xf32, #tpu.memory_space<hbm>> -> memref<1x632x16xf32, #tpu.memory_space<hbm>>
      %dma_wait3A_14 = tpu.memref_squeeze %dma_wait3A_13 : memref<1x632x16xf32, #tpu.memory_space<hbm>> -> memref<632x16xf32, #tpu.memory_space<hbm>>
      %dma_wait3A_15 = arith.constant 0 : i32
      %dma_wait3A_16 = tpu.memref_slice %arg19[%mul3A_0, %dma_wait3A_15] : memref<10112x16xf32, #tpu.memory_space<vmem_shared>> -> memref<632x16xf32, #tpu.memory_space<vmem_shared>>
      tpu.wait_dma2 semaphore(%run_scoped3A : memref<!tpu.dma_semaphore, #tpu.memory_space<semaphore_mem>>) src(%dma_wait3A_16 : memref<632x16xf32, #tpu.memory_space<vmem_shared>>) dst(%dma_wait3A_14 : memref<632x16xf32, #tpu.memory_space<hbm>>)
      tpu.yield
    }) : () -> ()
    "tpu.region"() ({
      %run_scoped3A = tpu.sem_alloc : memref<!tpu.dma_semaphore, #tpu.memory_space<semaphore_mem>>
      %dma_start3A = arith.constant 0 : i32
      %dma_start3A_9 = tpu.memref_slice %arg10[%arg0, %mul3A_0, %dma_start3A] : memref<2x10112x16xf32, #tpu.memory_space<hbm>> -> memref<1x632x16xf32, #tpu.memory_space<hbm>>
      %dma_start3A_10 = tpu.memref_squeeze %dma_start3A_9 : memref<1x632x16xf32, #tpu.memory_space<hbm>> -> memref<632x16xf32, #tpu.memory_space<hbm>>
      %dma_start3A_11 = arith.constant 0 : i32
      %dma_start3A_12 = tpu.memref_slice %arg20[%mul3A_0, %dma_start3A_11] : memref<10112x16xf32, #tpu.memory_space<vmem_shared>> -> memref<632x16xf32, #tpu.memory_space<vmem_shared>>
      tpu.enqueue_dma source(%dma_start3A_12 : memref<632x16xf32, #tpu.memory_space<vmem_shared>>) target(%dma_start3A_10 : memref<632x16xf32, #tpu.memory_space<hbm>>) target_semaphore(%run_scoped3A : memref<!tpu.dma_semaphore, #tpu.memory_space<semaphore_mem>>)
      %dma_wait3A = arith.constant 0 : i32
      %dma_wait3A_13 = tpu.memref_slice %arg10[%arg0, %mul3A_0, %dma_wait3A] : memref<2x10112x16xf32, #tpu.memory_space<hbm>> -> memref<1x632x16xf32, #tpu.memory_space<hbm>>
      %dma_wait3A_14 = tpu.memref_squeeze %dma_wait3A_13 : memref<1x632x16xf32, #tpu.memory_space<hbm>> -> memref<632x16xf32, #tpu.memory_space<hbm>>
      %dma_wait3A_15 = arith.constant 0 : i32
      %dma_wait3A_16 = tpu.memref_slice %arg20[%mul3A_0, %dma_wait3A_15] : memref<10112x16xf32, #tpu.memory_space<vmem_shared>> -> memref<632x16xf32, #tpu.memory_space<vmem_shared>>
      tpu.wait_dma2 semaphore(%run_scoped3A : memref<!tpu.dma_semaphore, #tpu.memory_space<semaphore_mem>>) src(%dma_wait3A_16 : memref<632x16xf32, #tpu.memory_space<vmem_shared>>) dst(%dma_wait3A_14 : memref<632x16xf32, #tpu.memory_space<hbm>>)
      tpu.yield
    }) : () -> ()
    return
  }
}

module attributes {stable_mosaic.version = 14 : i64} {
  func.func @gk(%arg0: i32, %arg1: memref<4096x128xf32, #tpu.memory_space<vmem>>, %arg2: memref<128x128xf32, #tpu.memory_space<vmem>>) attributes {dimension_semantics = [#tpu.dimension_semantics<arbitrary>], iteration_bounds = array<i64: 10>, scalar_prefetch = 0 : i64, scratch_operands = 0 : i64, tpu.core_type = #tpu.core_type<tc>, window_params = [{transform_indices = @transform_0, window_bounds = array<i64: 4096, 128>}, {pipeline_mode = #tpu.pipeline_mode<synchronous>, transform_indices = @transform_1, window_bounds = array<i64: 128, 128>}]} {
    %eq3A = arith.constant 0 : i32
    %eq3A_0 = arith.cmpi eq, %arg0, %eq3A : i32
    %convert_element_type3A = arith.extui %eq3A_0 : i1 to i32
    %cond3A = arith.constant 0 : i32
    %cond3A_1 = arith.cmpi ne, %convert_element_type3A, %cond3A : i32
    scf.if %cond3A_1 {
      %broadcast_in_dim3A = arith.constant 0.000000e+00 : f32
      %broadcast_in_dim3A_10 = vector.broadcast %broadcast_in_dim3A : f32 to vector<128x128xf32>
      %swap3A_11 = arith.constant 0 : index
      %swap3A_12 = arith.constant 0 : index
      %swap3A_13 = vector.load %arg2[%swap3A_11, %swap3A_12] : memref<128x128xf32, #tpu.memory_space<vmem>>, vector<128x128xf32>
      tpu.vector_store %arg2[%swap3A_11, %swap3A_12], %broadcast_in_dim3A_10 {strides = array<i32>} : memref<128x128xf32, #tpu.memory_space<vmem>>, vector<128x128xf32>,
    } else {
    }
    %get3A = arith.constant 0 : index
    %get3A_2 = arith.constant 0 : index
    %get3A_3 = vector.load %arg1[%get3A, %get3A_2] : memref<4096x128xf32, #tpu.memory_space<vmem>>, vector<4096x128xf32>
    %get3A_4 = arith.constant 0 : index
    %get3A_5 = arith.constant 0 : index
    %get3A_6 = vector.load %arg2[%get3A_4, %get3A_5] : memref<128x128xf32, #tpu.memory_space<vmem>>, vector<128x128xf32>
    %dot_general3A = arith.constant dense<0.000000e+00> : vector<128x128xf32>
    %dot_general3A_7 = tpu.matmul %get3A_3, %get3A_3, %dot_general3A {dimension_numbers = #tpu.dot_dimension_numbers<[0], [0], [1], [1], [0, 1, 1, 1], [], []>, transpose_lhs_hint = false} : vector<4096x128xf32>, vector<4096x128xf32>, vector<128x128xf32> -> vector<128x128xf32>
    %add3A = arith.addf %get3A_6, %dot_general3A_7 : vector<128x128xf32>
    %swap3A = arith.constant 0 : index
    %swap3A_8 = arith.constant 0 : index
    %swap3A_9 = vector.load %arg2[%swap3A, %swap3A_8] : memref<128x128xf32, #tpu.memory_space<vmem>>, vector<128x128xf32>
    tpu.vector_store %arg2[%swap3A, %swap3A_8], %add3A {strides = array<i32>} : memref<128x128xf32, #tpu.memory_space<vmem>>, vector<128x128xf32>,
    return
  }
  func.func @transform_0(%arg0: i32) -> (i32, i32) {
    %c0_i32 = arith.constant 0 : i32
    %c0_i32_0 = arith.constant 0 : i32
    return %arg0, %c0_i32 : i32, i32
  }
  func.func @transform_1(%arg0: i32) -> (i32, i32) {
    %c0_i32 = arith.constant 0 : i32
    %c0_i32_0 = arith.constant 0 : i32
    %c0_i32_1 = arith.constant 0 : i32
    return %c0_i32, %c0_i32_0 : i32, i32
  }
}

module attributes {stable_mosaic.version = 14 : i64} {
  func.func @bk(%arg0: memref<10000x128xf32, #tpu.memory_space<vmem>>, %arg1: memref<2x10112x64xf32, #tpu.memory_space<vmem>>, %arg2: memref<2x10112x16xf32, #tpu.memory_space<vmem>>, %arg3: memref<2x10112x16xf32, #tpu.memory_space<vmem>>, %arg4: memref<16x16xf32, #tpu.memory_space<vmem>>, %arg5: memref<128x64xf32, #tpu.memory_space<vmem>>, %arg6: memref<128x64xf32, #tpu.memory_space<vmem>>, %arg7: memref<128x128xf32, #tpu.memory_space<vmem>>, %arg8: memref<128x16xf32, #tpu.memory_space<vmem>>, %arg9: memref<128xf32, #tpu.memory_space<vmem>>, %arg10: memref<128xf32, #tpu.memory_space<vmem>>, %arg11: memref<128xf32, #tpu.memory_space<vmem>>, %arg12: memref<128x128xf32, #tpu.memory_space<vmem>>, %arg13: memref<128xf32, #tpu.memory_space<vmem>>, %arg14: memref<128xf32, #tpu.memory_space<vmem>>, %arg15: memref<128xf32, #tpu.memory_space<vmem>>, %arg16: memref<10000x128xf32, #tpu.memory_space<vmem>>) attributes {dimension_semantics = [], scalar_prefetch = 0 : i64, scratch_operands = 0 : i64, tpu.core_type = #tpu.core_type<tc>} {
    %get3A = arith.constant 0 : index
    %get3A_0 = arith.constant 0 : index
    %get3A_1 = arith.constant 0 : index
    %get3A_2 = vector.load %arg1[%get3A, %get3A_0, %get3A_1] : memref<2x10112x64xf32, #tpu.memory_space<vmem>>, vector<1x10000x64xf32>
    %get3A_3 = vector.shape_cast %get3A_2 : vector<1x10000x64xf32> to vector<10000x64xf32>
    %get3A_4 = arith.constant 1 : index
    %get3A_5 = arith.constant 0 : index
    %get3A_6 = arith.constant 0 : index
    %get3A_7 = vector.load %arg1[%get3A_4, %get3A_5, %get3A_6] : memref<2x10112x64xf32, #tpu.memory_space<vmem>>, vector<1x10000x64xf32>
    %get3A_8 = vector.shape_cast %get3A_7 : vector<1x10000x64xf32> to vector<10000x64xf32>
    %get3A_9 = arith.constant 0 : index
    %get3A_10 = arith.constant 0 : index
    %get3A_11 = arith.constant 0 : index
    %get3A_12 = vector.load %arg2[%get3A_9, %get3A_10, %get3A_11] : memref<2x10112x16xf32, #tpu.memory_space<vmem>>, vector<1x10000x16xf32>
    %get3A_13 = vector.shape_cast %get3A_12 : vector<1x10000x16xf32> to vector<10000x16xf32>
    %get3A_14 = arith.constant 1 : index
    %get3A_15 = arith.constant 0 : index
    %get3A_16 = arith.constant 0 : index
    %get3A_17 = vector.load %arg2[%get3A_14, %get3A_15, %get3A_16] : memref<2x10112x16xf32, #tpu.memory_space<vmem>>, vector<1x10000x16xf32>
    %get3A_18 = vector.shape_cast %get3A_17 : vector<1x10000x16xf32> to vector<10000x16xf32>
    %get3A_19 = arith.constant 0 : index
    %get3A_20 = arith.constant 0 : index
    %get3A_21 = arith.constant 0 : index
    %get3A_22 = vector.load %arg3[%get3A_19, %get3A_20, %get3A_21] : memref<2x10112x16xf32, #tpu.memory_space<vmem>>, vector<1x10000x1xf32>
    %get3A_23 = vector.shape_cast %get3A_22 : vector<1x10000x1xf32> to vector<10000x1xf32>
    %get3A_24 = arith.constant 1 : index
    %get3A_25 = arith.constant 0 : index
    %get3A_26 = arith.constant 0 : index
    %get3A_27 = vector.load %arg3[%get3A_24, %get3A_25, %get3A_26] : memref<2x10112x16xf32, #tpu.memory_space<vmem>>, vector<1x10000x1xf32>
    %get3A_28 = vector.shape_cast %get3A_27 : vector<1x10000x1xf32> to vector<10000x1xf32>
    %get3A_29 = arith.constant 0 : index
    %get3A_30 = arith.constant 0 : index
    %get3A_31 = vector.load %arg0[%get3A_29, %get3A_30] : memref<10000x128xf32, #tpu.memory_space<vmem>>, vector<10000x128xf32>
    %get3A_32 = arith.constant 0 : index
    %get3A_33 = arith.constant 0 : index
    %get3A_34 = vector.load %arg5[%get3A_32, %get3A_33] : memref<128x64xf32, #tpu.memory_space<vmem>>, vector<128x64xf32>
    %get3A_35 = arith.constant 0 : index
    %get3A_36 = arith.constant 0 : index
    %get3A_37 = vector.load %arg6[%get3A_35, %get3A_36] : memref<128x64xf32, #tpu.memory_space<vmem>>, vector<128x64xf32>
    %get3A_38 = arith.constant 0 : index
    %get3A_39 = arith.constant 0 : index
    %get3A_40 = vector.load %arg8[%get3A_38, %get3A_39] : memref<128x16xf32, #tpu.memory_space<vmem>>, vector<128x16xf32>
    %get3A_41 = arith.constant 0 : index
    %get3A_42 = vector.load %arg9[%get3A_41] : memref<128xf32, #tpu.memory_space<vmem>>, vector<128xf32>
    %max3A = arith.constant 1.000000e+00 : f32
    %max3A_43 = vector.broadcast %max3A : f32 to vector<10000x1xf32>
    %max3A_44 = arith.maximumf %get3A_23, %max3A_43 : vector<10000x1xf32>
    %div3A = vector.broadcast %max3A_44 : vector<10000x1xf32> to vector<10000x64xf32>
    %div3A_45 = arith.divf %get3A_3, %div3A : vector<10000x64xf32>
    %dot_general3A = arith.constant dense<0.000000e+00> : vector<10000x128xf32>
    %dot_general3A_46 = tpu.matmul %div3A_45, %get3A_34, %dot_general3A {dimension_numbers = #tpu.dot_dimension_numbers<[1], [1], [0], [0], [0, 0, 1, 0], [], []>, transpose_lhs_hint = false} : vector<10000x64xf32>, vector<128x64xf32>, vector<10000x128xf32> -> vector<10000x128xf32>
    %div3A_47 = vector.broadcast %max3A_44 : vector<10000x1xf32> to vector<10000x64xf32>
    %div3A_48 = arith.divf %get3A_8, %div3A_47 : vector<10000x64xf32>
    %dot_general3A_49 = arith.constant dense<0.000000e+00> : vector<10000x128xf32>
    %dot_general3A_50 = tpu.matmul %div3A_48, %get3A_37, %dot_general3A_49 {dimension_numbers = #tpu.dot_dimension_numbers<[1], [1], [0], [0], [0, 0, 1, 0], [], []>, transpose_lhs_hint = false} : vector<10000x64xf32>, vector<128x64xf32>, vector<10000x128xf32> -> vector<10000x128xf32>
    %add3A = arith.addf %dot_general3A_46, %dot_general3A_50 : vector<10000x128xf32>
    %div3A_51 = vector.broadcast %max3A_44 : vector<10000x1xf32> to vector<10000x16xf32>
    %div3A_52 = arith.divf %get3A_13, %div3A_51 : vector<10000x16xf32>
    %dot_general3A_53 = arith.constant dense<0.000000e+00> : vector<10000x128xf32>
    %dot_general3A_54 = tpu.matmul %div3A_52, %get3A_40, %dot_general3A_53 {dimension_numbers = #tpu.dot_dimension_numbers<[1], [1], [0], [0], [0, 0, 1, 0], [], []>, transpose_lhs_hint = false} : vector<10000x16xf32>, vector<128x16xf32>, vector<10000x128xf32> -> vector<10000x128xf32>
    %add3A_55 = arith.addf %add3A, %dot_general3A_54 : vector<10000x128xf32>
    %broadcast_in_dim3A = vector.shape_cast %get3A_42 : vector<128xf32> to vector<1x128xf32>
    %add3A_56 = vector.broadcast %broadcast_in_dim3A : vector<1x128xf32> to vector<10000x128xf32>
    %add3A_57 = arith.addf %add3A_55, %add3A_56 : vector<10000x128xf32>
    %reduce_sum3A = arith.constant dense<0.000000e+00> : vector<64xf32>
    %reduce_sum3A_58 = vector.multi_reduction <add>, %get3A_3, %reduce_sum3A [0] : vector<10000x64xf32> to vector<64xf32>
    %broadcast_in_dim3A_59 = vector.shape_cast %reduce_sum3A_58 : vector<64xf32> to vector<1x64xf32>
    %reduce_sum3A_60 = arith.constant dense<0.000000e+00> : vector<64xf32>
    %reduce_sum3A_61 = vector.multi_reduction <add>, %get3A_8, %reduce_sum3A_60 [0] : vector<10000x64xf32> to vector<64xf32>
    %broadcast_in_dim3A_62 = vector.shape_cast %reduce_sum3A_61 : vector<64xf32> to vector<1x64xf32>
    %reduce_sum3A_63 = arith.constant dense<0.000000e+00> : vector<16xf32>
    %reduce_sum3A_64 = vector.multi_reduction <add>, %get3A_13, %reduce_sum3A_63 [0] : vector<10000x16xf32> to vector<16xf32>
    %broadcast_in_dim3A_65 = vector.shape_cast %reduce_sum3A_64 : vector<16xf32> to vector<1x16xf32>
    %dot_general3A_66 = arith.constant dense<0.000000e+00> : vector<1x128xf32>
    %dot_general3A_67 = tpu.matmul %broadcast_in_dim3A_59, %get3A_34, %dot_general3A_66 {dimension_numbers = #tpu.dot_dimension_numbers<[1], [1], [0], [0], [0, 0, 1, 0], [], []>, transpose_lhs_hint = false} : vector<1x64xf32>, vector<128x64xf32>, vector<1x128xf32> -> vector<1x128xf32>
    %dot_general3A_68 = arith.constant dense<0.000000e+00> : vector<1x128xf32>
    %dot_general3A_69 = tpu.matmul %broadcast_in_dim3A_62, %get3A_37, %dot_general3A_68 {dimension_numbers = #tpu.dot_dimension_numbers<[1], [1], [0], [0], [0, 0, 1, 0], [], []>, transpose_lhs_hint = false} : vector<1x64xf32>, vector<128x64xf32>, vector<1x128xf32> -> vector<1x128xf32>
    %add3A_70 = arith.addf %dot_general3A_67, %dot_general3A_69 : vector<1x128xf32>
    %dot_general3A_71 = arith.constant dense<0.000000e+00> : vector<1x128xf32>
    %dot_general3A_72 = tpu.matmul %broadcast_in_dim3A_65, %get3A_40, %dot_general3A_71 {dimension_numbers = #tpu.dot_dimension_numbers<[1], [1], [0], [0], [0, 0, 1, 0], [], []>, transpose_lhs_hint = false} : vector<1x16xf32>, vector<128x16xf32>, vector<1x128xf32> -> vector<1x128xf32>
    %add3A_73 = arith.addf %add3A_70, %dot_general3A_72 : vector<1x128xf32>
    %div3A_74 = arith.constant 3.200000e+05 : f32
    %div3A_75 = vector.broadcast %div3A_74 : f32 to vector<1x128xf32>
    %div3A_76 = arith.divf %add3A_73, %div3A_75 : vector<1x128xf32>
    %broadcast_in_dim3A_77 = vector.shape_cast %get3A_42 : vector<128xf32> to vector<1x128xf32>
    %add3A_78 = arith.addf %div3A_76, %broadcast_in_dim3A_77 : vector<1x128xf32>
    %mul3A = vector.broadcast %get3A_28 : vector<10000x1xf32> to vector<10000x128xf32>
    %mul3A_79 = arith.mulf %get3A_31, %mul3A : vector<10000x128xf32>
    %dot_general3A_80 = arith.constant dense<0.000000e+00> : vector<128x128xf32>
    %dot_general3A_81 = tpu.matmul %mul3A_79, %get3A_31, %dot_general3A_80 {dimension_numbers = #tpu.dot_dimension_numbers<[0], [0], [1], [1], [0, 1, 1, 1], [], []>, transpose_lhs_hint = false} : vector<10000x128xf32>, vector<10000x128xf32>, vector<128x128xf32> -> vector<128x128xf32>
    %dot_general3A_82 = arith.constant dense<0.000000e+00> : vector<128x16xf32>
    %dot_general3A_83 = tpu.matmul %get3A_31, %get3A_18, %dot_general3A_82 {dimension_numbers = #tpu.dot_dimension_numbers<[0], [0], [1], [1], [0, 1, 1, 1], [], []>, transpose_lhs_hint = false} : vector<10000x128xf32>, vector<10000x16xf32>, vector<128x16xf32> -> vector<128x16xf32>
    %get3A_84 = arith.constant 0 : index
    %get3A_85 = arith.constant 0 : index
    %get3A_86 = vector.load %arg4[%get3A_84, %get3A_85] : memref<16x16xf32, #tpu.memory_space<vmem>>, vector<16x16xf32>
    %get3A_87 = arith.constant 0 : index
    %get3A_88 = arith.constant 0 : index
    %get3A_89 = vector.load %arg7[%get3A_87, %get3A_88] : memref<128x128xf32, #tpu.memory_space<vmem>>, vector<128x128xf32>
    %dot_general3A_90 = arith.constant dense<0.000000e+00> : vector<128x128xf32>
    %dot_general3A_91 = tpu.matmul %get3A_89, %dot_general3A_81, %dot_general3A_90 {dimension_numbers = #tpu.dot_dimension_numbers<[1], [0], [0], [1], [0, 0, 1, 1], [], []>, transpose_lhs_hint = false} : vector<128x128xf32>, vector<128x128xf32>, vector<128x128xf32> -> vector<128x128xf32>
    %dot_general3A_92 = arith.constant dense<0.000000e+00> : vector<128x16xf32>
    %dot_general3A_93 = tpu.matmul %get3A_89, %dot_general3A_83, %dot_general3A_92 {dimension_numbers = #tpu.dot_dimension_numbers<[1], [0], [0], [1], [0, 0, 1, 1], [], []>, transpose_lhs_hint = false} : vector<128x128xf32>, vector<128x16xf32>, vector<128x16xf32> -> vector<128x16xf32>
    %dot_general3A_94 = arith.constant dense<0.000000e+00> : vector<128x16xf32>
    %dot_general3A_95 = tpu.matmul %get3A_40, %get3A_86, %dot_general3A_94 {dimension_numbers = #tpu.dot_dimension_numbers<[1], [0], [0], [1], [0, 0, 1, 1], [], []>, transpose_lhs_hint = false} : vector<128x16xf32>, vector<16x16xf32>, vector<128x16xf32> -> vector<128x16xf32>
    %mul3A_96 = arith.mulf %dot_general3A_91, %get3A_89 : vector<128x128xf32>
    %reduce_sum3A_97 = arith.constant dense<0.000000e+00> : vector<128xf32>
    %reduce_sum3A_98 = vector.multi_reduction <add>, %mul3A_96, %reduce_sum3A_97 [1] : vector<128x128xf32> to vector<128xf32>
    %mul3A_99 = arith.mulf %dot_general3A_93, %get3A_40 : vector<128x16xf32>
    %reduce_sum3A_100 = arith.constant dense<0.000000e+00> : vector<128xf32>
    %reduce_sum3A_101 = vector.multi_reduction <add>, %mul3A_99, %reduce_sum3A_100 [1] : vector<128x16xf32> to vector<128xf32>
    %mul3A_102 = arith.constant 2.000000e+00 : f32
    %mul3A_103 = vector.broadcast %mul3A_102 : f32 to vector<128xf32>
    %mul3A_104 = arith.mulf %mul3A_103, %reduce_sum3A_101 : vector<128xf32>
    %add3A_105 = arith.addf %reduce_sum3A_98, %mul3A_104 : vector<128xf32>
    %mul3A_106 = arith.mulf %dot_general3A_95, %get3A_40 : vector<128x16xf32>
    %reduce_sum3A_107 = arith.constant dense<0.000000e+00> : vector<128xf32>
    %reduce_sum3A_108 = vector.multi_reduction <add>, %mul3A_106, %reduce_sum3A_107 [1] : vector<128x16xf32> to vector<128xf32>
    %add3A_109 = arith.addf %add3A_105, %reduce_sum3A_108 : vector<128xf32>
    %squeeze3A = vector.shape_cast %add3A_78 : vector<1x128xf32> to vector<128xf32>
    %div3A_110 = arith.constant 3.200000e+05 : f32
    %div3A_111 = vector.broadcast %div3A_110 : f32 to vector<128xf32>
    %div3A_112 = arith.divf %add3A_109, %div3A_111 : vector<128xf32>
    %mul3A_113 = arith.constant 2.000000e+00 : f32
    %mul3A_114 = vector.broadcast %mul3A_113 : f32 to vector<128xf32>
    %mul3A_115 = arith.mulf %mul3A_114, %get3A_42 : vector<128xf32>
    %mul3A_116 = arith.mulf %mul3A_115, %squeeze3A : vector<128xf32>
    %add3A_117 = arith.addf %div3A_112, %mul3A_116 : vector<128xf32>
    %mul3A_118 = arith.mulf %get3A_42, %get3A_42 : vector<128xf32>
    %sub3A = arith.subf %add3A_117, %mul3A_118 : vector<128xf32>
    %mul3A_119 = arith.mulf %squeeze3A, %squeeze3A : vector<128xf32>
    %sub3A_120 = arith.subf %sub3A, %mul3A_119 : vector<128xf32>
    %get3A_121 = arith.constant 0 : index
    %get3A_122 = vector.load %arg10[%get3A_121] : memref<128xf32, #tpu.memory_space<vmem>>, vector<128xf32>
    %add3A_123 = arith.constant 9.99999974E-6 : f32
    %add3A_124 = vector.broadcast %add3A_123 : f32 to vector<128xf32>
    %add3A_125 = arith.addf %sub3A_120, %add3A_124 : vector<128xf32>
    %sqrt3A = math.sqrt %add3A_125 : vector<128xf32>
    %div3A_126 = arith.divf %get3A_122, %sqrt3A : vector<128xf32>
    %gt3A = arith.constant 0.000000e+00 : f32
    %gt3A_127 = vector.broadcast %gt3A : f32 to vector<10000x1xf32>
    %gt3A_128 = arith.cmpf ogt, %get3A_23, %gt3A_127 : vector<10000x1xf32>
    %convert_element_type3A = arith.extui %gt3A_128 : vector<10000x1xi1> to vector<10000x1xi32>
    %convert_element_type3A_129 = arith.sitofp %convert_element_type3A : vector<10000x1xi32> to vector<10000x1xf32>
    %broadcast_in_dim3A_130 = vector.shape_cast %squeeze3A : vector<128xf32> to vector<1x128xf32>
    %sub3A_131 = vector.broadcast %broadcast_in_dim3A_130 : vector<1x128xf32> to vector<10000x128xf32>
    %sub3A_132 = arith.subf %add3A_57, %sub3A_131 : vector<10000x128xf32>
    %broadcast_in_dim3A_133 = vector.shape_cast %div3A_126 : vector<128xf32> to vector<1x128xf32>
    %mul3A_134 = vector.broadcast %broadcast_in_dim3A_133 : vector<1x128xf32> to vector<10000x128xf32>
    %mul3A_135 = arith.mulf %sub3A_132, %mul3A_134 : vector<10000x128xf32>
    %get3A_136 = arith.constant 0 : index
    %get3A_137 = vector.load %arg11[%get3A_136] : memref<128xf32, #tpu.memory_space<vmem>>, vector<128xf32>
    %broadcast_in_dim3A_138 = vector.shape_cast %get3A_137 : vector<128xf32> to vector<1x128xf32>
    %add3A_139 = vector.broadcast %broadcast_in_dim3A_138 : vector<1x128xf32> to vector<10000x128xf32>
    %add3A_140 = arith.addf %mul3A_135, %add3A_139 : vector<10000x128xf32>
    %mul3A_141 = vector.broadcast %convert_element_type3A_129 : vector<10000x1xf32> to vector<10000x128xf32>
    %mul3A_142 = arith.mulf %add3A_140, %mul3A_141 : vector<10000x128xf32>
    %mul3A_143 = vector.broadcast %convert_element_type3A_129 : vector<10000x1xf32> to vector<10000x128xf32>
    %mul3A_144 = arith.mulf %get3A_31, %mul3A_143 : vector<10000x128xf32>
    %get3A_145 = arith.constant 0 : index
    %get3A_146 = arith.constant 0 : index
    %get3A_147 = vector.load %arg12[%get3A_145, %get3A_146] : memref<128x128xf32, #tpu.memory_space<vmem>>, vector<128x128xf32>
    %dot_general3A_148 = arith.constant dense<0.000000e+00> : vector<10000x128xf32>
    %dot_general3A_149 = tpu.matmul %mul3A_144, %get3A_147, %dot_general3A_148 {dimension_numbers = #tpu.dot_dimension_numbers<[1], [1], [0], [0], [0, 0, 1, 0], [], []>, transpose_lhs_hint = false} : vector<10000x128xf32>, vector<128x128xf32>, vector<10000x128xf32> -> vector<10000x128xf32>
    %get3A_150 = arith.constant 0 : index
    %get3A_151 = vector.load %arg13[%get3A_150] : memref<128xf32, #tpu.memory_space<vmem>>, vector<128xf32>
    %broadcast_in_dim3A_152 = vector.shape_cast %get3A_151 : vector<128xf32> to vector<1x128xf32>
    %add3A_153 = vector.broadcast %broadcast_in_dim3A_152 : vector<1x128xf32> to vector<10000x128xf32>
    %add3A_154 = arith.addf %dot_general3A_149, %add3A_153 : vector<10000x128xf32>
    %reduce_sum3A_155 = arith.constant dense<0.000000e+00> : vector<128xf32>
    %reduce_sum3A_156 = vector.multi_reduction <add>, %add3A_154, %reduce_sum3A_155 [0] : vector<10000x128xf32> to vector<128xf32>
    %div3A_157 = arith.constant 1.000000e+04 : f32
    %div3A_158 = vector.broadcast %div3A_157 : f32 to vector<128xf32>
    %div3A_159 = arith.divf %reduce_sum3A_156, %div3A_158 : vector<128xf32>
    %broadcast_in_dim3A_160 = vector.shape_cast %div3A_159 : vector<128xf32> to vector<1x128xf32>
    %sub3A_161 = vector.broadcast %broadcast_in_dim3A_160 : vector<1x128xf32> to vector<10000x128xf32>
    %sub3A_162 = arith.subf %add3A_154, %sub3A_161 : vector<10000x128xf32>
    %mul3A_163 = arith.mulf %sub3A_162, %sub3A_162 : vector<10000x128xf32>
    %reduce_sum3A_164 = arith.constant dense<0.000000e+00> : vector<128xf32>
    %reduce_sum3A_165 = vector.multi_reduction <add>, %mul3A_163, %reduce_sum3A_164 [0] : vector<10000x128xf32> to vector<128xf32>
    %div3A_166 = arith.constant 1.000000e+04 : f32
    %div3A_167 = vector.broadcast %div3A_166 : f32 to vector<128xf32>
    %div3A_168 = arith.divf %reduce_sum3A_165, %div3A_167 : vector<128xf32>
    %add3A_169 = arith.constant 9.99999974E-6 : f32
    %add3A_170 = vector.broadcast %add3A_169 : f32 to vector<128xf32>
    %add3A_171 = arith.addf %div3A_168, %add3A_170 : vector<128xf32>
    %sqrt3A_172 = math.sqrt %add3A_171 : vector<128xf32>
    %broadcast_in_dim3A_173 = vector.shape_cast %sqrt3A_172 : vector<128xf32> to vector<1x128xf32>
    %div3A_174 = vector.broadcast %broadcast_in_dim3A_173 : vector<1x128xf32> to vector<10000x128xf32>
    %div3A_175 = arith.divf %sub3A_162, %div3A_174 : vector<10000x128xf32>
    %get3A_176 = arith.constant 0 : index
    %get3A_177 = vector.load %arg14[%get3A_176] : memref<128xf32, #tpu.memory_space<vmem>>, vector<128xf32>
    %broadcast_in_dim3A_178 = vector.shape_cast %get3A_177 : vector<128xf32> to vector<1x128xf32>
    %mul3A_179 = vector.broadcast %broadcast_in_dim3A_178 : vector<1x128xf32> to vector<10000x128xf32>
    %mul3A_180 = arith.mulf %div3A_175, %mul3A_179 : vector<10000x128xf32>
    %get3A_181 = arith.constant 0 : index
    %get3A_182 = vector.load %arg15[%get3A_181] : memref<128xf32, #tpu.memory_space<vmem>>, vector<128xf32>
    %broadcast_in_dim3A_183 = vector.shape_cast %get3A_182 : vector<128xf32> to vector<1x128xf32>
    %add3A_184 = vector.broadcast %broadcast_in_dim3A_183 : vector<1x128xf32> to vector<10000x128xf32>
    %add3A_185 = arith.addf %mul3A_180, %add3A_184 : vector<10000x128xf32>
    %add3A_186 = arith.addf %add3A_185, %mul3A_142 : vector<10000x128xf32>
    %max3A_187 = arith.constant 0.000000e+00 : f32
    %max3A_188 = vector.broadcast %max3A_187 : f32 to vector<10000x128xf32>
    %max3A_189 = arith.maximumf %add3A_186, %max3A_188 : vector<10000x128xf32>
    %abs3A = math.absf %add3A_186 : vector<10000x128xf32>
    %neg3A = arith.constant 0.000000e+00 : f32
    %neg3A_190 = vector.broadcast %neg3A : f32 to vector<10000x128xf32>
    %neg3A_191 = arith.subf %neg3A_190, %abs3A : vector<10000x128xf32>
    %exp3A = math.exp %neg3A_191 : vector<10000x128xf32>
    %log1p3A = math.log1p %exp3A : vector<10000x128xf32>
    %add3A_192 = arith.addf %max3A_189, %log1p3A : vector<10000x128xf32>
    %swap3A = arith.constant 0 : index
    %swap3A_193 = arith.constant 0 : index
    %swap3A_194 = vector.load %arg16[%swap3A, %swap3A_193] : memref<10000x128xf32, #tpu.memory_space<vmem>>, vector<10000x128xf32>
    tpu.vector_store %arg16[%swap3A, %swap3A_193], %add3A_192 {strides = array<i32>} : memref<10000x128xf32, #tpu.memory_space<vmem>>, vector<10000x128xf32>,
    return
  }
}

</mosaic_0001>

<sc_bundles>
// kernel: kernel.5.cloned.1.call-start
scs
__scs_entry_jumppad:
0x0: {  	(pc) =	sbr.rel $0x88, $3  }
0x1: {  	(tag) =	ssettag $0x0;
	lr =	simm.s32 $0x1  }
0x2: {  	[smem:$0x3F95] =	sst lr;
	_ =	strace $0xD0000000  }
0x3: {  	_ = 	snop  }
0x4: {  	_ = 	snop  }
0x5: {  	_ = 	snop  }
0x6: {  	_ = 	snop  }
0x7: {  	_ = 	snop  }
__scs_overlays_trampoline_lowered:
0x8: {  	[smem:$0x3FA4] =	sst s0  }
0x9: {  	[smem:$0x3FA5] =	sst s1  }
0xa: {  	[smem:$0x3FA6] =	sst s2  }
0xb: {  	[smem:$0x3FA7] =	sst s3  }
0xc: {  	[smem:$0x3FA8] =	sst s4  }
0xd: {  	[smem:$0x3FA9] =	sst s5  }
0xe: {  	[smem:$0x3FAA] =	sst s6  }
0xf: {  	[smem:$0x3FAB] =	sst s7  }
0x10: {  	[smem:$0x3FAC] =	sst s8  }
0x11: {  	[smem:$0x3FAD] =	sst s9;
	s0 =	simm.s32 @!p0 $0x0  }
0x12: {  	s1 =	sld [smem:$0x3F93];
	s0 =	simm.s32 @p0 $0x1  }
0x13: {  	[smem:$0x3FAE] =	sst s0;
	s0 =	simm.s32 @!p1 $0x0  }
0x14: {  	s2 =	sld [smem:$0x3F92];
	s0 =	simm.s32 @p1 $0x1  }
0x15: {  	[smem:$0x3FAF] =	sst s0;
	s0 =	simm.s32 @!p2 $0x0  }
0x16: {  	s3 =	sld [smem:$0x3FDB];
	s0 =	simm.s32 @p2 $0x1  }
0x17: {  	s4 =	simm.s32 $0x1BF5;
	[smem:$0x3FB1] =	sst s0  }
0x18: {  	s0 =	sld [smem:$0x3F94];
	_ =	swait.ge [sflag:s4], $0x0  }
0x19: {  	s7 =	sld [smem:$0x3F95]  }
0x1a: {  	s8 =	sadd.s32 $0xFFFFE003, lr  }
0x1b: {  	s9 =	sadd.s32 $0xFFFFFEF7, lr;
	s5 =	simm.s32 $0xFFFFFFFF;
	p2 =	slt.u32 s8, $0xFFFFF086  }
0x1c: {  	p1 =	slt.u32 s9, $0xF7A;
	s5 =	simm.s32 @!p2 $0x0  }
0x1d: {  	s5 =	simm.s32 @p1 $0x1;
	p0 =	seq.s32 s7, s2  }
0x1e: {  	s7 =	smul.u32 @!p0 $0xF7A, s2;
	p2 =	seq.s32 @!p0 s5, $0x0  }
0x1f: {  	s9 =	smul.u32 $0xF7A, s1;
	s8 =	simm.s32 @!p0 $0x1BF5;
	p2 =	por !p2, p0  }
0x20: {  	[sflag:s8] =	ssyncset.s32 @!p0 $0xFFFFF086;
	s6 =	sadd.s32 @!p0 s3, s7;
	s7 =	simm.s32 @!p0 $0x108  }
0x21: {  	s3 =	sadd.s32 s3, s9;
	s6 =	sadd.s32 @!p0 $0x88, s6;
	s7 =	simm.s32 @p2 $0x1082  }
0x22: {  	[simem:s7], [sflag:s8] =	dma.local @!p0 [hbm:s6], $0xF7A  }
0x23: {  	s9 =	sor.u32 $0xD0000000, s2;
	s6 =	simm.s32 $0x108;
	_ =	swait.ge @!p0 [sflag:s8], $0x0  }
0x24: {  	s3 =	sadd.s32 $0x88, s3;
	s6 =	simm.s32 @!p1 $0x1082;
	[sflag:s4] =	ssyncset.s32 $0xFFFFF086  }
0x25: {  	[simem:s6], [sflag:s4] =	dma.local [hbm:s3], $0xF7A  }
0x26: {  	[smem:$0x3F95] =	sst s1;
	(tag) =	ssettag s2;
	_ =	strace s9  }
0x27: {  	s1 =	sld [smem:$0x3FA5]  }
0x28: {  	s2 =	sld [smem:$0x3FA6]  }
0x29: {  	s4 =	sld [smem:$0x3FA8]  }
0x2a: {  	p0 =	seq.s32 s5, $0x0;
	s5 =	sld [smem:$0x3FA9]  }
0x2b: {  	s6 =	sld [smem:$0x3FAA]  }
0x2c: {  	s7 =	sld [smem:$0x3FAB]  }
0x2d: {  	s3 =	simm.s32 $0x108;
	s8 =	sld [smem:$0x3FAC]  }
0x2e: {  	s3 =	simm.s32 @!p0 $0x1082;
	s9 =	sld [smem:$0x3FAD]  }
0x2f: {  	lr =	sadd.s32 s0, s3;
	s0 =	sld [smem:$0x3FA4]  }
0x30: {  	s3 =	sld [smem:$0x3FA7]  }
0x31: {  	[smem:$0x3FB0] =	sst s10  }
0x32: {  	s10 =	sld [smem:$0x3FAE];
	_ =	sdelay $0x3  }
0x33: {  	p0 =	seq.s32 s10, $0x1;
	s10 =	sld [smem:$0x3FB0];
	_ =	sdelay $0x3  }
0x34: {  	[smem:$0x3FB0] =	sst s10  }
0x35: {  	s10 =	sld [smem:$0x3FAF];
	_ =	sdelay $0x3  }
0x36: {  	p1 =	seq.s32 s10, $0x1;
	s10 =	sld [smem:$0x3FB0];
	_ =	sdelay $0x3  }
0x37: {  	[smem:$0x3FB0] =	sst s10  }
0x38: {  	s10 =	sld [smem:$0x3FB1]  }
0x39: {  	_ = 	snop;
	(pc) =	sbr.ind lr, $3  }
0x3a: {  	_ = 	snop  }
0x3b: {  	_ = 	snop  }
0x3c: {  	p2 =	seq.s32 s10, $0x1;
	s10 =	sld [smem:$0x3FB0]  }
0x3d: {  	_ =	shalt  }
0x3e: {  	_ =	shalt  }
0x3f: {  	_ =	shalt  }
0x40: {  	_ =	shalt  }
0x41: {  	_ =	shalt  }
0x42: {  	_ =	shalt  }
0x43: {  	_ =	shalt  }
0x44: {  	_ =	shalt  }
0x45: {  	_ =	shalt  }
0x46: {  	_ =	shalt  }
0x47: {  	_ =	shalt  }
0x48: {  	_ =	shalt  }
0x49: {  	_ =	shalt  }
0x4a: {  	_ =	shalt  }
0x4b: {  	_ =	shalt  }
0x4c: {  	_ =	shalt  }
0x4d: {  	_ =	shalt  }
0x4e: {  	_ =	shalt  }
0x4f: {  	_ =	shalt  }
0x50: {  	_ =	shalt  }
0x51: {  	_ =	shalt  }
0x52: {  	_ =	shalt  }
0x53: {  	_ =	shalt  }
0x54: {  	_ =	shalt  }
0x55: {  	_ =	shalt  }
0x56: {  	_ =	shalt  }
0x57: {  	_ =	shalt  }
0x58: {  	_ =	shalt  }
0x59: {  	_ =	shalt  }
0x5a: {  	_ =	shalt  }
0x5b: {  	_ =	shalt  }
0x5c: {  	_ =	shalt  }
0x5d: {  	_ =	shalt  }
0x5e: {  	_ =	shalt  }
0x5f: {  	_ =	shalt  }
0x60: {  	_ =	shalt  }
0x61: {  	_ =	shalt  }
0x62: {  	_ =	shalt  }
0x63: {  	_ =	shalt  }
0x64: {  	_ =	shalt  }
0x65: {  	_ =	shalt  }
0x66: {  	_ =	shalt  }
0x67: {  	_ =	shalt  }
0x68: {  	_ =	shalt  }
0x69: {  	_ =	shalt  }
0x6a: {  	_ =	shalt  }
0x6b: {  	_ =	shalt  }
0x6c: {  	_ =	shalt  }
0x6d: {  	_ =	shalt  }
0x6e: {  	_ =	shalt  }
0x6f: {  	_ =	shalt  }
0x70: {  	_ =	shalt  }
0x71: {  	_ =	shalt  }
0x72: {  	_ =	shalt  }
0x73: {  	_ =	shalt  }
0x74: {  	_ =	shalt  }
0x75: {  	_ =	shalt  }
0x76: {  	_ =	shalt  }
0x77: {  	_ =	shalt  }
0x78: {  	_ =	shalt  }
0x79: {  	_ =	shalt  }
0x7a: {  	_ =	shalt  }
0x7b: {  	_ =	shalt  }
0x7c: {  	_ =	shalt  }
0x7d: {  	_ =	shalt  }
0x7e: {  	_ =	shalt  }
0x7f: {  	_ =	shalt  }
0x80: {  	_ =	shalt  }
0x81: {  	_ =	shalt  }
0x82: {  	_ =	shalt  }
0x83: {  	_ =	shalt  }
0x84: {  	_ =	shalt  }
0x85: {  	_ =	shalt  }
0x86: {  	_ =	shalt  }
0x87: {  	_ =	shalt  }
.Lfunc_end0:
.L_simem_size_0:
called_computation_lowered:
.L_overlay_start_0:
0x88: {  	s2 =	sld [smem:$0x3FD9]  }
0x89: {  	s3 =	sld [smem:$0x3FFE];
	_ =	sdelay $0x1  }
0x8a: {  	s1 =	srdreg.scid  }
0x8b: {  	s0 =	sand.u32 $0x1, s1  }
0x8c: {  	s17 =	sshll.u32 s0, $0xA;
	s2 =	sadd.s32 s3, s2  }
0x8d: {  	s2 =	sadd.s32 s2, s17  }
0x8e: {  	[smem:$0x3FBC] =	sst s2  }
0x8f: {  	_ = 	snop  }
0x90: {  	s2 =	sld [smem:$0x3FD0];
	(tm) =	ssettm $0x1  }
0x91: {  	s18 =	sld [smem:$0x3FFB];
	_ =	sdelay $0x3  }
0x92: {  	_ =	strace s18  }
0x93: {  	s3 =	sld [smem:$0x3FFC];
	_ =	sdelay $0x3  }
0x94: {  	_ =	strace s3  }
0x95: {  	s3 =	sld [smem:$0x3FFD];
	_ =	sdelay $0x3  }
0x96: {  	_ =	strace s3  }
0x97: {  	_ =	strace $0x8FFFFFFF  }
0x98: {  	s19 =	sld [smem:$0x3FDB];
	_ =	sdelay $0x1  }
0x99: {  	s4 =	simm.s32 $_scs_section_size  }
0x9a: {  	s5 =	simm.s32 $_size__tile_overlayer_lowered;
	s6 =	simm.s32 $_tile_overlayer_lowered  }
0x9b: {  	s22 =	simm.s32 $0x1BFF;
	s21 =	sshll.u32 s6, $0x1;
	s3 =	sadd.s32 s4, s19  }
0x9c: {  	s7 =	simm.s32 $0x0;
	s20 =	sshll.u32 s5, $0x1;
	s5 =	sadd.s32 s21, s3  }
0x9d: {  	[timem:s7], [sflag:s22] =	dma.local [hbm:s5], s20  }
0x9e: {  	_ =	swait.ge [sflag:s22], s20  }
0x9f: {  	s4 =	ssub.s32 $0x0, s20;
	[sflag:s22] =	ssyncset.done $0x0  }
0xa0: {  	[sflag:s22] =	ssyncadd.s32 s4;
	_ =	sdelay $0x1  }
0xa1: {  	s23 =	simm.s32 $0x1B8B  }
0xa2: {  	_ =	swait.ge [sflag:s23], $0x1  }
0xa3: {  	[sflag:s23] =	ssyncset.done $0x0  }
0xa4: {  	s25 =	simm.s32 $0x1B8E;
	s24 =	sld [smem:$0x3FFE];
	[sflag:s23] =	ssyncadd.s32 $0xFFFFFFFF  }
0xa5: {  	s26 =	simm.s32 $execute0_lowered;
	[smem:$0x3FD2] =	sst s25  }
0xa6: {  	s5 =	sshll.u32 s26, $0x1;
	_ =	strace $0x80000046;
	[dreg:$0x1] =	wrdreg $0xFFFFFFFF  }
0xa7: {  	s28 =	simm.s32 $_size_execute0_lowered;
	s3 =	sadd.s32 s3, s5;
	[dreg:$0x0] =	wrdreg $0x0  }
0xa8: {  	s5 =	sshll.u32 s28, $0x1;
	[dreg:$0x2] =	wrdreg s3  }
0xa9: {  	[dreg:$0x3] =	wrdreg s5  }
0xaa: {  	[dreg:$0x4] =	wrdreg $0xC0  }
0xab: {  	_ =	task [dreg:s7], $0x5FFFF  }
0xac: {  	[dreg:$0x1] =	wrdreg $0xFFFFFFFF  }
0xad: {  	[dreg:$0x0] =	wrdreg $0x60  }
0xae: {  	[dreg:$0x2] =	wrdreg s24  }
0xaf: {  	[dreg:$0x3] =	wrdreg s2  }
0xb0: {  	[dreg:$0x4] =	wrdreg $0xE0000  }
0xb1: {  	[dreg:$0x5] =	wrdreg $0x17E000  }
0xb2: {  	[dreg:$0x6] =	wrdreg $0x1A5800  }
0xb3: {  	[dreg:$0x7] =	wrdreg $0x9  }
0xb4: {  	_ =	task.clear_ibuf [dreg:s7], $0x8FFFF;
	_ =	strace $0x90000046  }
0xb5: {  	s29 =	simm.s32 $0x9;
	_ =	strace $0x80000048  }
0xb6: {  	_ =	swait.ge [sflag:s29], $0x1  }
0xb7: {  	[sflag:s29] =	ssyncadd.s32 $0xFFFFFFFF  }
0xb8: {  	_ =	strace $0x90000048  }
0xb9: {  	_ =	sfence  }
0xba: {  	s30 =	sld [smem:$0x0];
	_ =	sdelay $0x2  }
0xbb: {  	s31 =	sshll.u32 s1, $0xD;
	s1 =	sshrl.u32 s1, $0x2  }
0xbc: {  	s3 =	sand.u32 $0x4000, s31;
	s1 =	sadd.s32 s1, s30  }
0xbd: {  	s0 =	sor.u32 s3, s0;
	s1 =	sshll.u32 s1, $0x11  }
0xbe: {  	s0 =	sor.u32 s1, s0  }
0xbf: {  	s0 =	sadd.s32 $0x8F2B, s0  }
0xc0: {  	[sflag:s0] =	ssyncadd.remote.s32 $0x1  }
0xc1: {  	_ =	sfence.sel $0xFFFF  }
0xc2: {  	[dreg:$0x0] =	wrdreg $0xFFFFFFFF;
	(pc) =	sbr.abs _section_cstart, $3  }
0xc3: {  	[dreg:$0x1] =	wrdreg $0xFFFFFFFF  }
0xc4: {  	_ =	task.clear_ibuf [dreg:s7], $0x2FFFF;
	_ =	strace $0x9FFFFFFF  }
0xc5: {  	(tm) =	ssettm $0x7FFFFFFF  }
tec
execute0_lowered:
.L_overlay_start_1:
0x0: {  	(tag) =	ssettag $0x1  }
0x1: {  	s1 =	rddreg [dreg:$0x0]  }
0x2: {  	s0 =	rddreg [dreg:$0x1]  }
0x3: {  	s2 =	rddreg [dreg:$0x2]  }
0x4: {  	s3 =	srdreg.scid;
	s4 =	rddreg [dreg:$0x4]  }
0x5: {  	s5 =	simm.s32 $0x0;
	s6 =	sand.u32 $0x1, s3;
	s3 =	rddreg [dreg:$0x3]  }
0x6: {  	s23 =	simm.s32 $0x880;
	[smem:$0x7FF] =	sst s5  }
0x7: {  	s24 =	simm.s32 $0x900;
	_ =	strace $0x80000047;
	[dreg:$0x8] =	wrdreg s23  }
0x8: {  	s25 =	simm.s32 $0x2000;
	[dreg:$0x9] =	wrdreg s24  }
0x9: {  	s26 =	simm.s32 $0x980;
	[dreg:$0xa] =	wrdreg s25  }
0xa: {  	s31 =	simm.s32 $0x100;
	[dreg:$0xb] =	wrdreg s26  }
0xb: {  	s9 =	simm.s32 $0xA00;
	[dreg:$0xc] =	wrdreg s31  }
0xc: {  	s11 =	simm.s32 $0x180;
	[dreg:$0xe] =	wrdreg s9  }
0xd: {  	s14 =	sadd.s32 $0xCAC00, s1;
	[dreg:$0xf] =	wrdreg s11  }
0xe: {  	s12 =	simm.s32 $0xA80;
	[smem:$0x7DE] =	sst s14  }
0xf: {  	s16 =	sadd.s32 $0xCC000, s1;
	[dreg:$0x11] =	wrdreg s12  }
0x10: {  	s15 =	simm.s32 $0x200;
	[smem:$0x7DF] =	sst s16  }
0x11: {  	s17 =	simm.s32 $0x3800;
	[dreg:$0x12] =	wrdreg s15  }
0x12: {  	s18 =	simm.s32 $0xB00;
	[dreg:$0x13] =	wrdreg s17  }
0x13: {  	s19 =	simm.s32 $0x280;
	[dreg:$0x14] =	wrdreg s18  }
0x14: {  	s20 =	simm.s32 $0x4000;
	[dreg:$0x15] =	wrdreg s19  }
0x15: {  	s21 =	simm.s32 $0xB80;
	[dreg:$0x16] =	wrdreg s20  }
0x16: {  	s9 =	simm.s32 $0x3000;
	[dreg:$0x17] =	wrdreg s21  }
0x17: {  	s11 =	sadd.s32 $0xCC600, s1;
	[dreg:$0x10] =	wrdreg s9  }
0x18: {  	s23 =	simm.s32 $0x4800;
	[smem:$0x7E0] =	sst s11  }
0x19: {  	s24 =	simm.s32 $0xC00;
	[dreg:$0x19] =	wrdreg s23  }
0x1a: {  	s25 =	simm.s32 $0x380;
	[dreg:$0x1a] =	wrdreg s24  }
0x1b: {  	s26 =	simm.s32 $0x5000;
	[dreg:$0x1b] =	wrdreg s25  }
0x1c: {  	s31 =	simm.s32 $0xC80;
	[dreg:$0x1c] =	wrdreg s26  }
0x1d: {  	s14 =	simm.s32 $0x400;
	[dreg:$0x1d] =	wrdreg s31  }
0x1e: {  	s13 =	stileid.u32;
	s15 =	simm.s32 $0x5800;
	[dreg:$0x1e] =	wrdreg s14  }
0x1f: {  	s28 =	simm.s32 $0x1;
	s17 =	simm.s32 $0xD00;
	[dreg:$0x1f] =	wrdreg s15  }
0x20: {  	s29 =	simm.s32 $0x3;
	s18 =	simm.s32 $0x480;
	[smem:$0x7E1] =	sst s17  }
0x21: {  	s30 =	simm.s32 $0x2;
	s19 =	simm.s32 $0x6000;
	[smem:$0x7E2] =	sst s18  }
0x22: {  	s7 =	smul.u32 $0x5000, s13;
	s21 =	simm.s32 $0xD80;
	[smem:$0x7E3] =	sst s19  }
0x23: {  	s22 =	smul.u32 $0xA00, s13;
	[smem:$0x7E4] =	sst s21;
	s25 =	simm.s32 $0x6800  }
0x24: {  	s10 =	smul.u32 $0xA000, s13;
	s26 =	simm.s32 $0xE00;
	[smem:$0x7E7] =	sst s25  }
0x25: {  	s8 =	smul.u32 $0x50000, s6;
	s31 =	simm.s32 $0x580;
	[smem:$0x7E8] =	sst s26  }
0x26: {  	s12 =	smul.u32 $0x27800, s6;
	s14 =	simm.s32 $0x7000;
	[smem:$0x7EA] =	sst s31  }
0x27: {  	s20 =	sshll.u32 s13, $0x6;
	s17 =	simm.s32 $0x600;
	[smem:$0x7EC] =	sst s14  }
0x28: {  	s9 =	smul.u32 $0x9E00, s13;
	s18 =	simm.s32 $0x7800;
	[smem:$0x7F0] =	sst s17  }
0x29: {  	s11 =	smul.u32 $0x2780, s13;
	s19 =	simm.s32 $0xF00;
	[smem:$0x7F2] =	sst s18  }
0x2a: {  	s23 =	sor.u32 $0x1C05, s20;
	s20 =	simm.s32 $0x680;
	[smem:$0x7F3] =	sst s19  }
0x2b: {  	s21 =	simm.s32 $0x8000;
	s7 =	sadd.s32 s7, s8;
	[smem:$0x7F4] =	sst s20  }
0x2c: {  	s8 =	smul.u32 $0x13C00, s6;
	s18 =	simm.s32 $0x5;
	[smem:$0x7F5] =	sst s21  }
0x2d: {  	s20 =	simm.s32 $0xD800;
	s25 =	simm.s32 $0x8800;
	s26 =	simm.s32 $0x780  }
0x2e: {  	s31 =	simm.s32 $0x9000;
	s14 =	simm.s32 $0x1480;
	s17 =	simm.s32 $0x1600  }
0x2f: {  	s19 =	simm.s32 $0x1680;
	s21 =	simm.s32 $0x4;
	[smem:$0x7FB] =	sst s23  }
0x30: {  	s7 =	sshrl.u32 s7, $0x3;
	s12 =	sadd.s32 s11, s12;
	[smem:$0x7F8] =	sst s25  }
0x31: {  	s24 =	sadd.s32 s11, s3;
	s11 =	sadd.s32 s11, s4;
	[smem:$0x7F9] =	sst s26  }
0x32: {  	[smem:$0x7FA] =	sst s31;
	s25 =	simm.s32 $0x9800;
	s26 =	simm.s32 $0xB800  }
0x33: {  	s7 =	sadd.s32 s7, s0;
	s0 =	sadd.s32 s22, s0;
	[smem:$0x7E6] =	sst s11  }
0x34: {  	s22 =	simm.s32 $0x300;
	s12 =	sshrl.u32 s12, $0x3;
	[dreg:$0x6] =	wrdreg s7  }
0x35: {  	[dreg:$0x7] =	wrdreg s0;
	s7 =	simm.s32 $0x2800;
	s0 =	sadd.s32 s10, s1  }
0x36: {  	s10 =	smul.u32 $0x9E000, s6;
	[dreg:$0x18] =	wrdreg s22;
	s6 =	ssub.s32 $0x2, s6  }
0x37: {  	s22 =	simm.s32 $0x500;
	[dreg:$0xd] =	wrdreg s7;
	s7 =	sadd.s32 s8, s1  }
0x38: {  	s16 =	sshrl.u32 s6, $0x1;
	[smem:$0x7E5] =	sst s22;
	s0 =	sadd.s32 $0x2AC00, s0  }
0x39: {  	s22 =	simm.s32 $0xF80;
	s8 =	simm.s32 $0x0;
	s10 =	sadd.s32 s9, s10  }
0x3a: {  	s6 =	ssub.s32 s6, s16;
	s9 =	sadd.s32 s9, s2;
	[smem:$0x7F1] =	sst s0  }
0x3b: {  	s11 =	sadd.s32 $0x3400, s7;
	s16 =	simm.s32 $0xE80;
	[smem:$0x7F6] =	sst s22  }
0x3c: {  	s22 =	simm.s32 $0x1000;
	s7 =	simm.s32 $0x1580;
	s10 =	sshrl.u32 s10, $0x3  }
0x3d: {  	[smem:$0x7EE] =	sst s16;
	s6 =	smax.u32 s6, $0x1;
	s16 =	simm.s32 $0x1700  }
0x3e: {  	[smem:$0x7EF] =	sst s6;
	s6 =	sshrl.u32 s24, $0x3;
	s24 =	simm.s32 $0x700  }
0x3f: {  	s10 =	sadd.s32 s10, s1;
	s1 =	sadd.s32 s12, s1;
	[smem:$0x7F7] =	sst s24  }
0x40: {  	s12 =	simm.s32 $0x1380;
	s13 =	sadd.s32 $0xE0400, s10;
	[smem:$0x7FD] =	sst s6  }
0x41: {  	s15 =	sadd.s32 $0xD6600, s1;
	s1 =	sadd.s32 $0xCC800, s1;
	[smem:$0x7E9] =	sst s13  }
0x42: {  	s24 =	simm.s32 $0x80;
	s10 =	simm.s32 $0x1300;
	[smem:$0x7EB] =	sst s15  }
0x43: {  	[smem:$0x7ED] =	sst s1;
	s1 =	sshrl.u32 s9, $0x3;
	s13 =	simm.s32 $0x1400  }
0x44: {  	s15 =	simm.s32 $0x1500;
	s9 =	simm.s32 $0x1780;
	[smem:$0x7FC] =	sst s1  }
.LBB2_1:
0x45: {  	s0 =	sld [smem:$0x7DE];
	_ =	sdelay $0x1  }
0x46: {  	[smem:$0x7DC] =	sst s8  }
0x47: {  	[spmem:s1], [sflag:s23] =	dma.local [hbm:s0], $0x13C0  }
0x48: {  	_ =	swait.ge [sflag:s18], $0x13C0  }
0x49: {  	s0 =	sld [smem:$0x7DF]  }
0x4a: {  	[sflag:s18] =	ssyncset.done $0x0  }
0x4b: {  	[sflag:s18] =	ssyncadd.s32 $0xFFFFEC40  }
0x4c: {  	[spmem:s6], [sflag:s23] =	dma.local [hbm:s0], $0x4F0  }
0x4d: {  	_ =	swait.ge [sflag:s18], $0x4F0  }
0x4e: {  	s8 =	sld [smem:$0x7E6];
	_ =	sdelay $0x2  }
0x4f: {  	[sflag:s18] =	ssyncset.done $0x0;
	s1 =	sshrl.u32 s8, $0x3  }
0x50: {  	[sflag:s18] =	ssyncadd.s32 $0xFFFFFB10;
	[smem:$0x7DD] =	sst s1  }
0x51: {  	[spmem:s1], [sflag:s23] =	dma.local [hbm:s0], $0x4F0  }
0x52: {  	_ =	swait.ge [sflag:s18], $0x4F0  }
0x53: {  	s23 =	sld [smem:$0x7E0]  }
0x54: {  	[sflag:s18] =	ssyncset.done $0x0  }
0x55: {  	[sflag:s18] =	ssyncadd.s32 $0xFFFFFB10  }
0x56: {  	[tilespmem:s20], [sflag:$0x5] =	stream.linear.gather [hbm4b:s23+s5], $0x800, $0x38;
	[tilespmem:$0x1CD00] =	vst v63  }
0x57: {  	_ =	swait.ge [sflag:s18], $0x800  }
0x58: {  	[sflag:s18] =	ssyncset.done $0x0  }
0x59: {  	[sflag:s18] =	ssyncadd.s32 $0xFFFFF800  }
0x5a: {  	[bflag:$0x0] =	sbarrier.arrive $0xFFFF  }
0x5b: {  	s1 =	rddreg [dreg:$0x7]  }
0x5c: {  	s0 =	sadd.s32 $0x0, s1  }
0x5d: {  	[tilespmem:s5], [sflag:$0x5] =	stream.linear.gather [hbm4b:s0+s5], $0x800, $0x38;
	[tilespmem:$0x1CD00] =	vst v63  }
0x5e: {  	_ =	swait.ge [sflag:s18], $0x800  }
0x5f: {  	[sflag:s18] =	ssyncset.done $0x0  }
0x60: {  	s1 =	simm.s32 $0x800;
	s0 =	sadd.s32 $0xA000, s0;
	[sflag:s18] =	ssyncadd.s32 $0xFFFFF800  }
0x61: {  	[tilespmem:s1], [sflag:$0x5] =	stream.linear.gather [hbm4b:s0+s5], $0x800, $0x38;
	[tilespmem:$0x1CD00] =	vst v63  }
0x62: {  	_ =	swait.ge [sflag:s18], $0x800  }
0x63: {  	s6 =	rddreg [dreg:$0x6];
	[sflag:s18] =	ssyncset.done $0x0  }
0x64: {  	[sflag:s18] =	ssyncadd.s32 $0xFFFFF800;
	s0 =	sadd.s32 $0x0, s6  }
0x65: {  	[tilespmem:s22], [sflag:$0x5] =	stream.linear.gather [hbm4b:s0+s5], $0x800, $0x38;
	[tilespmem:$0x1CD00] =	vst v63  }
0x66: {  	_ =	swait.ge [sflag:s18], $0x800  }
0x67: {  	s23 =	sld [smem:$0x7F1]  }
0x68: {  	[sflag:s18] =	ssyncset.done $0x0  }
0x69: {  	s6 =	simm.s32 $0x1800;
	[sflag:s18] =	ssyncadd.s32 $0xFFFFF800  }
0x6a: {  	[tilespmem:s6], [sflag:$0x5] =	stream.linear.gather [hbm4b:s23+s5], $0x8000, $0x38;
	[tilespmem:$0x1CD00] =	vst v63  }
0x6b: {  	_ =	swait.ge [sflag:s18], $0x8000  }
0x6c: {  	[sflag:s18] =	ssyncset.done $0x0  }
0x6d: {  	[sflag:s18] =	ssyncadd.s32 $0xFFFF8000  }
0x6e: {  	[tilespmem:s25], [sflag:$0x1] =	stream.indirect.gather [hbm4b:s11+s24], $0x40, s1, s24, $0xb8;
	[tilespmem:$0x1CD00] =	vst v63  }
0x6f: {  	s8 =	rddreg [dreg:$0x8]  }
0x70: {  	[tilespmem:s26], [sflag:$0x2] =	stream.indirect.gather [hbm4b:s11+s24], $0x40, s8, s24, $0xb8;
	[tilespmem:$0x1CD00] =	vst v63  }
0x71: {  	_ =	swait.ge [sflag:s28], $0x2000  }
0x72: {  	[sflag:s28] =	ssyncset.done $0x0  }
0x73: {  	[sflag:s28] =	ssyncadd.s32 $0xFFFFE000  }
0x74: {  	[spmem:s2] =	stream.indirect.scatter.add.f32 [tilespmem:s25], [sflag:$0x3], $0x40, s5, s24, $0xb8;
	[tilespmem:$0x1CD00] =	vst v63  }
0x75: {  	_ = 	snop  }
0x76: {  	[spmem:s3] =	stream.indirect.scatter.add.f32 [tilespmem:s6], [sflag:$0x4], $0x10, s22, s24, $0xb8;
	[tilespmem:$0x1CD00] =	vst v63  }
0x77: {  	_ = 	snop  }
0x78: {  	[spmem:s4] =	stream.indirect.scatter.add.f32 [tilespmem:s20], [sflag:$0x4], $0x10, s22, s24, $0xb8;
	[tilespmem:$0x1CD00] =	vst v63  }
0x79: {  	_ =	swait.ge [sflag:s29], $0x2000  }
0x7a: {  	[sflag:s29] =	ssyncset.done $0x0  }
0x7b: {  	s1 =	rddreg [dreg:$0x9];
	[sflag:s29] =	ssyncadd.s32 $0xFFFFE000  }
0x7c: {  	[tilespmem:s25], [sflag:$0x1] =	stream.indirect.gather [hbm4b:s11+s24], $0x40, s1, s24, $0xb8;
	[tilespmem:$0x1CD00] =	vst v63  }
0x7d: {  	_ =	swait.ge [sflag:s30], $0x2000  }
0x7e: {  	[sflag:s30] =	ssyncset.done $0x0  }
0x7f: {  	[sflag:s30] =	ssyncadd.s32 $0xFFFFE000  }
0x80: {  	[spmem:s2] =	stream.indirect.scatter.add.f32 [tilespmem:s26], [sflag:$0x3], $0x40, s24, s24, $0xb8;
	[tilespmem:$0x1CD00] =	vst v63  }
0x81: {  	s8 =	simm.s32 $0x1080;
	s6 =	rddreg [dreg:$0xa]  }
0x82: {  	[spmem:s3] =	stream.indirect.scatter.add.f32 [tilespmem:s6], [sflag:$0x4], $0x10, s8, s24, $0xb8;
	[tilespmem:$0x1CD00] =	vst v63  }
0x83: {  	_ = 	snop  }
0x84: {  	[spmem:s4] =	stream.indirect.scatter.add.f32 [tilespmem:s20], [sflag:$0x4], $0x10, s8, s24, $0xb8;
	[tilespmem:$0x1CD00] =	vst v63  }
0x85: {  	_ =	swait.ge [sflag:s29], $0x2000  }
0x86: {  	[sflag:s29] =	ssyncset.done $0x0  }
0x87: {  	s1 =	rddreg [dreg:$0xb];
	[sflag:s29] =	ssyncadd.s32 $0xFFFFE000  }
0x88: {  	[tilespmem:s26], [sflag:$0x2] =	stream.indirect.gather [hbm4b:s11+s24], $0x40, s1, s24, $0xb8;
	[tilespmem:$0x1CD00] =	vst v63  }
0x89: {  	_ =	swait.ge [sflag:s28], $0x2000  }
0x8a: {  	[sflag:s28] =	ssyncset.done $0x0  }
0x8b: {  	s6 =	rddreg [dreg:$0xc];
	[sflag:s28] =	ssyncadd.s32 $0xFFFFE000  }
0x8c: {  	[spmem:s2] =	stream.indirect.scatter.add.f32 [tilespmem:s25], [sflag:$0x3], $0x40, s6, s24, $0xb8;
	[tilespmem:$0x1CD00] =	vst v63  }
0x8d: {  	s8 =	rddreg [dreg:$0xd];
	s6 =	simm.s32 $0x1100  }
0x8e: {  	[spmem:s3] =	stream.indirect.scatter.add.f32 [tilespmem:s8], [sflag:$0x4], $0x10, s6, s24, $0xb8;
	[tilespmem:$0x1CD00] =	vst v63  }
0x8f: {  	_ = 	snop  }
0x90: {  	[spmem:s4] =	stream.indirect.scatter.add.f32 [tilespmem:s20], [sflag:$0x4], $0x10, s6, s24, $0xb8;
	[tilespmem:$0x1CD00] =	vst v63  }
0x91: {  	_ =	swait.ge [sflag:s29], $0x2000  }
0x92: {  	[sflag:s29] =	ssyncset.done $0x0  }
0x93: {  	s8 =	rddreg [dreg:$0xe];
	[sflag:s29] =	ssyncadd.s32 $0xFFFFE000  }
0x94: {  	[tilespmem:s25], [sflag:$0x1] =	stream.indirect.gather [hbm4b:s11+s24], $0x40, s8, s24, $0xb8;
	[tilespmem:$0x1CD00] =	vst v63  }
0x95: {  	_ =	swait.ge [sflag:s30], $0x2000  }
0x96: {  	[sflag:s30] =	ssyncset.done $0x0  }
0x97: {  	s1 =	rddreg [dreg:$0xf];
	[sflag:s30] =	ssyncadd.s32 $0xFFFFE000  }
0x98: {  	[spmem:s2] =	stream.indirect.scatter.add.f32 [tilespmem:s26], [sflag:$0x3], $0x40, s1, s24, $0xb8;
	[tilespmem:$0x1CD00] =	vst v63  }
0x99: {  	s8 =	simm.s32 $0x1180;
	s6 =	rddreg [dreg:$0x10]  }
0x9a: {  	[spmem:s3] =	stream.indirect.scatter.add.f32 [tilespmem:s6], [sflag:$0x4], $0x10, s8, s24, $0xb8;
	[tilespmem:$0x1CD00] =	vst v63  }
0x9b: {  	_ = 	snop  }
0x9c: {  	[spmem:s4] =	stream.indirect.scatter.add.f32 [tilespmem:s20], [sflag:$0x4], $0x10, s8, s24, $0xb8;
	[tilespmem:$0x1CD00] =	vst v63  }
0x9d: {  	_ =	swait.ge [sflag:s29], $0x2000  }
0x9e: {  	[sflag:s29] =	ssyncset.done $0x0  }
0x9f: {  	s1 =	rddreg [dreg:$0x11];
	[sflag:s29] =	ssyncadd.s32 $0xFFFFE000  }
0xa0: {  	[tilespmem:s26], [sflag:$0x2] =	stream.indirect.gather [hbm4b:s11+s24], $0x40, s1, s24, $0xb8;
	[tilespmem:$0x1CD00] =	vst v63  }
0xa1: {  	_ =	swait.ge [sflag:s28], $0x2000  }
0xa2: {  	[sflag:s28] =	ssyncset.done $0x0  }
0xa3: {  	s6 =	rddreg [dreg:$0x12];
	[sflag:s28] =	ssyncadd.s32 $0xFFFFE000  }
0xa4: {  	[spmem:s2] =	stream.indirect.scatter.add.f32 [tilespmem:s25], [sflag:$0x3], $0x40, s6, s24, $0xb8;
	[tilespmem:$0x1CD00] =	vst v63  }
0xa5: {  	s8 =	rddreg [dreg:$0x13];
	s6 =	simm.s32 $0x1200  }
0xa6: {  	[spmem:s3] =	stream.indirect.scatter.add.f32 [tilespmem:s8], [sflag:$0x4], $0x10, s6, s24, $0xb8;
	[tilespmem:$0x1CD00] =	vst v63  }
0xa7: {  	_ = 	snop  }
0xa8: {  	[spmem:s4] =	stream.indirect.scatter.add.f32 [tilespmem:s20], [sflag:$0x4], $0x10, s6, s24, $0xb8;
	[tilespmem:$0x1CD00] =	vst v63  }
0xa9: {  	_ =	swait.ge [sflag:s29], $0x2000  }
0xaa: {  	[sflag:s29] =	ssyncset.done $0x0  }
0xab: {  	s8 =	rddreg [dreg:$0x14];
	[sflag:s29] =	ssyncadd.s32 $0xFFFFE000  }
0xac: {  	[tilespmem:s25], [sflag:$0x1] =	stream.indirect.gather [hbm4b:s11+s24], $0x40, s8, s24, $0xb8;
	[tilespmem:$0x1CD00] =	vst v63  }
0xad: {  	_ =	swait.ge [sflag:s30], $0x2000  }
0xae: {  	[sflag:s30] =	ssyncset.done $0x0  }
0xaf: {  	s1 =	rddreg [dreg:$0x15];
	[sflag:s30] =	ssyncadd.s32 $0xFFFFE000  }
0xb0: {  	[spmem:s2] =	stream.indirect.scatter.add.f32 [tilespmem:s26], [sflag:$0x3], $0x40, s1, s24, $0xb8;
	[tilespmem:$0x1CD00] =	vst v63  }
0xb1: {  	s8 =	simm.s32 $0x1280;
	s6 =	rddreg [dreg:$0x16]  }
0xb2: {  	[spmem:s3] =	stream.indirect.scatter.add.f32 [tilespmem:s6], [sflag:$0x4], $0x10, s8, s24, $0xb8;
	[tilespmem:$0x1CD00] =	vst v63  }
0xb3: {  	_ = 	snop  }
0xb4: {  	[spmem:s4] =	stream.indirect.scatter.add.f32 [tilespmem:s20], [sflag:$0x4], $0x10, s8, s24, $0xb8;
	[tilespmem:$0x1CD00] =	vst v63  }
0xb5: {  	_ =	swait.ge [sflag:s29], $0x2000  }
0xb6: {  	[sflag:s29] =	ssyncset.done $0x0  }
0xb7: {  	s1 =	rddreg [dreg:$0x17];
	[sflag:s29] =	ssyncadd.s32 $0xFFFFE000  }
0xb8: {  	[tilespmem:s26], [sflag:$0x2] =	stream.indirect.gather [hbm4b:s11+s24], $0x40, s1, s24, $0xb8;
	[tilespmem:$0x1CD00] =	vst v63  }
0xb9: {  	_ =	swait.ge [sflag:s28], $0x2000  }
0xba: {  	[sflag:s28] =	ssyncset.done $0x0  }
0xbb: {  	s6 =	rddreg [dreg:$0x18];
	[sflag:s28] =	ssyncadd.s32 $0xFFFFE000  }
0xbc: {  	[spmem:s2] =	stream.indirect.scatter.add.f32 [tilespmem:s25], [sflag:$0x3], $0x40, s6, s24, $0xb8;
	[tilespmem:$0x1CD00] =	vst v63  }
0xbd: {  	s8 =	rddreg [dreg:$0x19]  }
0xbe: {  	[spmem:s3] =	stream.indirect.scatter.add.f32 [tilespmem:s8], [sflag:$0x4], $0x10, s10, s24, $0xb8;
	[tilespmem:$0x1CD00] =	vst v63  }
0xbf: {  	_ = 	snop  }
0xc0: {  	[spmem:s4] =	stream.indirect.scatter.add.f32 [tilespmem:s20], [sflag:$0x4], $0x10, s10, s24, $0xb8;
	[tilespmem:$0x1CD00] =	vst v63  }
0xc1: {  	_ =	swait.ge [sflag:s29], $0x2000  }
0xc2: {  	[sflag:s29] =	ssyncset.done $0x0  }
0xc3: {  	s1 =	rddreg [dreg:$0x1a];
	[sflag:s29] =	ssyncadd.s32 $0xFFFFE000  }
0xc4: {  	[tilespmem:s25], [sflag:$0x1] =	stream.indirect.gather [hbm4b:s11+s24], $0x40, s1, s24, $0xb8;
	[tilespmem:$0x1CD00] =	vst v63  }
0xc5: {  	_ =	swait.ge [sflag:s30], $0x2000  }
0xc6: {  	[sflag:s30] =	ssyncset.done $0x0  }
0xc7: {  	s6 =	rddreg [dreg:$0x1b];
	[sflag:s30] =	ssyncadd.s32 $0xFFFFE000  }
0xc8: {  	[spmem:s2] =	stream.indirect.scatter.add.f32 [tilespmem:s26], [sflag:$0x3], $0x40, s6, s24, $0xb8;
	[tilespmem:$0x1CD00] =	vst v63  }
0xc9: {  	s8 =	rddreg [dreg:$0x1c]  }
0xca: {  	[spmem:s3] =	stream.indirect.scatter.add.f32 [tilespmem:s8], [sflag:$0x4], $0x10, s12, s24, $0xb8;
	[tilespmem:$0x1CD00] =	vst v63  }
0xcb: {  	_ = 	snop  }
0xcc: {  	[spmem:s4] =	stream.indirect.scatter.add.f32 [tilespmem:s20], [sflag:$0x4], $0x10, s12, s24, $0xb8;
	[tilespmem:$0x1CD00] =	vst v63  }
0xcd: {  	_ =	swait.ge [sflag:s29], $0x2000  }
0xce: {  	[sflag:s29] =	ssyncset.done $0x0  }
0xcf: {  	s1 =	rddreg [dreg:$0x1d];
	[sflag:s29] =	ssyncadd.s32 $0xFFFFE000  }
0xd0: {  	[tilespmem:s26], [sflag:$0x2] =	stream.indirect.gather [hbm4b:s11+s24], $0x40, s1, s24, $0xb8;
	[tilespmem:$0x1CD00] =	vst v63  }
0xd1: {  	_ =	swait.ge [sflag:s28], $0x2000  }
0xd2: {  	[sflag:s28] =	ssyncset.done $0x0  }
0xd3: {  	s6 =	rddreg [dreg:$0x1e];
	[sflag:s28] =	ssyncadd.s32 $0xFFFFE000  }
0xd4: {  	[spmem:s2] =	stream.indirect.scatter.add.f32 [tilespmem:s25], [sflag:$0x3], $0x40, s6, s24, $0xb8;
	[tilespmem:$0x1CD00] =	vst v63  }
0xd5: {  	s8 =	rddreg [dreg:$0x1f]  }
0xd6: {  	[spmem:s3] =	stream.indirect.scatter.add.f32 [tilespmem:s8], [sflag:$0x4], $0x10, s13, s24, $0xb8;
	[tilespmem:$0x1CD00] =	vst v63  }
0xd7: {  	_ = 	snop  }
0xd8: {  	[spmem:s4] =	stream.indirect.scatter.add.f32 [tilespmem:s20], [sflag:$0x4], $0x10, s13, s24, $0xb8;
	[tilespmem:$0x1CD00] =	vst v63  }
0xd9: {  	_ =	swait.ge [sflag:s29], $0x2000  }
0xda: {  	s1 =	sld [smem:$0x7E1]  }
0xdb: {  	[sflag:s29] =	ssyncset.done $0x0  }
0xdc: {  	[sflag:s29] =	ssyncadd.s32 $0xFFFFE000  }
0xdd: {  	[tilespmem:s25], [sflag:$0x1] =	stream.indirect.gather [hbm4b:s11+s24], $0x40, s1, s24, $0xb8;
	[tilespmem:$0x1CD00] =	vst v63  }
0xde: {  	_ =	swait.ge [sflag:s30], $0x2000  }
0xdf: {  	s6 =	sld [smem:$0x7E2]  }
0xe0: {  	[sflag:s30] =	ssyncset.done $0x0  }
0xe1: {  	s8 =	sld [smem:$0x7E3];
	[sflag:s30] =	ssyncadd.s32 $0xFFFFE000  }
0xe2: {  	[spmem:s2] =	stream.indirect.scatter.add.f32 [tilespmem:s26], [sflag:$0x3], $0x40, s6, s24, $0xb8;
	[tilespmem:$0x1CD00] =	vst v63  }
0xe3: {  	_ = 	snop  }
0xe4: {  	[spmem:s3] =	stream.indirect.scatter.add.f32 [tilespmem:s8], [sflag:$0x4], $0x10, s14, s24, $0xb8;
	[tilespmem:$0x1CD00] =	vst v63  }
0xe5: {  	_ = 	snop  }
0xe6: {  	[spmem:s4] =	stream.indirect.scatter.add.f32 [tilespmem:s20], [sflag:$0x4], $0x10, s14, s24, $0xb8;
	[tilespmem:$0x1CD00] =	vst v63  }
0xe7: {  	_ =	swait.ge [sflag:s29], $0x2000  }
0xe8: {  	s1 =	sld [smem:$0x7E4]  }
0xe9: {  	[sflag:s29] =	ssyncset.done $0x0  }
0xea: {  	[sflag:s29] =	ssyncadd.s32 $0xFFFFE000  }
0xeb: {  	[tilespmem:s26], [sflag:$0x2] =	stream.indirect.gather [hbm4b:s11+s24], $0x40, s1, s24, $0xb8;
	[tilespmem:$0x1CD00] =	vst v63  }
0xec: {  	_ =	swait.ge [sflag:s28], $0x2000  }
0xed: {  	s6 =	sld [smem:$0x7E5]  }
0xee: {  	[sflag:s28] =	ssyncset.done $0x0  }
0xef: {  	s8 =	sld [smem:$0x7E7];
	[sflag:s28] =	ssyncadd.s32 $0xFFFFE000  }
0xf0: {  	[spmem:s2] =	stream.indirect.scatter.add.f32 [tilespmem:s25], [sflag:$0x3], $0x40, s6, s24, $0xb8;
	[tilespmem:$0x1CD00] =	vst v63  }
0xf1: {  	_ = 	snop  }
0xf2: {  	[spmem:s3] =	stream.indirect.scatter.add.f32 [tilespmem:s8], [sflag:$0x4], $0x10, s15, s24, $0xb8;
	[tilespmem:$0x1CD00] =	vst v63  }
0xf3: {  	_ = 	snop  }
0xf4: {  	[spmem:s4] =	stream.indirect.scatter.add.f32 [tilespmem:s20], [sflag:$0x4], $0x10, s15, s24, $0xb8;
	[tilespmem:$0x1CD00] =	vst v63  }
0xf5: {  	_ =	swait.ge [sflag:s29], $0x2000  }
0xf6: {  	s1 =	sld [smem:$0x7E8]  }
0xf7: {  	[sflag:s29] =	ssyncset.done $0x0  }
0xf8: {  	[sflag:s29] =	ssyncadd.s32 $0xFFFFE000  }
0xf9: {  	[tilespmem:s25], [sflag:$0x1] =	stream.indirect.gather [hbm4b:s11+s24], $0x40, s1, s24, $0xb8;
	[tilespmem:$0x1CD00] =	vst v63  }
0xfa: {  	_ =	swait.ge [sflag:s30], $0x2000  }
0xfb: {  	s6 =	sld [smem:$0x7EA]  }
0xfc: {  	[sflag:s30] =	ssyncset.done $0x0  }
0xfd: {  	s8 =	sld [smem:$0x7EC];
	[sflag:s30] =	ssyncadd.s32 $0xFFFFE000  }
0xfe: {  	[spmem:s2] =	stream.indirect.scatter.add.f32 [tilespmem:s26], [sflag:$0x3], $0x40, s6, s24, $0xb8;
	[tilespmem:$0x1CD00] =	vst v63  }
0xff: {  	_ = 	snop  }
0x100: {  	[spmem:s3] =	stream.indirect.scatter.add.f32 [tilespmem:s8], [sflag:$0x4], $0x10, s7, s24, $0xb8;
	[tilespmem:$0x1CD00] =	vst v63  }
0x101: {  	_ = 	snop  }
0x102: {  	[spmem:s4] =	stream.indirect.scatter.add.f32 [tilespmem:s20], [sflag:$0x4], $0x10, s7, s24, $0xb8;
	[tilespmem:$0x1CD00] =	vst v63  }
0x103: {  	_ =	swait.ge [sflag:s29], $0x2000  }
0x104: {  	s1 =	sld [smem:$0x7EE]  }
0x105: {  	[sflag:s29] =	ssyncset.done $0x0  }
0x106: {  	[sflag:s29] =	ssyncadd.s32 $0xFFFFE000  }
0x107: {  	[tilespmem:s26], [sflag:$0x2] =	stream.indirect.gather [hbm4b:s11+s24], $0x40, s1, s24, $0xb8;
	[tilespmem:$0x1CD00] =	vst v63  }
0x108: {  	_ =	swait.ge [sflag:s28], $0x2000  }
0x109: {  	s6 =	sld [smem:$0x7F0]  }
0x10a: {  	[sflag:s28] =	ssyncset.done $0x0  }
0x10b: {  	s8 =	sld [smem:$0x7F2];
	[sflag:s28] =	ssyncadd.s32 $0xFFFFE000  }
0x10c: {  	[spmem:s2] =	stream.indirect.scatter.add.f32 [tilespmem:s25], [sflag:$0x3], $0x40, s6, s24, $0xb8;
	[tilespmem:$0x1CD00] =	vst v63  }
0x10d: {  	_ = 	snop  }
0x10e: {  	[spmem:s3] =	stream.indirect.scatter.add.f32 [tilespmem:s8], [sflag:$0x4], $0x10, s17, s24, $0xb8;
	[tilespmem:$0x1CD00] =	vst v63  }
0x10f: {  	_ = 	snop  }
0x110: {  	[spmem:s4] =	stream.indirect.scatter.add.f32 [tilespmem:s20], [sflag:$0x4], $0x10, s17, s24, $0xb8;
	[tilespmem:$0x1CD00] =	vst v63  }
0x111: {  	_ =	swait.ge [sflag:s29], $0x2000  }
0x112: {  	s1 =	sld [smem:$0x7F3]  }
0x113: {  	[sflag:s29] =	ssyncset.done $0x0  }
0x114: {  	[sflag:s29] =	ssyncadd.s32 $0xFFFFE000  }
0x115: {  	[tilespmem:s25], [sflag:$0x1] =	stream.indirect.gather [hbm4b:s11+s24], $0x40, s1, s24, $0xb8;
	[tilespmem:$0x1CD00] =	vst v63  }
0x116: {  	_ =	swait.ge [sflag:s30], $0x2000  }
0x117: {  	s6 =	sld [smem:$0x7F4]  }
0x118: {  	[sflag:s30] =	ssyncset.done $0x0  }
0x119: {  	s8 =	sld [smem:$0x7F5];
	[sflag:s30] =	ssyncadd.s32 $0xFFFFE000  }
0x11a: {  	[spmem:s2] =	stream.indirect.scatter.add.f32 [tilespmem:s26], [sflag:$0x3], $0x40, s6, s24, $0xb8;
	[tilespmem:$0x1CD00] =	vst v63  }
0x11b: {  	_ = 	snop  }
0x11c: {  	[spmem:s3] =	stream.indirect.scatter.add.f32 [tilespmem:s8], [sflag:$0x4], $0x10, s19, s24, $0xb8;
	[tilespmem:$0x1CD00] =	vst v63  }
0x11d: {  	_ = 	snop  }
0x11e: {  	[spmem:s4] =	stream.indirect.scatter.add.f32 [tilespmem:s20], [sflag:$0x4], $0x10, s19, s24, $0xb8;
	[tilespmem:$0x1CD00] =	vst v63  }
0x11f: {  	_ =	swait.ge [sflag:s29], $0x2000  }
0x120: {  	s1 =	sld [smem:$0x7F6]  }
0x121: {  	[sflag:s29] =	ssyncset.done $0x0  }
0x122: {  	[sflag:s29] =	ssyncadd.s32 $0xFFFFE000  }
0x123: {  	[tilespmem:s26], [sflag:$0x2] =	stream.indirect.gather [hbm4b:s11+s24], $0x40, s1, s24, $0xb8;
	[tilespmem:$0x1CD00] =	vst v63  }
0x124: {  	_ =	swait.ge [sflag:s28], $0x2000  }
0x125: {  	s6 =	sld [smem:$0x7F7]  }
0x126: {  	[sflag:s28] =	ssyncset.done $0x0  }
0x127: {  	s8 =	sld [smem:$0x7F8];
	[sflag:s28] =	ssyncadd.s32 $0xFFFFE000  }
0x128: {  	[spmem:s2] =	stream.indirect.scatter.add.f32 [tilespmem:s25], [sflag:$0x3], $0x40, s6, s24, $0xb8;
	[tilespmem:$0x1CD00] =	vst v63  }
0x129: {  	_ = 	snop  }
0x12a: {  	[spmem:s3] =	stream.indirect.scatter.add.f32 [tilespmem:s8], [sflag:$0x4], $0x10, s16, s24, $0xb8;
	[tilespmem:$0x1CD00] =	vst v63  }
0x12b: {  	_ = 	snop  }
0x12c: {  	[spmem:s4] =	stream.indirect.scatter.add.f32 [tilespmem:s20], [sflag:$0x4], $0x10, s16, s24, $0xb8;
	[tilespmem:$0x1CD00] =	vst v63  }
0x12d: {  	_ =	swait.ge [sflag:s30], $0x2000  }
0x12e: {  	s6 =	sld [smem:$0x7F9]  }
0x12f: {  	[sflag:s30] =	ssyncset.done $0x0  }
0x130: {  	[sflag:s30] =	ssyncadd.s32 $0xFFFFE000  }
0x131: {  	[spmem:s2] =	stream.indirect.scatter.add.f32 [tilespmem:s26], [sflag:$0x3], $0x40, s6, s24, $0xb8;
	[tilespmem:$0x1CD00] =	vst v63  }
0x132: {  	_ =	swait.ge [sflag:s29], $0x2000  }
0x133: {  	s8 =	sld [smem:$0x7FA]  }
0x134: {  	[sflag:s29] =	ssyncset.done $0x0  }
0x135: {  	[sflag:s29] =	ssyncadd.s32 $0xFFFFE000  }
0x136: {  	[spmem:s3] =	stream.indirect.scatter.add.f32 [tilespmem:s8], [sflag:$0x4], $0x10, s9, s24, $0xb8;
	[tilespmem:$0x1CD00] =	vst v63  }
0x137: {  	_ = 	snop  }
0x138: {  	[spmem:s4] =	stream.indirect.scatter.add.f32 [tilespmem:s20], [sflag:$0x4], $0x10, s9, s24, $0xb8;
	[tilespmem:$0x1CD00] =	vst v63  }
0x139: {  	_ =	swait.ge [sflag:s29], $0x2000  }
0x13a: {  	[sflag:s29] =	ssyncset.done $0x0  }
0x13b: {  	[sflag:s29] =	ssyncadd.s32 $0xFFFFE000  }
0x13c: {  	_ =	swait.ge [sflag:s21], $0x800  }
0x13d: {  	[sflag:s21] =	ssyncset.done $0x0  }
0x13e: {  	[sflag:s21] =	ssyncadd.s32 $0xFFFFF800  }
0x13f: {  	_ =	swait.ge [sflag:s21], $0x800  }
0x140: {  	[sflag:s21] =	ssyncset.done $0x0  }
0x141: {  	[sflag:s21] =	ssyncadd.s32 $0xFFFFF800  }
0x142: {  	_ =	swait.ge [sflag:s21], $0x800  }
0x143: {  	[sflag:s21] =	ssyncset.done $0x0  }
0x144: {  	[sflag:s21] =	ssyncadd.s32 $0xFFFFF800  }
0x145: {  	_ =	swait.ge [sflag:s21], $0x800  }
0x146: {  	[sflag:s21] =	ssyncset.done $0x0  }
0x147: {  	[sflag:s21] =	ssyncadd.s32 $0xFFFFF800  }
0x148: {  	_ =	swait.ge [sflag:s21], $0x800  }
0x149: {  	[sflag:s21] =	ssyncset.done $0x0  }
0x14a: {  	[sflag:s21] =	ssyncadd.s32 $0xFFFFF800  }
0x14b: {  	_ =	swait.ge [sflag:s21], $0x800  }
0x14c: {  	[sflag:s21] =	ssyncset.done $0x0  }
0x14d: {  	[sflag:s21] =	ssyncadd.s32 $0xFFFFF800  }
0x14e: {  	_ =	swait.ge [sflag:s21], $0x800  }
0x14f: {  	[sflag:s21] =	ssyncset.done $0x0  }
0x150: {  	[sflag:s21] =	ssyncadd.s32 $0xFFFFF800  }
0x151: {  	_ =	swait.ge [sflag:s21], $0x800  }
0x152: {  	[sflag:s21] =	ssyncset.done $0x0  }
0x153: {  	[sflag:s21] =	ssyncadd.s32 $0xFFFFF800  }
0x154: {  	_ =	swait.ge [sflag:s21], $0x800  }
0x155: {  	[sflag:s21] =	ssyncset.done $0x0  }
0x156: {  	[sflag:s21] =	ssyncadd.s32 $0xFFFFF800  }
0x157: {  	_ =	swait.ge [sflag:s21], $0x800  }
0x158: {  	[sflag:s21] =	ssyncset.done $0x0  }
0x159: {  	[sflag:s21] =	ssyncadd.s32 $0xFFFFF800  }
0x15a: {  	_ =	swait.ge [sflag:s21], $0x800  }
0x15b: {  	[sflag:s21] =	ssyncset.done $0x0  }
0x15c: {  	[sflag:s21] =	ssyncadd.s32 $0xFFFFF800  }
0x15d: {  	_ =	swait.ge [sflag:s21], $0x800  }
0x15e: {  	[sflag:s21] =	ssyncset.done $0x0  }
0x15f: {  	[sflag:s21] =	ssyncadd.s32 $0xFFFFF800  }
0x160: {  	_ =	swait.ge [sflag:s21], $0x800  }
0x161: {  	[sflag:s21] =	ssyncset.done $0x0  }
0x162: {  	[sflag:s21] =	ssyncadd.s32 $0xFFFFF800  }
0x163: {  	_ =	swait.ge [sflag:s21], $0x800  }
0x164: {  	[sflag:s21] =	ssyncset.done $0x0  }
0x165: {  	[sflag:s21] =	ssyncadd.s32 $0xFFFFF800  }
0x166: {  	_ =	swait.ge [sflag:s21], $0x800  }
0x167: {  	[sflag:s21] =	ssyncset.done $0x0  }
0x168: {  	[sflag:s21] =	ssyncadd.s32 $0xFFFFF800  }
0x169: {  	_ =	swait.ge [sflag:s21], $0x800  }
0x16a: {  	[sflag:s21] =	ssyncset.done $0x0  }
0x16b: {  	[sflag:s21] =	ssyncadd.s32 $0xFFFFF800  }
0x16c: {  	_ =	swait.ge [sflag:s21], $0x800  }
0x16d: {  	[sflag:s21] =	ssyncset.done $0x0  }
0x16e: {  	[sflag:s21] =	ssyncadd.s32 $0xFFFFF800  }
0x16f: {  	_ =	swait.ge [sflag:s21], $0x800  }
0x170: {  	[sflag:s21] =	ssyncset.done $0x0  }
0x171: {  	[sflag:s21] =	ssyncadd.s32 $0xFFFFF800  }
0x172: {  	_ =	swait.ge [sflag:s21], $0x800  }
0x173: {  	[sflag:s21] =	ssyncset.done $0x0  }
0x174: {  	[sflag:s21] =	ssyncadd.s32 $0xFFFFF800  }
0x175: {  	_ =	swait.ge [sflag:s21], $0x800  }
0x176: {  	[sflag:s21] =	ssyncset.done $0x0  }
0x177: {  	[sflag:s21] =	ssyncadd.s32 $0xFFFFF800  }
0x178: {  	_ =	swait.ge [sflag:s21], $0x800  }
0x179: {  	[sflag:s21] =	ssyncset.done $0x0  }
0x17a: {  	[sflag:s21] =	ssyncadd.s32 $0xFFFFF800  }
0x17b: {  	_ =	swait.ge [sflag:s21], $0x800  }
0x17c: {  	[sflag:s21] =	ssyncset.done $0x0  }
0x17d: {  	[sflag:s21] =	ssyncadd.s32 $0xFFFFF800  }
0x17e: {  	_ =	swait.ge [sflag:s21], $0x800  }
0x17f: {  	[sflag:s21] =	ssyncset.done $0x0  }
0x180: {  	[sflag:s21] =	ssyncadd.s32 $0xFFFFF800  }
0x181: {  	_ =	swait.ge [sflag:s21], $0x800  }
0x182: {  	[sflag:s21] =	ssyncset.done $0x0  }
0x183: {  	[sflag:s21] =	ssyncadd.s32 $0xFFFFF800  }
0x184: {  	_ =	swait.ge [sflag:s21], $0x800  }
0x185: {  	[sflag:s21] =	ssyncset.done $0x0  }
0x186: {  	[sflag:s21] =	ssyncadd.s32 $0xFFFFF800  }
0x187: {  	_ =	swait.ge [sflag:s21], $0x800  }
0x188: {  	[sflag:s21] =	ssyncset.done $0x0  }
0x189: {  	[sflag:s21] =	ssyncadd.s32 $0xFFFFF800  }
0x18a: {  	_ =	swait.ge [sflag:s21], $0x800  }
0x18b: {  	[sflag:s21] =	ssyncset.done $0x0  }
0x18c: {  	[sflag:s21] =	ssyncadd.s32 $0xFFFFF800  }
0x18d: {  	_ =	swait.ge [sflag:s21], $0x800  }
0x18e: {  	[sflag:s21] =	ssyncset.done $0x0  }
0x18f: {  	[sflag:s21] =	ssyncadd.s32 $0xFFFFF800  }
0x190: {  	_ =	swait.ge [sflag:s21], $0x800  }
0x191: {  	[sflag:s21] =	ssyncset.done $0x0  }
0x192: {  	[sflag:s21] =	ssyncadd.s32 $0xFFFFF800  }
0x193: {  	_ =	swait.ge [sflag:s21], $0x800  }
0x194: {  	[sflag:s21] =	ssyncset.done $0x0  }
0x195: {  	[sflag:s21] =	ssyncadd.s32 $0xFFFFF800  }
0x196: {  	_ =	swait.ge [sflag:s21], $0x800  }
0x197: {  	[sflag:s21] =	ssyncset.done $0x0  }
0x198: {  	[sflag:s21] =	ssyncadd.s32 $0xFFFFF800  }
0x199: {  	s31 =	simm.s32 $0x100;
	_ =	swait.ge [sflag:s21], $0x800  }
0x19a: {  	s1 =	simm.s32 $0x200;
	s0 =	rddreg [dreg:$0x7];
	[sflag:s21] =	ssyncset.done $0x0  }
.LBB2_2:
0x19b: {  	[sflag:s21] =	ssyncadd.s32 $0xFFFFF800;
	s0 =	sadd.s32 s31, s0  }
0x19c: {  	[tilespmem:s5], [sflag:$0x5] =	stream.linear.gather [hbm4b:s0+s5], $0x800, $0x38;
	[tilespmem:$0x1CD00] =	vst v63  }
0x19d: {  	_ =	swait.ge [sflag:s18], $0x800  }
0x19e: {  	[sflag:s18] =	ssyncset.done $0x0  }
0x19f: {  	s8 =	simm.s32 $0x800;
	s0 =	sadd.s32 $0xA000, s0;
	[sflag:s18] =	ssyncadd.s32 $0xFFFFF800  }
0x1a0: {  	[tilespmem:s8], [sflag:$0x5] =	stream.linear.gather [hbm4b:s0+s5], $0x800, $0x38;
	[tilespmem:$0x1CD00] =	vst v63  }
0x1a1: {  	_ =	swait.ge [sflag:s18], $0x800  }
0x1a2: {  	s0 =	rddreg [dreg:$0x6];
	[sflag:s18] =	ssyncset.done $0x0  }
0x1a3: {  	[sflag:s18] =	ssyncadd.s32 $0xFFFFF800;
	s0 =	sadd.s32 s31, s0  }
0x1a4: {  	[tilespmem:s22], [sflag:$0x5] =	stream.linear.gather [hbm4b:s0+s5], $0x800, $0x38;
	[tilespmem:$0x1CD00] =	vst v63  }
0x1a5: {  	_ =	swait.ge [sflag:s18], $0x800  }
0x1a6: {  	s23 =	sadd.s32 $0x1000, s23;
	s6 =	smov.u32 s1;
	[sflag:s18] =	ssyncset.done $0x0  }
0x1a7: {  	s31 =	smov.u32 s6;
	s6 =	simm.s32 $0x1800;
	[sflag:s18] =	ssyncadd.s32 $0xFFFFF800  }
0x1a8: {  	[tilespmem:s6], [sflag:$0x5] =	stream.linear.gather [hbm4b:s23+s5], $0x8000, $0x38;
	[tilespmem:$0x1CD00] =	vst v63  }
0x1a9: {  	_ =	swait.ge [sflag:s18], $0x8000  }
0x1aa: {  	[sflag:s18] =	ssyncset.done $0x0  }
0x1ab: {  	[sflag:s18] =	ssyncadd.s32 $0xFFFF8000  }
0x1ac: {  	[tilespmem:s25], [sflag:$0x1] =	stream.indirect.gather [hbm4b:s11+s24], $0x40, s8, s24, $0xb8;
	[tilespmem:$0x1CD00] =	vst v63  }
0x1ad: {  	s0 =	rddreg [dreg:$0x8]  }
0x1ae: {  	[tilespmem:s26], [sflag:$0x2] =	stream.indirect.gather [hbm4b:s11+s24], $0x40, s0, s24, $0xb8;
	[tilespmem:$0x1CD00] =	vst v63  }
0x1af: {  	_ =	swait.ge [sflag:s28], $0x2000  }
0x1b0: {  	[sflag:s28] =	ssyncset.done $0x0  }
0x1b1: {  	[sflag:s28] =	ssyncadd.s32 $0xFFFFE000  }
0x1b2: {  	[spmem:s2] =	stream.indirect.scatter.add.f32 [tilespmem:s25], [sflag:$0x3], $0x40, s5, s24, $0xb8;
	[tilespmem:$0x1CD00] =	vst v63  }
0x1b3: {  	_ = 	snop  }
0x1b4: {  	[spmem:s3] =	stream.indirect.scatter.add.f32 [tilespmem:s6], [sflag:$0x4], $0x10, s22, s24, $0xb8;
	[tilespmem:$0x1CD00] =	vst v63  }
0x1b5: {  	_ = 	snop  }
0x1b6: {  	[spmem:s4] =	stream.indirect.scatter.add.f32 [tilespmem:s20], [sflag:$0x4], $0x10, s22, s24, $0xb8;
	[tilespmem:$0x1CD00] =	vst v63  }
0x1b7: {  	_ =	swait.ge [sflag:s29], $0x2000  }
0x1b8: {  	[sflag:s29] =	ssyncset.done $0x0  }
0x1b9: {  	s8 =	rddreg [dreg:$0x9];
	[sflag:s29] =	ssyncadd.s32 $0xFFFFE000  }
0x1ba: {  	[tilespmem:s25], [sflag:$0x1] =	stream.indirect.gather [hbm4b:s11+s24], $0x40, s8, s24, $0xb8;
	[tilespmem:$0x1CD00] =	vst v63  }
0x1bb: {  	_ =	swait.ge [sflag:s30], $0x2000  }
0x1bc: {  	[sflag:s30] =	ssyncset.done $0x0  }
0x1bd: {  	[sflag:s30] =	ssyncadd.s32 $0xFFFFE000  }
0x1be: {  	[spmem:s2] =	stream.indirect.scatter.add.f32 [tilespmem:s26], [sflag:$0x3], $0x40, s24, s24, $0xb8;
	[tilespmem:$0x1CD00] =	vst v63  }
0x1bf: {  	s8 =	simm.s32 $0x1080;
	s6 =	rddreg [dreg:$0xa]  }
0x1c0: {  	[spmem:s3] =	stream.indirect.scatter.add.f32 [tilespmem:s6], [sflag:$0x4], $0x10, s8, s24, $0xb8;
	[tilespmem:$0x1CD00] =	vst v63  }
0x1c1: {  	_ = 	snop  }
0x1c2: {  	[spmem:s4] =	stream.indirect.scatter.add.f32 [tilespmem:s20], [sflag:$0x4], $0x10, s8, s24, $0xb8;
	[tilespmem:$0x1CD00] =	vst v63  }
0x1c3: {  	_ =	swait.ge [sflag:s29], $0x2000  }
0x1c4: {  	[sflag:s29] =	ssyncset.done $0x0  }
0x1c5: {  	s6 =	rddreg [dreg:$0xb];
	[sflag:s29] =	ssyncadd.s32 $0xFFFFE000  }
0x1c6: {  	[tilespmem:s26], [sflag:$0x2] =	stream.indirect.gather [hbm4b:s11+s24], $0x40, s6, s24, $0xb8;
	[tilespmem:$0x1CD00] =	vst v63  }
0x1c7: {  	_ =	swait.ge [sflag:s28], $0x2000  }
0x1c8: {  	[sflag:s28] =	ssyncset.done $0x0  }
0x1c9: {  	s8 =	rddreg [dreg:$0xc];
	[sflag:s28] =	ssyncadd.s32 $0xFFFFE000  }
0x1ca: {  	[spmem:s2] =	stream.indirect.scatter.add.f32 [tilespmem:s25], [sflag:$0x3], $0x40, s8, s24, $0xb8;
	[tilespmem:$0x1CD00] =	vst v63  }
0x1cb: {  	s6 =	rddreg [dreg:$0xd];
	s8 =	simm.s32 $0x1100  }
0x1cc: {  	[spmem:s3] =	stream.indirect.scatter.add.f32 [tilespmem:s6], [sflag:$0x4], $0x10, s8, s24, $0xb8;
	[tilespmem:$0x1CD00] =	vst v63  }
0x1cd: {  	_ = 	snop  }
0x1ce: {  	[spmem:s4] =	stream.indirect.scatter.add.f32 [tilespmem:s20], [sflag:$0x4], $0x10, s8, s24, $0xb8;
	[tilespmem:$0x1CD00] =	vst v63  }
0x1cf: {  	_ =	swait.ge [sflag:s29], $0x2000  }
0x1d0: {  	[sflag:s29] =	ssyncset.done $0x0  }
0x1d1: {  	s6 =	rddreg [dreg:$0xe];
	[sflag:s29] =	ssyncadd.s32 $0xFFFFE000  }
0x1d2: {  	[tilespmem:s25], [sflag:$0x1] =	stream.indirect.gather [hbm4b:s11+s24], $0x40, s6, s24, $0xb8;
	[tilespmem:$0x1CD00] =	vst v63  }
0x1d3: {  	_ =	swait.ge [sflag:s30], $0x2000  }
0x1d4: {  	[sflag:s30] =	ssyncset.done $0x0  }
0x1d5: {  	s8 =	rddreg [dreg:$0xf];
	[sflag:s30] =	ssyncadd.s32 $0xFFFFE000  }
0x1d6: {  	[spmem:s2] =	stream.indirect.scatter.add.f32 [tilespmem:s26], [sflag:$0x3], $0x40, s8, s24, $0xb8;
	[tilespmem:$0x1CD00] =	vst v63  }
0x1d7: {  	s6 =	rddreg [dreg:$0x10];
	s8 =	simm.s32 $0x1180  }
0x1d8: {  	[spmem:s3] =	stream.indirect.scatter.add.f32 [tilespmem:s6], [sflag:$0x4], $0x10, s8, s24, $0xb8;
	[tilespmem:$0x1CD00] =	vst v63  }
0x1d9: {  	_ = 	snop  }
0x1da: {  	[spmem:s4] =	stream.indirect.scatter.add.f32 [tilespmem:s20], [sflag:$0x4], $0x10, s8, s24, $0xb8;
	[tilespmem:$0x1CD00] =	vst v63  }
0x1db: {  	_ =	swait.ge [sflag:s29], $0x2000  }
0x1dc: {  	[sflag:s29] =	ssyncset.done $0x0  }
0x1dd: {  	s6 =	rddreg [dreg:$0x11];
	[sflag:s29] =	ssyncadd.s32 $0xFFFFE000  }
0x1de: {  	[tilespmem:s26], [sflag:$0x2] =	stream.indirect.gather [hbm4b:s11+s24], $0x40, s6, s24, $0xb8;
	[tilespmem:$0x1CD00] =	vst v63  }
0x1df: {  	_ =	swait.ge [sflag:s28], $0x2000  }
0x1e0: {  	[sflag:s28] =	ssyncset.done $0x0  }
0x1e1: {  	s8 =	rddreg [dreg:$0x12];
	[sflag:s28] =	ssyncadd.s32 $0xFFFFE000  }
0x1e2: {  	[spmem:s2] =	stream.indirect.scatter.add.f32 [tilespmem:s25], [sflag:$0x3], $0x40, s8, s24, $0xb8;
	[tilespmem:$0x1CD00] =	vst v63  }
0x1e3: {  	s6 =	rddreg [dreg:$0x13];
	s8 =	simm.s32 $0x1200  }
0x1e4: {  	[spmem:s3] =	stream.indirect.scatter.add.f32 [tilespmem:s6], [sflag:$0x4], $0x10, s8, s24, $0xb8;
	[tilespmem:$0x1CD00] =	vst v63  }
0x1e5: {  	_ = 	snop  }
0x1e6: {  	[spmem:s4] =	stream.indirect.scatter.add.f32 [tilespmem:s20], [sflag:$0x4], $0x10, s8, s24, $0xb8;
	[tilespmem:$0x1CD00] =	vst v63  }
0x1e7: {  	_ =	swait.ge [sflag:s29], $0x2000  }
0x1e8: {  	[sflag:s29] =	ssyncset.done $0x0  }
0x1e9: {  	s6 =	rddreg [dreg:$0x14];
	[sflag:s29] =	ssyncadd.s32 $0xFFFFE000  }
0x1ea: {  	[tilespmem:s25], [sflag:$0x1] =	stream.indirect.gather [hbm4b:s11+s24], $0x40, s6, s24, $0xb8;
	[tilespmem:$0x1CD00] =	vst v63  }
0x1eb: {  	_ =	swait.ge [sflag:s30], $0x2000  }
0x1ec: {  	[sflag:s30] =	ssyncset.done $0x0  }
0x1ed: {  	s8 =	rddreg [dreg:$0x15];
	[sflag:s30] =	ssyncadd.s32 $0xFFFFE000  }
0x1ee: {  	[spmem:s2] =	stream.indirect.scatter.add.f32 [tilespmem:s26], [sflag:$0x3], $0x40, s8, s24, $0xb8;
	[tilespmem:$0x1CD00] =	vst v63  }
0x1ef: {  	s6 =	rddreg [dreg:$0x16];
	s8 =	simm.s32 $0x1280  }
0x1f0: {  	[spmem:s3] =	stream.indirect.scatter.add.f32 [tilespmem:s6], [sflag:$0x4], $0x10, s8, s24, $0xb8;
	[tilespmem:$0x1CD00] =	vst v63  }
0x1f1: {  	_ = 	snop  }
0x1f2: {  	[spmem:s4] =	stream.indirect.scatter.add.f32 [tilespmem:s20], [sflag:$0x4], $0x10, s8, s24, $0xb8;
	[tilespmem:$0x1CD00] =	vst v63  }
0x1f3: {  	_ =	swait.ge [sflag:s29], $0x2000  }
0x1f4: {  	[sflag:s29] =	ssyncset.done $0x0  }
0x1f5: {  	s8 =	rddreg [dreg:$0x17];
	[sflag:s29] =	ssyncadd.s32 $0xFFFFE000  }
0x1f6: {  	[tilespmem:s26], [sflag:$0x2] =	stream.indirect.gather [hbm4b:s11+s24], $0x40, s8, s24, $0xb8;
	[tilespmem:$0x1CD00] =	vst v63  }
0x1f7: {  	_ =	swait.ge [sflag:s28], $0x2000  }
0x1f8: {  	[sflag:s28] =	ssyncset.done $0x0  }
0x1f9: {  	s6 =	rddreg [dreg:$0x18];
	[sflag:s28] =	ssyncadd.s32 $0xFFFFE000  }
0x1fa: {  	[spmem:s2] =	stream.indirect.scatter.add.f32 [tilespmem:s25], [sflag:$0x3], $0x40, s6, s24, $0xb8;
	[tilespmem:$0x1CD00] =	vst v63  }
0x1fb: {  	s8 =	rddreg [dreg:$0x19]  }
0x1fc: {  	[spmem:s3] =	stream.indirect.scatter.add.f32 [tilespmem:s8], [sflag:$0x4], $0x10, s10, s24, $0xb8;
	[tilespmem:$0x1CD00] =	vst v63  }
0x1fd: {  	_ = 	snop  }
0x1fe: {  	[spmem:s4] =	stream.indirect.scatter.add.f32 [tilespmem:s20], [sflag:$0x4], $0x10, s10, s24, $0xb8;
	[tilespmem:$0x1CD00] =	vst v63  }
0x1ff: {  	_ =	swait.ge [sflag:s29], $0x2000  }
0x200: {  	[sflag:s29] =	ssyncset.done $0x0  }
0x201: {  	s8 =	rddreg [dreg:$0x1a];
	[sflag:s29] =	ssyncadd.s32 $0xFFFFE000  }
0x202: {  	[tilespmem:s25], [sflag:$0x1] =	stream.indirect.gather [hbm4b:s11+s24], $0x40, s8, s24, $0xb8;
	[tilespmem:$0x1CD00] =	vst v63  }
0x203: {  	_ =	swait.ge [sflag:s30], $0x2000  }
0x204: {  	[sflag:s30] =	ssyncset.done $0x0  }
0x205: {  	s6 =	rddreg [dreg:$0x1b];
	[sflag:s30] =	ssyncadd.s32 $0xFFFFE000  }
0x206: {  	[spmem:s2] =	stream.indirect.scatter.add.f32 [tilespmem:s26], [sflag:$0x3], $0x40, s6, s24, $0xb8;
	[tilespmem:$0x1CD00] =	vst v63  }
0x207: {  	s8 =	rddreg [dreg:$0x1c]  }
0x208: {  	[spmem:s3] =	stream.indirect.scatter.add.f32 [tilespmem:s8], [sflag:$0x4], $0x10, s12, s24, $0xb8;
	[tilespmem:$0x1CD00] =	vst v63  }
0x209: {  	_ = 	snop  }
0x20a: {  	[spmem:s4] =	stream.indirect.scatter.add.f32 [tilespmem:s20], [sflag:$0x4], $0x10, s12, s24, $0xb8;
	[tilespmem:$0x1CD00] =	vst v63  }
0x20b: {  	_ =	swait.ge [sflag:s29], $0x2000  }
0x20c: {  	[sflag:s29] =	ssyncset.done $0x0  }
0x20d: {  	s8 =	rddreg [dreg:$0x1d];
	[sflag:s29] =	ssyncadd.s32 $0xFFFFE000  }
0x20e: {  	[tilespmem:s26], [sflag:$0x2] =	stream.indirect.gather [hbm4b:s11+s24], $0x40, s8, s24, $0xb8;
	[tilespmem:$0x1CD00] =	vst v63  }
0x20f: {  	_ =	swait.ge [sflag:s28], $0x2000  }
0x210: {  	[sflag:s28] =	ssyncset.done $0x0  }
0x211: {  	s6 =	rddreg [dreg:$0x1e];
	[sflag:s28] =	ssyncadd.s32 $0xFFFFE000  }
0x212: {  	[spmem:s2] =	stream.indirect.scatter.add.f32 [tilespmem:s25], [sflag:$0x3], $0x40, s6, s24, $0xb8;
	[tilespmem:$0x1CD00] =	vst v63  }
0x213: {  	s8 =	rddreg [dreg:$0x1f]  }
0x214: {  	[spmem:s3] =	stream.indirect.scatter.add.f32 [tilespmem:s8], [sflag:$0x4], $0x10, s13, s24, $0xb8;
	[tilespmem:$0x1CD00] =	vst v63  }
0x215: {  	_ = 	snop  }
0x216: {  	[spmem:s4] =	stream.indirect.scatter.add.f32 [tilespmem:s20], [sflag:$0x4], $0x10, s13, s24, $0xb8;
	[tilespmem:$0x1CD00] =	vst v63  }
0x217: {  	_ =	swait.ge [sflag:s29], $0x2000  }
0x218: {  	s8 =	sld [smem:$0x7E1]  }
0x219: {  	[sflag:s29] =	ssyncset.done $0x0  }
0x21a: {  	[sflag:s29] =	ssyncadd.s32 $0xFFFFE000  }
0x21b: {  	[tilespmem:s25], [sflag:$0x1] =	stream.indirect.gather [hbm4b:s11+s24], $0x40, s8, s24, $0xb8;
	[tilespmem:$0x1CD00] =	vst v63  }
0x21c: {  	_ =	swait.ge [sflag:s30], $0x2000  }
0x21d: {  	s6 =	sld [smem:$0x7E2]  }
0x21e: {  	[sflag:s30] =	ssyncset.done $0x0  }
0x21f: {  	s8 =	sld [smem:$0x7E3];
	[sflag:s30] =	ssyncadd.s32 $0xFFFFE000  }
0x220: {  	[spmem:s2] =	stream.indirect.scatter.add.f32 [tilespmem:s26], [sflag:$0x3], $0x40, s6, s24, $0xb8;
	[tilespmem:$0x1CD00] =	vst v63  }
0x221: {  	_ = 	snop  }
0x222: {  	[spmem:s3] =	stream.indirect.scatter.add.f32 [tilespmem:s8], [sflag:$0x4], $0x10, s14, s24, $0xb8;
	[tilespmem:$0x1CD00] =	vst v63  }
0x223: {  	_ = 	snop  }
0x224: {  	[spmem:s4] =	stream.indirect.scatter.add.f32 [tilespmem:s20], [sflag:$0x4], $0x10, s14, s24, $0xb8;
	[tilespmem:$0x1CD00] =	vst v63  }
0x225: {  	_ =	swait.ge [sflag:s29], $0x2000  }
0x226: {  	s8 =	sld [smem:$0x7E4]  }
0x227: {  	[sflag:s29] =	ssyncset.done $0x0  }
0x228: {  	[sflag:s29] =	ssyncadd.s32 $0xFFFFE000  }
0x229: {  	[tilespmem:s26], [sflag:$0x2] =	stream.indirect.gather [hbm4b:s11+s24], $0x40, s8, s24, $0xb8;
	[tilespmem:$0x1CD00] =	vst v63  }
0x22a: {  	_ =	swait.ge [sflag:s28], $0x2000  }
0x22b: {  	s6 =	sld [smem:$0x7E5]  }
0x22c: {  	[sflag:s28] =	ssyncset.done $0x0  }
0x22d: {  	s8 =	sld [smem:$0x7E7];
	[sflag:s28] =	ssyncadd.s32 $0xFFFFE000  }
0x22e: {  	[spmem:s2] =	stream.indirect.scatter.add.f32 [tilespmem:s25], [sflag:$0x3], $0x40, s6, s24, $0xb8;
	[tilespmem:$0x1CD00] =	vst v63  }
0x22f: {  	_ = 	snop  }
0x230: {  	[spmem:s3] =	stream.indirect.scatter.add.f32 [tilespmem:s8], [sflag:$0x4], $0x10, s15, s24, $0xb8;
	[tilespmem:$0x1CD00] =	vst v63  }
0x231: {  	_ = 	snop  }
0x232: {  	[spmem:s4] =	stream.indirect.scatter.add.f32 [tilespmem:s20], [sflag:$0x4], $0x10, s15, s24, $0xb8;
	[tilespmem:$0x1CD00] =	vst v63  }
0x233: {  	_ =	swait.ge [sflag:s29], $0x2000  }
0x234: {  	s8 =	sld [smem:$0x7E8]  }
0x235: {  	[sflag:s29] =	ssyncset.done $0x0  }
0x236: {  	[sflag:s29] =	ssyncadd.s32 $0xFFFFE000  }
0x237: {  	[tilespmem:s25], [sflag:$0x1] =	stream.indirect.gather [hbm4b:s11+s24], $0x40, s8, s24, $0xb8;
	[tilespmem:$0x1CD00] =	vst v63  }
0x238: {  	_ =	swait.ge [sflag:s30], $0x2000  }
0x239: {  	s6 =	sld [smem:$0x7EA]  }
0x23a: {  	[sflag:s30] =	ssyncset.done $0x0  }
0x23b: {  	s8 =	sld [smem:$0x7EC];
	[sflag:s30] =	ssyncadd.s32 $0xFFFFE000  }
0x23c: {  	[spmem:s2] =	stream.indirect.scatter.add.f32 [tilespmem:s26], [sflag:$0x3], $0x40, s6, s24, $0xb8;
	[tilespmem:$0x1CD00] =	vst v63  }
0x23d: {  	_ = 	snop  }
0x23e: {  	[spmem:s3] =	stream.indirect.scatter.add.f32 [tilespmem:s8], [sflag:$0x4], $0x10, s7, s24, $0xb8;
	[tilespmem:$0x1CD00] =	vst v63  }
0x23f: {  	_ = 	snop  }
0x240: {  	[spmem:s4] =	stream.indirect.scatter.add.f32 [tilespmem:s20], [sflag:$0x4], $0x10, s7, s24, $0xb8;
	[tilespmem:$0x1CD00] =	vst v63  }
0x241: {  	_ =	swait.ge [sflag:s29], $0x2000  }
0x242: {  	s8 =	sld [smem:$0x7EE]  }
0x243: {  	[sflag:s29] =	ssyncset.done $0x0  }
0x244: {  	[sflag:s29] =	ssyncadd.s32 $0xFFFFE000  }
0x245: {  	[tilespmem:s26], [sflag:$0x2] =	stream.indirect.gather [hbm4b:s11+s24], $0x40, s8, s24, $0xb8;
	[tilespmem:$0x1CD00] =	vst v63  }
0x246: {  	_ =	swait.ge [sflag:s28], $0x2000  }
0x247: {  	s6 =	sld [smem:$0x7F0]  }
0x248: {  	[sflag:s28] =	ssyncset.done $0x0  }
0x249: {  	s8 =	sld [smem:$0x7F2];
	[sflag:s28] =	ssyncadd.s32 $0xFFFFE000  }
0x24a: {  	[spmem:s2] =	stream.indirect.scatter.add.f32 [tilespmem:s25], [sflag:$0x3], $0x40, s6, s24, $0xb8;
	[tilespmem:$0x1CD00] =	vst v63  }
0x24b: {  	_ = 	snop  }
0x24c: {  	[spmem:s3] =	stream.indirect.scatter.add.f32 [tilespmem:s8], [sflag:$0x4], $0x10, s17, s24, $0xb8;
	[tilespmem:$0x1CD00] =	vst v63  }
0x24d: {  	_ = 	snop  }
0x24e: {  	[spmem:s4] =	stream.indirect.scatter.add.f32 [tilespmem:s20], [sflag:$0x4], $0x10, s17, s24, $0xb8;
	[tilespmem:$0x1CD00] =	vst v63  }
0x24f: {  	_ =	swait.ge [sflag:s29], $0x2000  }
0x250: {  	s8 =	sld [smem:$0x7F3]  }
0x251: {  	[sflag:s29] =	ssyncset.done $0x0  }
0x252: {  	[sflag:s29] =	ssyncadd.s32 $0xFFFFE000  }
0x253: {  	[tilespmem:s25], [sflag:$0x1] =	stream.indirect.gather [hbm4b:s11+s24], $0x40, s8, s24, $0xb8;
	[tilespmem:$0x1CD00] =	vst v63  }
0x254: {  	_ =	swait.ge [sflag:s30], $0x2000  }
0x255: {  	s6 =	sld [smem:$0x7F4]  }
0x256: {  	[sflag:s30] =	ssyncset.done $0x0  }
0x257: {  	s8 =	sld [smem:$0x7F5];
	[sflag:s30] =	ssyncadd.s32 $0xFFFFE000  }
0x258: {  	[spmem:s2] =	stream.indirect.scatter.add.f32 [tilespmem:s26], [sflag:$0x3], $0x40, s6, s24, $0xb8;
	[tilespmem:$0x1CD00] =	vst v63  }
0x259: {  	_ = 	snop  }
0x25a: {  	[spmem:s3] =	stream.indirect.scatter.add.f32 [tilespmem:s8], [sflag:$0x4], $0x10, s19, s24, $0xb8;
	[tilespmem:$0x1CD00] =	vst v63  }
0x25b: {  	_ = 	snop  }
0x25c: {  	[spmem:s4] =	stream.indirect.scatter.add.f32 [tilespmem:s20], [sflag:$0x4], $0x10, s19, s24, $0xb8;
	[tilespmem:$0x1CD00] =	vst v63  }
0x25d: {  	_ =	swait.ge [sflag:s29], $0x2000  }
0x25e: {  	s8 =	sld [smem:$0x7F6]  }
0x25f: {  	[sflag:s29] =	ssyncset.done $0x0  }
0x260: {  	[sflag:s29] =	ssyncadd.s32 $0xFFFFE000  }
0x261: {  	[tilespmem:s26], [sflag:$0x2] =	stream.indirect.gather [hbm4b:s11+s24], $0x40, s8, s24, $0xb8;
	[tilespmem:$0x1CD00] =	vst v63  }
0x262: {  	_ =	swait.ge [sflag:s28], $0x2000  }
0x263: {  	s6 =	sld [smem:$0x7F7]  }
0x264: {  	[sflag:s28] =	ssyncset.done $0x0  }
0x265: {  	s8 =	sld [smem:$0x7F8];
	[sflag:s28] =	ssyncadd.s32 $0xFFFFE000  }
0x266: {  	[spmem:s2] =	stream.indirect.scatter.add.f32 [tilespmem:s25], [sflag:$0x3], $0x40, s6, s24, $0xb8;
	[tilespmem:$0x1CD00] =	vst v63  }
0x267: {  	_ = 	snop  }
0x268: {  	[spmem:s3] =	stream.indirect.scatter.add.f32 [tilespmem:s8], [sflag:$0x4], $0x10, s16, s24, $0xb8;
	[tilespmem:$0x1CD00] =	vst v63  }
0x269: {  	_ = 	snop  }
0x26a: {  	[spmem:s4] =	stream.indirect.scatter.add.f32 [tilespmem:s20], [sflag:$0x4], $0x10, s16, s24, $0xb8;
	[tilespmem:$0x1CD00] =	vst v63  }
0x26b: {  	_ =	swait.ge [sflag:s30], $0x2000  }
0x26c: {  	s6 =	sld [smem:$0x7F9]  }
0x26d: {  	[sflag:s30] =	ssyncset.done $0x0  }
0x26e: {  	[sflag:s30] =	ssyncadd.s32 $0xFFFFE000  }
0x26f: {  	[spmem:s2] =	stream.indirect.scatter.add.f32 [tilespmem:s26], [sflag:$0x3], $0x40, s6, s24, $0xb8;
	[tilespmem:$0x1CD00] =	vst v63  }
0x270: {  	_ =	swait.ge [sflag:s29], $0x2000  }
0x271: {  	s8 =	sld [smem:$0x7FA]  }
0x272: {  	[sflag:s29] =	ssyncset.done $0x0  }
0x273: {  	[sflag:s29] =	ssyncadd.s32 $0xFFFFE000  }
0x274: {  	[spmem:s3] =	stream.indirect.scatter.add.f32 [tilespmem:s8], [sflag:$0x4], $0x10, s9, s24, $0xb8;
	[tilespmem:$0x1CD00] =	vst v63  }
0x275: {  	_ = 	snop  }
0x276: {  	[spmem:s4] =	stream.indirect.scatter.add.f32 [tilespmem:s20], [sflag:$0x4], $0x10, s9, s24, $0xb8;
	[tilespmem:$0x1CD00] =	vst v63  }
0x277: {  	_ =	swait.ge [sflag:s29], $0x2000  }
0x278: {  	[sflag:s29] =	ssyncset.done $0x0  }
0x279: {  	[sflag:s29] =	ssyncadd.s32 $0xFFFFE000  }
0x27a: {  	_ =	swait.ge [sflag:s21], $0x800  }
0x27b: {  	[sflag:s21] =	ssyncset.done $0x0  }
0x27c: {  	[sflag:s21] =	ssyncadd.s32 $0xFFFFF800  }
0x27d: {  	_ =	swait.ge [sflag:s21], $0x800  }
0x27e: {  	[sflag:s21] =	ssyncset.done $0x0  }
0x27f: {  	[sflag:s21] =	ssyncadd.s32 $0xFFFFF800  }
0x280: {  	_ =	swait.ge [sflag:s21], $0x800  }
0x281: {  	[sflag:s21] =	ssyncset.done $0x0  }
0x282: {  	[sflag:s21] =	ssyncadd.s32 $0xFFFFF800  }
0x283: {  	_ =	swait.ge [sflag:s21], $0x800  }
0x284: {  	[sflag:s21] =	ssyncset.done $0x0  }
0x285: {  	[sflag:s21] =	ssyncadd.s32 $0xFFFFF800  }
0x286: {  	_ =	swait.ge [sflag:s21], $0x800  }
0x287: {  	[sflag:s21] =	ssyncset.done $0x0  }
0x288: {  	[sflag:s21] =	ssyncadd.s32 $0xFFFFF800  }
0x289: {  	_ =	swait.ge [sflag:s21], $0x800  }
0x28a: {  	[sflag:s21] =	ssyncset.done $0x0  }
0x28b: {  	[sflag:s21] =	ssyncadd.s32 $0xFFFFF800  }
0x28c: {  	_ =	swait.ge [sflag:s21], $0x800  }
0x28d: {  	[sflag:s21] =	ssyncset.done $0x0  }
0x28e: {  	[sflag:s21] =	ssyncadd.s32 $0xFFFFF800  }
0x28f: {  	_ =	swait.ge [sflag:s21], $0x800  }
0x290: {  	[sflag:s21] =	ssyncset.done $0x0  }
0x291: {  	[sflag:s21] =	ssyncadd.s32 $0xFFFFF800  }
0x292: {  	_ =	swait.ge [sflag:s21], $0x800  }
0x293: {  	[sflag:s21] =	ssyncset.done $0x0  }
0x294: {  	[sflag:s21] =	ssyncadd.s32 $0xFFFFF800  }
0x295: {  	_ =	swait.ge [sflag:s21], $0x800  }
0x296: {  	[sflag:s21] =	ssyncset.done $0x0  }
0x297: {  	[sflag:s21] =	ssyncadd.s32 $0xFFFFF800  }
0x298: {  	_ =	swait.ge [sflag:s21], $0x800  }
0x299: {  	[sflag:s21] =	ssyncset.done $0x0  }
0x29a: {  	[sflag:s21] =	ssyncadd.s32 $0xFFFFF800  }
0x29b: {  	_ =	swait.ge [sflag:s21], $0x800  }
0x29c: {  	[sflag:s21] =	ssyncset.done $0x0  }
0x29d: {  	[sflag:s21] =	ssyncadd.s32 $0xFFFFF800  }
0x29e: {  	_ =	swait.ge [sflag:s21], $0x800  }
0x29f: {  	[sflag:s21] =	ssyncset.done $0x0  }
0x2a0: {  	[sflag:s21] =	ssyncadd.s32 $0xFFFFF800  }
0x2a1: {  	_ =	swait.ge [sflag:s21], $0x800  }
0x2a2: {  	[sflag:s21] =	ssyncset.done $0x0  }
0x2a3: {  	[sflag:s21] =	ssyncadd.s32 $0xFFFFF800  }
0x2a4: {  	_ =	swait.ge [sflag:s21], $0x800  }
0x2a5: {  	[sflag:s21] =	ssyncset.done $0x0  }
0x2a6: {  	[sflag:s21] =	ssyncadd.s32 $0xFFFFF800  }
0x2a7: {  	_ =	swait.ge [sflag:s21], $0x800  }
0x2a8: {  	[sflag:s21] =	ssyncset.done $0x0  }
0x2a9: {  	[sflag:s21] =	ssyncadd.s32 $0xFFFFF800  }
0x2aa: {  	_ =	swait.ge [sflag:s21], $0x800  }
0x2ab: {  	[sflag:s21] =	ssyncset.done $0x0  }
0x2ac: {  	[sflag:s21] =	ssyncadd.s32 $0xFFFFF800  }
0x2ad: {  	_ =	swait.ge [sflag:s21], $0x800  }
0x2ae: {  	[sflag:s21] =	ssyncset.done $0x0  }
0x2af: {  	[sflag:s21] =	ssyncadd.s32 $0xFFFFF800  }
0x2b0: {  	_ =	swait.ge [sflag:s21], $0x800  }
0x2b1: {  	[sflag:s21] =	ssyncset.done $0x0  }
0x2b2: {  	[sflag:s21] =	ssyncadd.s32 $0xFFFFF800  }
0x2b3: {  	_ =	swait.ge [sflag:s21], $0x800  }
0x2b4: {  	[sflag:s21] =	ssyncset.done $0x0  }
0x2b5: {  	[sflag:s21] =	ssyncadd.s32 $0xFFFFF800  }
0x2b6: {  	_ =	swait.ge [sflag:s21], $0x800  }
0x2b7: {  	[sflag:s21] =	ssyncset.done $0x0  }
0x2b8: {  	[sflag:s21] =	ssyncadd.s32 $0xFFFFF800  }
0x2b9: {  	_ =	swait.ge [sflag:s21], $0x800  }
0x2ba: {  	[sflag:s21] =	ssyncset.done $0x0  }
0x2bb: {  	[sflag:s21] =	ssyncadd.s32 $0xFFFFF800  }
0x2bc: {  	_ =	swait.ge [sflag:s21], $0x800  }
0x2bd: {  	[sflag:s21] =	ssyncset.done $0x0  }
0x2be: {  	[sflag:s21] =	ssyncadd.s32 $0xFFFFF800  }
0x2bf: {  	_ =	swait.ge [sflag:s21], $0x800  }
0x2c0: {  	[sflag:s21] =	ssyncset.done $0x0  }
0x2c1: {  	[sflag:s21] =	ssyncadd.s32 $0xFFFFF800  }
0x2c2: {  	_ =	swait.ge [sflag:s21], $0x800  }
0x2c3: {  	[sflag:s21] =	ssyncset.done $0x0  }
0x2c4: {  	[sflag:s21] =	ssyncadd.s32 $0xFFFFF800  }
0x2c5: {  	_ =	swait.ge [sflag:s21], $0x800  }
0x2c6: {  	[sflag:s21] =	ssyncset.done $0x0  }
0x2c7: {  	[sflag:s21] =	ssyncadd.s32 $0xFFFFF800  }
0x2c8: {  	_ =	swait.ge [sflag:s21], $0x800  }
0x2c9: {  	[sflag:s21] =	ssyncset.done $0x0  }
0x2ca: {  	[sflag:s21] =	ssyncadd.s32 $0xFFFFF800  }
0x2cb: {  	_ =	swait.ge [sflag:s21], $0x800  }
0x2cc: {  	[sflag:s21] =	ssyncset.done $0x0  }
0x2cd: {  	[sflag:s21] =	ssyncadd.s32 $0xFFFFF800  }
0x2ce: {  	_ =	swait.ge [sflag:s21], $0x800  }
0x2cf: {  	[sflag:s21] =	ssyncset.done $0x0  }
0x2d0: {  	[sflag:s21] =	ssyncadd.s32 $0xFFFFF800  }
0x2d1: {  	_ =	swait.ge [sflag:s21], $0x800  }
0x2d2: {  	[sflag:s21] =	ssyncset.done $0x0  }
0x2d3: {  	p0 =	sne.s32 s1, $0x900;
	[sflag:s21] =	ssyncadd.s32 $0xFFFFF800  }
.Ltmp0:
0x2d4: {  	_ =	swait.ge [sflag:s21], $0x800;
	(pc) =	sbr.rel @p0 .LBB2_2-.Ltmp0, $4  }
0x2d5: {  	[sflag:s21] =	ssyncset.done $0x0  }
0x2d6: {  	[sflag:s21] =	ssyncadd.s32 $0xFFFFF800  }
0x2d7: {  	_ =	swait.ge [sflag:s21], $0x800  }
0x2d8: {  	s1 =	sadd.s32 $0x100, s1;
	s0 =	rddreg [dreg:$0x7];
	[sflag:s21] =	ssyncset.done $0x0  }
0x2d9: {  	[sflag:s21] =	ssyncadd.s32 $0xFFFFF800;
	s0 =	sadd.s32 s31, s0  }
0x2da: {  	[tilespmem:s5], [sflag:$0x5] =	stream.linear.gather [hbm4b:s0+s5], $0x800, $0x38;
	[tilespmem:$0x1CD00] =	vst v63  }
0x2db: {  	_ =	swait.ge [sflag:s18], $0x800  }
0x2dc: {  	[sflag:s18] =	ssyncset.done $0x0  }
0x2dd: {  	s1 =	simm.s32 $0x800;
	s0 =	sadd.s32 $0xA000, s0;
	[sflag:s18] =	ssyncadd.s32 $0xFFFFF800  }
0x2de: {  	[tilespmem:s1], [sflag:$0x5] =	stream.linear.gather [hbm4b:s0+s5], $0x800, $0x38;
	[tilespmem:$0x1CD00] =	vst v63  }
0x2df: {  	_ =	swait.ge [sflag:s18], $0x800  }
0x2e0: {  	s8 =	rddreg [dreg:$0x6];
	[sflag:s18] =	ssyncset.done $0x0  }
0x2e1: {  	s0 =	sadd.s32 s31, s8;
	[sflag:s18] =	ssyncadd.s32 $0xFFFFF800  }
0x2e2: {  	[tilespmem:s22], [sflag:$0x5] =	stream.linear.gather [hbm4b:s0+s5], $0x800, $0x38;
	[tilespmem:$0x1CD00] =	vst v63  }
0x2e3: {  	_ =	swait.ge [sflag:s18], $0x800  }
0x2e4: {  	[sflag:s18] =	ssyncset.done $0x0  }
0x2e5: {  	s23 =	sadd.s32 $0x1000, s23;
	s6 =	simm.s32 $0x1800;
	[sflag:s18] =	ssyncadd.s32 $0xFFFFF800  }
0x2e6: {  	[tilespmem:s6], [sflag:$0x5] =	stream.linear.gather [hbm4b:s23+s5], $0x8000, $0x38;
	[tilespmem:$0x1CD00] =	vst v63  }
0x2e7: {  	_ =	swait.ge [sflag:s18], $0x8000  }
0x2e8: {  	[sflag:s18] =	ssyncset.done $0x0  }
0x2e9: {  	[sflag:s18] =	ssyncadd.s32 $0xFFFF8000  }
0x2ea: {  	[tilespmem:s25], [sflag:$0x1] =	stream.indirect.gather [hbm4b:s11+s24], $0x40, s1, s24, $0xb8;
	[tilespmem:$0x1CD00] =	vst v63  }
0x2eb: {  	s31 =	rddreg [dreg:$0x8]  }
0x2ec: {  	[tilespmem:s26], [sflag:$0x2] =	stream.indirect.gather [hbm4b:s11+s24], $0x40, s31, s24, $0xb8;
	[tilespmem:$0x1CD00] =	vst v63  }
0x2ed: {  	_ =	swait.ge [sflag:s28], $0x2000  }
0x2ee: {  	[sflag:s28] =	ssyncset.done $0x0  }
0x2ef: {  	[sflag:s28] =	ssyncadd.s32 $0xFFFFE000  }
0x2f0: {  	[spmem:s2] =	stream.indirect.scatter.add.f32 [tilespmem:s25], [sflag:$0x3], $0x40, s5, s24, $0xb8;
	[tilespmem:$0x1CD00] =	vst v63  }
0x2f1: {  	_ = 	snop  }
0x2f2: {  	[spmem:s3] =	stream.indirect.scatter.add.f32 [tilespmem:s6], [sflag:$0x4], $0x10, s22, s24, $0xb8;
	[tilespmem:$0x1CD00] =	vst v63  }
0x2f3: {  	_ = 	snop  }
0x2f4: {  	[spmem:s4] =	stream.indirect.scatter.add.f32 [tilespmem:s20], [sflag:$0x4], $0x10, s22, s24, $0xb8;
	[tilespmem:$0x1CD00] =	vst v63  }
0x2f5: {  	_ =	swait.ge [sflag:s29], $0x2000  }
0x2f6: {  	[sflag:s29] =	ssyncset.done $0x0  }
0x2f7: {  	s8 =	rddreg [dreg:$0x9];
	[sflag:s29] =	ssyncadd.s32 $0xFFFFE000  }
0x2f8: {  	[tilespmem:s25], [sflag:$0x1] =	stream.indirect.gather [hbm4b:s11+s24], $0x40, s8, s24, $0xb8;
	[tilespmem:$0x1CD00] =	vst v63  }
0x2f9: {  	_ =	swait.ge [sflag:s30], $0x2000  }
0x2fa: {  	[sflag:s30] =	ssyncset.done $0x0  }
0x2fb: {  	[sflag:s30] =	ssyncadd.s32 $0xFFFFE000  }
0x2fc: {  	[spmem:s2] =	stream.indirect.scatter.add.f32 [tilespmem:s26], [sflag:$0x3], $0x40, s24, s24, $0xb8;
	[tilespmem:$0x1CD00] =	vst v63  }
0x2fd: {  	s31 =	simm.s32 $0x1080;
	s23 =	rddreg [dreg:$0xa]  }
0x2fe: {  	[spmem:s3] =	stream.indirect.scatter.add.f32 [tilespmem:s23], [sflag:$0x4], $0x10, s31, s24, $0xb8;
	[tilespmem:$0x1CD00] =	vst v63  }
0x2ff: {  	_ = 	snop  }
0x300: {  	[spmem:s4] =	stream.indirect.scatter.add.f32 [tilespmem:s20], [sflag:$0x4], $0x10, s31, s24, $0xb8;
	[tilespmem:$0x1CD00] =	vst v63  }
0x301: {  	_ =	swait.ge [sflag:s29], $0x2000  }
0x302: {  	[sflag:s29] =	ssyncset.done $0x0  }
0x303: {  	s6 =	rddreg [dreg:$0xb];
	[sflag:s29] =	ssyncadd.s32 $0xFFFFE000  }
0x304: {  	[tilespmem:s26], [sflag:$0x2] =	stream.indirect.gather [hbm4b:s11+s24], $0x40, s6, s24, $0xb8;
	[tilespmem:$0x1CD00] =	vst v63  }
0x305: {  	_ =	swait.ge [sflag:s28], $0x2000  }
0x306: {  	[sflag:s28] =	ssyncset.done $0x0  }
0x307: {  	s8 =	rddreg [dreg:$0xc];
	[sflag:s28] =	ssyncadd.s32 $0xFFFFE000  }
0x308: {  	[spmem:s2] =	stream.indirect.scatter.add.f32 [tilespmem:s25], [sflag:$0x3], $0x40, s8, s24, $0xb8;
	[tilespmem:$0x1CD00] =	vst v63  }
0x309: {  	s31 =	simm.s32 $0x1100;
	s23 =	rddreg [dreg:$0xd]  }
0x30a: {  	[spmem:s3] =	stream.indirect.scatter.add.f32 [tilespmem:s23], [sflag:$0x4], $0x10, s31, s24, $0xb8;
	[tilespmem:$0x1CD00] =	vst v63  }
0x30b: {  	_ = 	snop  }
0x30c: {  	[spmem:s4] =	stream.indirect.scatter.add.f32 [tilespmem:s20], [sflag:$0x4], $0x10, s31, s24, $0xb8;
	[tilespmem:$0x1CD00] =	vst v63  }
0x30d: {  	_ =	swait.ge [sflag:s29], $0x2000  }
0x30e: {  	[sflag:s29] =	ssyncset.done $0x0  }
0x30f: {  	s6 =	rddreg [dreg:$0xe];
	[sflag:s29] =	ssyncadd.s32 $0xFFFFE000  }
0x310: {  	[tilespmem:s25], [sflag:$0x1] =	stream.indirect.gather [hbm4b:s11+s24], $0x40, s6, s24, $0xb8;
	[tilespmem:$0x1CD00] =	vst v63  }
0x311: {  	_ =	swait.ge [sflag:s30], $0x2000  }
0x312: {  	[sflag:s30] =	ssyncset.done $0x0  }
0x313: {  	s8 =	rddreg [dreg:$0xf];
	[sflag:s30] =	ssyncadd.s32 $0xFFFFE000  }
0x314: {  	[spmem:s2] =	stream.indirect.scatter.add.f32 [tilespmem:s26], [sflag:$0x3], $0x40, s8, s24, $0xb8;
	[tilespmem:$0x1CD00] =	vst v63  }
0x315: {  	s31 =	simm.s32 $0x1180;
	s23 =	rddreg [dreg:$0x10]  }
0x316: {  	[spmem:s3] =	stream.indirect.scatter.add.f32 [tilespmem:s23], [sflag:$0x4], $0x10, s31, s24, $0xb8;
	[tilespmem:$0x1CD00] =	vst v63  }
0x317: {  	_ = 	snop  }
0x318: {  	[spmem:s4] =	stream.indirect.scatter.add.f32 [tilespmem:s20], [sflag:$0x4], $0x10, s31, s24, $0xb8;
	[tilespmem:$0x1CD00] =	vst v63  }
0x319: {  	_ =	swait.ge [sflag:s29], $0x2000  }
0x31a: {  	[sflag:s29] =	ssyncset.done $0x0  }
0x31b: {  	s6 =	rddreg [dreg:$0x11];
	[sflag:s29] =	ssyncadd.s32 $0xFFFFE000  }
0x31c: {  	[tilespmem:s26], [sflag:$0x2] =	stream.indirect.gather [hbm4b:s11+s24], $0x40, s6, s24, $0xb8;
	[tilespmem:$0x1CD00] =	vst v63  }
0x31d: {  	_ =	swait.ge [sflag:s28], $0x2000  }
0x31e: {  	[sflag:s28] =	ssyncset.done $0x0  }
0x31f: {  	s8 =	rddreg [dreg:$0x12];
	[sflag:s28] =	ssyncadd.s32 $0xFFFFE000  }
0x320: {  	[spmem:s2] =	stream.indirect.scatter.add.f32 [tilespmem:s25], [sflag:$0x3], $0x40, s8, s24, $0xb8;
	[tilespmem:$0x1CD00] =	vst v63  }
0x321: {  	s31 =	simm.s32 $0x1200;
	s23 =	rddreg [dreg:$0x13]  }
0x322: {  	[spmem:s3] =	stream.indirect.scatter.add.f32 [tilespmem:s23], [sflag:$0x4], $0x10, s31, s24, $0xb8;
	[tilespmem:$0x1CD00] =	vst v63  }
0x323: {  	_ = 	snop  }
0x324: {  	[spmem:s4] =	stream.indirect.scatter.add.f32 [tilespmem:s20], [sflag:$0x4], $0x10, s31, s24, $0xb8;
	[tilespmem:$0x1CD00] =	vst v63  }
0x325: {  	_ =	swait.ge [sflag:s29], $0x2000  }
0x326: {  	[sflag:s29] =	ssyncset.done $0x0  }
0x327: {  	s1 =	rddreg [dreg:$0x14];
	[sflag:s29] =	ssyncadd.s32 $0xFFFFE000  }
0x328: {  	[tilespmem:s25], [sflag:$0x1] =	stream.indirect.gather [hbm4b:s11+s24], $0x40, s1, s24, $0xb8;
	[tilespmem:$0x1CD00] =	vst v63  }
0x329: {  	_ =	swait.ge [sflag:s30], $0x2000  }
0x32a: {  	[sflag:s30] =	ssyncset.done $0x0  }
0x32b: {  	s6 =	rddreg [dreg:$0x15];
	[sflag:s30] =	ssyncadd.s32 $0xFFFFE000  }
0x32c: {  	[spmem:s2] =	stream.indirect.scatter.add.f32 [tilespmem:s26], [sflag:$0x3], $0x40, s6, s24, $0xb8;
	[tilespmem:$0x1CD00] =	vst v63  }
0x32d: {  	s23 =	simm.s32 $0x1280;
	s8 =	rddreg [dreg:$0x16]  }
0x32e: {  	[spmem:s3] =	stream.indirect.scatter.add.f32 [tilespmem:s8], [sflag:$0x4], $0x10, s23, s24, $0xb8;
	[tilespmem:$0x1CD00] =	vst v63  }
0x32f: {  	_ = 	snop  }
0x330: {  	[spmem:s4] =	stream.indirect.scatter.add.f32 [tilespmem:s20], [sflag:$0x4], $0x10, s23, s24, $0xb8;
	[tilespmem:$0x1CD00] =	vst v63  }
0x331: {  	_ =	swait.ge [sflag:s29], $0x2000  }
0x332: {  	[sflag:s29] =	ssyncset.done $0x0  }
0x333: {  	s31 =	rddreg [dreg:$0x17];
	[sflag:s29] =	ssyncadd.s32 $0xFFFFE000  }
0x334: {  	[tilespmem:s26], [sflag:$0x2] =	stream.indirect.gather [hbm4b:s11+s24], $0x40, s31, s24, $0xb8;
	[tilespmem:$0x1CD00] =	vst v63  }
0x335: {  	_ =	swait.ge [sflag:s28], $0x2000  }
0x336: {  	[sflag:s28] =	ssyncset.done $0x0  }
0x337: {  	s1 =	rddreg [dreg:$0x18];
	[sflag:s28] =	ssyncadd.s32 $0xFFFFE000  }
0x338: {  	[spmem:s2] =	stream.indirect.scatter.add.f32 [tilespmem:s25], [sflag:$0x3], $0x40, s1, s24, $0xb8;
	[tilespmem:$0x1CD00] =	vst v63  }
0x339: {  	s6 =	rddreg [dreg:$0x19]  }
0x33a: {  	[spmem:s3] =	stream.indirect.scatter.add.f32 [tilespmem:s6], [sflag:$0x4], $0x10, s10, s24, $0xb8;
	[tilespmem:$0x1CD00] =	vst v63  }
0x33b: {  	_ = 	snop  }
0x33c: {  	[spmem:s4] =	stream.indirect.scatter.add.f32 [tilespmem:s20], [sflag:$0x4], $0x10, s10, s24, $0xb8;
	[tilespmem:$0x1CD00] =	vst v63  }
0x33d: {  	_ =	swait.ge [sflag:s29], $0x2000  }
0x33e: {  	[sflag:s29] =	ssyncset.done $0x0  }
0x33f: {  	s8 =	rddreg [dreg:$0x1a];
	[sflag:s29] =	ssyncadd.s32 $0xFFFFE000  }
0x340: {  	[tilespmem:s25], [sflag:$0x1] =	stream.indirect.gather [hbm4b:s11+s24], $0x40, s8, s24, $0xb8;
	[tilespmem:$0x1CD00] =	vst v63  }
0x341: {  	_ =	swait.ge [sflag:s30], $0x2000  }
0x342: {  	[sflag:s30] =	ssyncset.done $0x0  }
0x343: {  	s23 =	rddreg [dreg:$0x1b];
	[sflag:s30] =	ssyncadd.s32 $0xFFFFE000  }
0x344: {  	[spmem:s2] =	stream.indirect.scatter.add.f32 [tilespmem:s26], [sflag:$0x3], $0x40, s23, s24, $0xb8;
	[tilespmem:$0x1CD00] =	vst v63  }
0x345: {  	s31 =	rddreg [dreg:$0x1c]  }
0x346: {  	[spmem:s3] =	stream.indirect.scatter.add.f32 [tilespmem:s31], [sflag:$0x4], $0x10, s12, s24, $0xb8;
	[tilespmem:$0x1CD00] =	vst v63  }
0x347: {  	_ = 	snop  }
0x348: {  	[spmem:s4] =	stream.indirect.scatter.add.f32 [tilespmem:s20], [sflag:$0x4], $0x10, s12, s24, $0xb8;
	[tilespmem:$0x1CD00] =	vst v63  }
0x349: {  	_ =	swait.ge [sflag:s29], $0x2000  }
0x34a: {  	[sflag:s29] =	ssyncset.done $0x0  }
0x34b: {  	s6 =	rddreg [dreg:$0x1d];
	[sflag:s29] =	ssyncadd.s32 $0xFFFFE000  }
0x34c: {  	[tilespmem:s26], [sflag:$0x2] =	stream.indirect.gather [hbm4b:s11+s24], $0x40, s6, s24, $0xb8;
	[tilespmem:$0x1CD00] =	vst v63  }
0x34d: {  	_ =	swait.ge [sflag:s28], $0x2000  }
0x34e: {  	[sflag:s28] =	ssyncset.done $0x0  }
0x34f: {  	s8 =	rddreg [dreg:$0x1e];
	[sflag:s28] =	ssyncadd.s32 $0xFFFFE000  }
0x350: {  	[spmem:s2] =	stream.indirect.scatter.add.f32 [tilespmem:s25], [sflag:$0x3], $0x40, s8, s24, $0xb8;
	[tilespmem:$0x1CD00] =	vst v63  }
0x351: {  	s23 =	rddreg [dreg:$0x1f]  }
0x352: {  	[spmem:s3] =	stream.indirect.scatter.add.f32 [tilespmem:s23], [sflag:$0x4], $0x10, s13, s24, $0xb8;
	[tilespmem:$0x1CD00] =	vst v63  }
0x353: {  	_ = 	snop  }
0x354: {  	[spmem:s4] =	stream.indirect.scatter.add.f32 [tilespmem:s20], [sflag:$0x4], $0x10, s13, s24, $0xb8;
	[tilespmem:$0x1CD00] =	vst v63  }
0x355: {  	_ =	swait.ge [sflag:s29], $0x2000  }
0x356: {  	s31 =	sld [smem:$0x7E1]  }
0x357: {  	[sflag:s29] =	ssyncset.done $0x0  }
0x358: {  	[sflag:s29] =	ssyncadd.s32 $0xFFFFE000  }
0x359: {  	[tilespmem:s25], [sflag:$0x1] =	stream.indirect.gather [hbm4b:s11+s24], $0x40, s31, s24, $0xb8;
	[tilespmem:$0x1CD00] =	vst v63  }
0x35a: {  	_ =	swait.ge [sflag:s30], $0x2000  }
0x35b: {  	s1 =	sld [smem:$0x7E2]  }
0x35c: {  	[sflag:s30] =	ssyncset.done $0x0  }
0x35d: {  	s6 =	sld [smem:$0x7E3];
	[sflag:s30] =	ssyncadd.s32 $0xFFFFE000  }
0x35e: {  	[spmem:s2] =	stream.indirect.scatter.add.f32 [tilespmem:s26], [sflag:$0x3], $0x40, s1, s24, $0xb8;
	[tilespmem:$0x1CD00] =	vst v63  }
0x35f: {  	_ = 	snop  }
0x360: {  	[spmem:s3] =	stream.indirect.scatter.add.f32 [tilespmem:s6], [sflag:$0x4], $0x10, s14, s24, $0xb8;
	[tilespmem:$0x1CD00] =	vst v63  }
0x361: {  	_ = 	snop  }
0x362: {  	[spmem:s4] =	stream.indirect.scatter.add.f32 [tilespmem:s20], [sflag:$0x4], $0x10, s14, s24, $0xb8;
	[tilespmem:$0x1CD00] =	vst v63  }
0x363: {  	_ =	swait.ge [sflag:s29], $0x2000  }
0x364: {  	s8 =	sld [smem:$0x7E4]  }
0x365: {  	[sflag:s29] =	ssyncset.done $0x0  }
0x366: {  	[sflag:s29] =	ssyncadd.s32 $0xFFFFE000  }
0x367: {  	[tilespmem:s26], [sflag:$0x2] =	stream.indirect.gather [hbm4b:s11+s24], $0x40, s8, s24, $0xb8;
	[tilespmem:$0x1CD00] =	vst v63  }
0x368: {  	_ =	swait.ge [sflag:s28], $0x2000  }
0x369: {  	s23 =	sld [smem:$0x7E5]  }
0x36a: {  	[sflag:s28] =	ssyncset.done $0x0  }
0x36b: {  	s31 =	sld [smem:$0x7E7];
	[sflag:s28] =	ssyncadd.s32 $0xFFFFE000  }
0x36c: {  	[spmem:s2] =	stream.indirect.scatter.add.f32 [tilespmem:s25], [sflag:$0x3], $0x40, s23, s24, $0xb8;
	[tilespmem:$0x1CD00] =	vst v63  }
0x36d: {  	_ = 	snop  }
0x36e: {  	[spmem:s3] =	stream.indirect.scatter.add.f32 [tilespmem:s31], [sflag:$0x4], $0x10, s15, s24, $0xb8;
	[tilespmem:$0x1CD00] =	vst v63  }
0x36f: {  	_ = 	snop  }
0x370: {  	[spmem:s4] =	stream.indirect.scatter.add.f32 [tilespmem:s20], [sflag:$0x4], $0x10, s15, s24, $0xb8;
	[tilespmem:$0x1CD00] =	vst v63  }
0x371: {  	_ =	swait.ge [sflag:s29], $0x2000  }
0x372: {  	s6 =	sld [smem:$0x7E8]  }
0x373: {  	[sflag:s29] =	ssyncset.done $0x0  }
0x374: {  	[sflag:s29] =	ssyncadd.s32 $0xFFFFE000  }
0x375: {  	[tilespmem:s25], [sflag:$0x1] =	stream.indirect.gather [hbm4b:s11+s24], $0x40, s6, s24, $0xb8;
	[tilespmem:$0x1CD00] =	vst v63  }
0x376: {  	_ =	swait.ge [sflag:s30], $0x2000  }
0x377: {  	s8 =	sld [smem:$0x7EA]  }
0x378: {  	[sflag:s30] =	ssyncset.done $0x0  }
0x379: {  	s23 =	sld [smem:$0x7EC];
	[sflag:s30] =	ssyncadd.s32 $0xFFFFE000  }
0x37a: {  	[spmem:s2] =	stream.indirect.scatter.add.f32 [tilespmem:s26], [sflag:$0x3], $0x40, s8, s24, $0xb8;
	[tilespmem:$0x1CD00] =	vst v63  }
0x37b: {  	_ = 	snop  }
0x37c: {  	[spmem:s3] =	stream.indirect.scatter.add.f32 [tilespmem:s23], [sflag:$0x4], $0x10, s7, s24, $0xb8;
	[tilespmem:$0x1CD00] =	vst v63  }
0x37d: {  	_ = 	snop  }
0x37e: {  	[spmem:s4] =	stream.indirect.scatter.add.f32 [tilespmem:s20], [sflag:$0x4], $0x10, s7, s24, $0xb8;
	[tilespmem:$0x1CD00] =	vst v63  }
0x37f: {  	_ =	swait.ge [sflag:s29], $0x2000  }
0x380: {  	s31 =	sld [smem:$0x7EE]  }
0x381: {  	[sflag:s29] =	ssyncset.done $0x0  }
0x382: {  	[sflag:s29] =	ssyncadd.s32 $0xFFFFE000  }
0x383: {  	[tilespmem:s26], [sflag:$0x2] =	stream.indirect.gather [hbm4b:s11+s24], $0x40, s31, s24, $0xb8;
	[tilespmem:$0x1CD00] =	vst v63  }
0x384: {  	_ =	swait.ge [sflag:s28], $0x2000  }
0x385: {  	s1 =	sld [smem:$0x7F0]  }
0x386: {  	[sflag:s28] =	ssyncset.done $0x0  }
0x387: {  	s6 =	sld [smem:$0x7F2];
	[sflag:s28] =	ssyncadd.s32 $0xFFFFE000  }
0x388: {  	[spmem:s2] =	stream.indirect.scatter.add.f32 [tilespmem:s25], [sflag:$0x3], $0x40, s1, s24, $0xb8;
	[tilespmem:$0x1CD00] =	vst v63  }
0x389: {  	_ = 	snop  }
0x38a: {  	[spmem:s3] =	stream.indirect.scatter.add.f32 [tilespmem:s6], [sflag:$0x4], $0x10, s17, s24, $0xb8;
	[tilespmem:$0x1CD00] =	vst v63  }
0x38b: {  	_ = 	snop  }
0x38c: {  	[spmem:s4] =	stream.indirect.scatter.add.f32 [tilespmem:s20], [sflag:$0x4], $0x10, s17, s24, $0xb8;
	[tilespmem:$0x1CD00] =	vst v63  }
0x38d: {  	_ =	swait.ge [sflag:s29], $0x2000  }
0x38e: {  	s8 =	sld [smem:$0x7F3]  }
0x38f: {  	[sflag:s29] =	ssyncset.done $0x0  }
0x390: {  	[sflag:s29] =	ssyncadd.s32 $0xFFFFE000  }
0x391: {  	[tilespmem:s25], [sflag:$0x1] =	stream.indirect.gather [hbm4b:s11+s24], $0x40, s8, s24, $0xb8;
	[tilespmem:$0x1CD00] =	vst v63  }
0x392: {  	_ =	swait.ge [sflag:s30], $0x2000  }
0x393: {  	s23 =	sld [smem:$0x7F4]  }
0x394: {  	[sflag:s30] =	ssyncset.done $0x0  }
0x395: {  	s31 =	sld [smem:$0x7F5];
	[sflag:s30] =	ssyncadd.s32 $0xFFFFE000  }
0x396: {  	[spmem:s2] =	stream.indirect.scatter.add.f32 [tilespmem:s26], [sflag:$0x3], $0x40, s23, s24, $0xb8;
	[tilespmem:$0x1CD00] =	vst v63  }
0x397: {  	_ = 	snop  }
0x398: {  	[spmem:s3] =	stream.indirect.scatter.add.f32 [tilespmem:s31], [sflag:$0x4], $0x10, s19, s24, $0xb8;
	[tilespmem:$0x1CD00] =	vst v63  }
0x399: {  	_ = 	snop  }
0x39a: {  	[spmem:s4] =	stream.indirect.scatter.add.f32 [tilespmem:s20], [sflag:$0x4], $0x10, s19, s24, $0xb8;
	[tilespmem:$0x1CD00] =	vst v63  }
0x39b: {  	_ =	swait.ge [sflag:s29], $0x2000  }
0x39c: {  	s6 =	sld [smem:$0x7F6]  }
0x39d: {  	[sflag:s29] =	ssyncset.done $0x0  }
0x39e: {  	[sflag:s29] =	ssyncadd.s32 $0xFFFFE000  }
0x39f: {  	[tilespmem:s26], [sflag:$0x2] =	stream.indirect.gather [hbm4b:s11+s24], $0x40, s6, s24, $0xb8;
	[tilespmem:$0x1CD00] =	vst v63  }
0x3a0: {  	_ =	swait.ge [sflag:s28], $0x2000  }
0x3a1: {  	s8 =	sld [smem:$0x7F7]  }
0x3a2: {  	[sflag:s28] =	ssyncset.done $0x0  }
0x3a3: {  	s23 =	sld [smem:$0x7F8];
	[sflag:s28] =	ssyncadd.s32 $0xFFFFE000  }
0x3a4: {  	[spmem:s2] =	stream.indirect.scatter.add.f32 [tilespmem:s25], [sflag:$0x3], $0x40, s8, s24, $0xb8;
	[tilespmem:$0x1CD00] =	vst v63  }
0x3a5: {  	_ = 	snop  }
0x3a6: {  	[spmem:s3] =	stream.indirect.scatter.add.f32 [tilespmem:s23], [sflag:$0x4], $0x10, s16, s24, $0xb8;
	[tilespmem:$0x1CD00] =	vst v63  }
0x3a7: {  	_ = 	snop  }
0x3a8: {  	[spmem:s4] =	stream.indirect.scatter.add.f32 [tilespmem:s20], [sflag:$0x4], $0x10, s16, s24, $0xb8;
	[tilespmem:$0x1CD00] =	vst v63  }
0x3a9: {  	_ =	swait.ge [sflag:s30], $0x2000  }
0x3aa: {  	s31 =	sld [smem:$0x7F9]  }
0x3ab: {  	[sflag:s30] =	ssyncset.done $0x0  }
0x3ac: {  	[sflag:s30] =	ssyncadd.s32 $0xFFFFE000  }
0x3ad: {  	[spmem:s2] =	stream.indirect.scatter.add.f32 [tilespmem:s26], [sflag:$0x3], $0x40, s31, s24, $0xb8;
	[tilespmem:$0x1CD00] =	vst v63  }
0x3ae: {  	_ =	swait.ge [sflag:s29], $0x2000  }
0x3af: {  	s1 =	sld [smem:$0x7FA]  }
0x3b0: {  	[sflag:s29] =	ssyncset.done $0x0  }
0x3b1: {  	[sflag:s29] =	ssyncadd.s32 $0xFFFFE000  }
0x3b2: {  	[spmem:s3] =	stream.indirect.scatter.add.f32 [tilespmem:s1], [sflag:$0x4], $0x10, s9, s24, $0xb8;
	[tilespmem:$0x1CD00] =	vst v63  }
0x3b3: {  	_ = 	snop  }
0x3b4: {  	[spmem:s4] =	stream.indirect.scatter.add.f32 [tilespmem:s20], [sflag:$0x4], $0x10, s9, s24, $0xb8;
	[tilespmem:$0x1CD00] =	vst v63  }
0x3b5: {  	_ =	swait.ge [sflag:s29], $0x2000  }
0x3b6: {  	[sflag:s29] =	ssyncset.done $0x0  }
0x3b7: {  	[sflag:s29] =	ssyncadd.s32 $0xFFFFE000  }
0x3b8: {  	_ =	swait.ge [sflag:s21], $0x800  }
0x3b9: {  	[sflag:s21] =	ssyncset.done $0x0  }
0x3ba: {  	[sflag:s21] =	ssyncadd.s32 $0xFFFFF800  }
0x3bb: {  	_ =	swait.ge [sflag:s21], $0x800  }
0x3bc: {  	[sflag:s21] =	ssyncset.done $0x0  }
0x3bd: {  	[sflag:s21] =	ssyncadd.s32 $0xFFFFF800  }
0x3be: {  	_ =	swait.ge [sflag:s21], $0x800  }
0x3bf: {  	[sflag:s21] =	ssyncset.done $0x0  }
0x3c0: {  	[sflag:s21] =	ssyncadd.s32 $0xFFFFF800  }
0x3c1: {  	_ =	swait.ge [sflag:s21], $0x800  }
0x3c2: {  	[sflag:s21] =	ssyncset.done $0x0  }
0x3c3: {  	[sflag:s21] =	ssyncadd.s32 $0xFFFFF800  }
0x3c4: {  	_ =	swait.ge [sflag:s21], $0x800  }
0x3c5: {  	[sflag:s21] =	ssyncset.done $0x0  }
0x3c6: {  	[sflag:s21] =	ssyncadd.s32 $0xFFFFF800  }
0x3c7: {  	_ =	swait.ge [sflag:s21], $0x800  }
0x3c8: {  	[sflag:s21] =	ssyncset.done $0x0  }
0x3c9: {  	[sflag:s21] =	ssyncadd.s32 $0xFFFFF800  }
0x3ca: {  	_ =	swait.ge [sflag:s21], $0x800  }
0x3cb: {  	[sflag:s21] =	ssyncset.done $0x0  }
0x3cc: {  	[sflag:s21] =	ssyncadd.s32 $0xFFFFF800  }
0x3cd: {  	_ =	swait.ge [sflag:s21], $0x800  }
0x3ce: {  	[sflag:s21] =	ssyncset.done $0x0  }
0x3cf: {  	[sflag:s21] =	ssyncadd.s32 $0xFFFFF800  }
0x3d0: {  	_ =	swait.ge [sflag:s21], $0x800  }
0x3d1: {  	[sflag:s21] =	ssyncset.done $0x0  }
0x3d2: {  	[sflag:s21] =	ssyncadd.s32 $0xFFFFF800  }
0x3d3: {  	_ =	swait.ge [sflag:s21], $0x800  }
0x3d4: {  	[sflag:s21] =	ssyncset.done $0x0  }
0x3d5: {  	[sflag:s21] =	ssyncadd.s32 $0xFFFFF800  }
0x3d6: {  	_ =	swait.ge [sflag:s21], $0x800  }
0x3d7: {  	[sflag:s21] =	ssyncset.done $0x0  }
0x3d8: {  	[sflag:s21] =	ssyncadd.s32 $0xFFFFF800  }
0x3d9: {  	_ =	swait.ge [sflag:s21], $0x800  }
0x3da: {  	[sflag:s21] =	ssyncset.done $0x0  }
0x3db: {  	[sflag:s21] =	ssyncadd.s32 $0xFFFFF800  }
0x3dc: {  	_ =	swait.ge [sflag:s21], $0x800  }
0x3dd: {  	[sflag:s21] =	ssyncset.done $0x0  }
0x3de: {  	[sflag:s21] =	ssyncadd.s32 $0xFFFFF800  }
0x3df: {  	_ =	swait.ge [sflag:s21], $0x800  }
0x3e0: {  	[sflag:s21] =	ssyncset.done $0x0  }
0x3e1: {  	[sflag:s21] =	ssyncadd.s32 $0xFFFFF800  }
0x3e2: {  	_ =	swait.ge [sflag:s21], $0x800  }
0x3e3: {  	[sflag:s21] =	ssyncset.done $0x0  }
0x3e4: {  	[sflag:s21] =	ssyncadd.s32 $0xFFFFF800  }
0x3e5: {  	_ =	swait.ge [sflag:s21], $0x800  }
0x3e6: {  	[sflag:s21] =	ssyncset.done $0x0  }
0x3e7: {  	[sflag:s21] =	ssyncadd.s32 $0xFFFFF800  }
0x3e8: {  	_ =	swait.ge [sflag:s21], $0x800  }
0x3e9: {  	[sflag:s21] =	ssyncset.done $0x0  }
0x3ea: {  	[sflag:s21] =	ssyncadd.s32 $0xFFFFF800  }
0x3eb: {  	_ =	swait.ge [sflag:s21], $0x800  }
0x3ec: {  	[sflag:s21] =	ssyncset.done $0x0  }
0x3ed: {  	[sflag:s21] =	ssyncadd.s32 $0xFFFFF800  }
0x3ee: {  	_ =	swait.ge [sflag:s21], $0x800  }
0x3ef: {  	[sflag:s21] =	ssyncset.done $0x0  }
0x3f0: {  	[sflag:s21] =	ssyncadd.s32 $0xFFFFF800  }
0x3f1: {  	_ =	swait.ge [sflag:s21], $0x800  }
0x3f2: {  	[sflag:s21] =	ssyncset.done $0x0  }
0x3f3: {  	[sflag:s21] =	ssyncadd.s32 $0xFFFFF800  }
0x3f4: {  	_ =	swait.ge [sflag:s21], $0x800  }
0x3f5: {  	[sflag:s21] =	ssyncset.done $0x0  }
0x3f6: {  	[sflag:s21] =	ssyncadd.s32 $0xFFFFF800  }
0x3f7: {  	_ =	swait.ge [sflag:s21], $0x800  }
0x3f8: {  	[sflag:s21] =	ssyncset.done $0x0  }
0x3f9: {  	[sflag:s21] =	ssyncadd.s32 $0xFFFFF800  }
0x3fa: {  	_ =	swait.ge [sflag:s21], $0x800  }
0x3fb: {  	[sflag:s21] =	ssyncset.done $0x0  }
0x3fc: {  	[sflag:s21] =	ssyncadd.s32 $0xFFFFF800  }
0x3fd: {  	_ =	swait.ge [sflag:s21], $0x800  }
0x3fe: {  	[sflag:s21] =	ssyncset.done $0x0  }
0x3ff: {  	[sflag:s21] =	ssyncadd.s32 $0xFFFFF800  }
0x400: {  	_ =	swait.ge [sflag:s21], $0x800  }
0x401: {  	[sflag:s21] =	ssyncset.done $0x0  }
0x402: {  	[sflag:s21] =	ssyncadd.s32 $0xFFFFF800  }
0x403: {  	_ =	swait.ge [sflag:s21], $0x800  }
0x404: {  	[sflag:s21] =	ssyncset.done $0x0  }
0x405: {  	[sflag:s21] =	ssyncadd.s32 $0xFFFFF800  }
0x406: {  	_ =	swait.ge [sflag:s21], $0x800  }
0x407: {  	[sflag:s21] =	ssyncset.done $0x0  }
0x408: {  	[sflag:s21] =	ssyncadd.s32 $0xFFFFF800  }
0x409: {  	_ =	swait.ge [sflag:s21], $0x800  }
0x40a: {  	[sflag:s21] =	ssyncset.done $0x0  }
0x40b: {  	[sflag:s21] =	ssyncadd.s32 $0xFFFFF800  }
0x40c: {  	_ =	swait.ge [sflag:s21], $0x800  }
0x40d: {  	[sflag:s21] =	ssyncset.done $0x0  }
0x40e: {  	[sflag:s21] =	ssyncadd.s32 $0xFFFFF800  }
0x40f: {  	_ =	swait.ge [sflag:s21], $0x800  }
0x410: {  	[sflag:s21] =	ssyncset.done $0x0  }
0x411: {  	[sflag:s21] =	ssyncadd.s32 $0xFFFFF800  }
0x412: {  	_ =	swait.ge [sflag:s21], $0x800  }
0x413: {  	[sflag:s21] =	ssyncset.done $0x0  }
0x414: {  	[sflag:s21] =	ssyncadd.s32 $0xFFFFF800  }
0x415: {  	_ =	swait.ge [sflag:s21], $0x800  }
0x416: {  	[sflag:s21] =	ssyncset.done $0x0  }
0x417: {  	[sflag:s21] =	ssyncadd.s32 $0xFFFFF800  }
0x418: {  	[bflag:$0x0] =	sbarrier.arrive $0xFFFF  }
0x419: {  	s23 =	sld [smem:$0x7FB]  }
0x41a: {  	s6 =	sld [smem:$0x7E9]  }
0x41b: {  	s1 =	sld [smem:$0x7FC];
	_ =	sdelay $0x2  }
0x41c: {  	[hbm:s6], [sflag:s23] =	dma.local [spmem:s1], $0x13C0  }
0x41d: {  	_ =	swait.ge [sflag:s18], $0x13C0  }
0x41e: {  	s8 =	sld [smem:$0x7EB]  }
0x41f: {  	s6 =	sld [smem:$0x7FD]  }
0x420: {  	[sflag:s18] =	ssyncset.done $0x0  }
0x421: {  	[sflag:s18] =	ssyncadd.s32 $0xFFFFEC40  }
0x422: {  	[hbm:s8], [sflag:s23] =	dma.local [spmem:s6], $0x4F0  }
0x423: {  	_ =	swait.ge [sflag:s18], $0x4F0  }
0x424: {  	s31 =	sld [smem:$0x7ED]  }
0x425: {  	s8 =	sld [smem:$0x7DD]  }
0x426: {  	[sflag:s18] =	ssyncset.done $0x0  }
0x427: {  	[sflag:s18] =	ssyncadd.s32 $0xFFFFFB10  }
0x428: {  	[hbm:s31], [sflag:s23] =	dma.local [spmem:s8], $0x4F0  }
0x429: {  	_ =	swait.ge [sflag:s18], $0x4F0  }
0x42a: {  	s0 =	sld [smem:$0x7DC]  }
0x42b: {  	s31 =	sld [smem:$0x7EF];
	_ =	sdelay $0x1  }
0x42c: {  	s8 =	sadd.s32 $0x1, s0  }
0x42d: {  	p0 =	sne.s32 s8, s31  }
.Ltmp1:
0x42e: {  	_ = 	snop;
	(pc) =	sbr.rel @p0 .LBB2_1-.Ltmp1, $3  }
0x42f: {  	_ =	sdelay $0x1  }
0x430: {  	[sflag:s18] =	ssyncset.done $0x0  }
0x431: {  	[sflag:s18] =	ssyncadd.s32 $0xFFFFFB10  }
0x432: {  	_ =	sfence.sel $0x180000  }
0x433: {  	[bflag:$0x0] =	sbarrier.arrive $0xFFFF  }
0x434: {  	_ =	strace $0x90000047  }
0x435: {  	s0 =	stileid.u32;
	[bflag:$0x2] =	sbarrier.arrive $0xFFFF  }
0x436: {  	p0 =	sne.s32 s0, $0x0;
	s0 =	rddreg [dreg:$0x5]  }
0x437: {  	s0 =	sadd.s32 @!p0 $0x100000, s0  }
0x438: {  	[sflag:s0] =	ssyncadd.tile.s32 @!p0 $0x1;
	_ =	shalt  }
.Lfunc_end2:
_tile_overlayer_lowered:
.L_overlay_start_2:
0x439: {  	(tag) =	ssettag $0x2  }
0x43a: {  	s0 =	rddreg [dreg:$0x0];
	s2 =	stileid.u32  }
0x43b: {  	s1 =	rddreg [dreg:$0x1];
	p0 =	sne.s32 s2, $0x0  }
0x43c: {  	s3 =	rddreg [dreg:$0x2];
	[bflag:$0x3] =	sbarrier.arrive $0xFFFF;
	s2 =	simm.s32 @!p0 $0x1C05  }
0x43d: {  	[timem:s3], [sflag:s2] =	dma.local @!p0 [hbm:s0], s1  }
0x43e: {  	s0 =	simm.s32 @!p0 $0x5  }
0x43f: {  	_ =	swait.ge @!p0 [sflag:s0], s1  }
0x440: {  	s1 =	ssub.s32 @!p0 $0x0, s1;
	[sflag:s0] =	ssyncset.done @!p0 $0x0  }
0x441: {  	[sflag:s0] =	ssyncadd.s32 @!p0 s1  }
0x442: {  	[bflag:$0x3] =	sbarrier.arrive $0xFFFF  }
0x443: {  	_ =	shalt  }

</sc_bundles>
